<compile_context>
chip_gen: v7x
topology: tpu7x:2x2x1
jax: 0.10.2.dev20260603
libtpu: 0.0.44.dev20260713+nightly
codegen_flags: <defaults>
</compile_context>

<pallas_src>
import functools

import numpy as np
import jax
import jax.numpy as jnp
from jax import lax
from jax.experimental import pallas as pl
from jax.experimental.pallas import tpu as pltpu
from jax.experimental.pallas import tpu_sc as plsc

_NW = 32
_NSC = 16
_L = 16
_NVEC = 25
_CHUNK = _L * _NVEC
_NBUF = 2


def _pos_encoding(max_pos, embed_dim):
    pos = np.arange(max_pos)[:, np.newaxis].astype(np.float32)
    i = np.arange(embed_dim)[np.newaxis, :].astype(np.float32)
    angle_rates = 1.0 / np.power(10000, 2 * (i // 2) / np.float32(embed_dim))
    angle_rads = pos * angle_rates
    angle_rads[:, 0::2] = np.sin(angle_rads[:, 0::2])
    angle_rads[:, 1::2] = np.cos(angle_rads[:, 1::2])
    return angle_rads


def kernel(x_in, table):
    B, S = x_in.shape
    V, D = table.shape
    total = B * S
    n_chunks = total // _CHUNK
    per_w = n_chunks // _NW
    rows_per_sc = V // _NSC

    idx3 = x_in.reshape(n_chunks, _NVEC, _L).astype(jnp.int32)
    tmpl_np = np.tile(_pos_encoding(S, D), (_CHUNK // S, 1))
    tmpl = jnp.asarray(tmpl_np, dtype=jnp.float32)

    mesh = plsc.VectorSubcoreMesh(core_axis_name="c", subcore_axis_name="s")

    @functools.partial(
        pl.kernel,
        mesh=mesh,
        compiler_params=pltpu.CompilerParams(use_tc_tiling_on_sc=False),
        out_type=jax.ShapeDtypeStruct((n_chunks, _CHUNK, D), jnp.float32),
        scratch_types=[
            [pltpu.VMEM((_NVEC, _L), jnp.int32) for _ in range(_NBUF)],
            [pltpu.VMEM((_CHUNK, D), jnp.float32) for _ in range(_NBUF)],
            pltpu.VMEM((_CHUNK, D), jnp.float32),
            pltpu.VMEM_SHARED((V, D), jnp.float32),
            [pltpu.SemaphoreType.DMA for _ in range(_NBUF)],
            [pltpu.SemaphoreType.DMA for _ in range(_NBUF)],
            [pltpu.SemaphoreType.DMA for _ in range(_NBUF)],
            pltpu.SemaphoreType.DMA,
        ],
    )
    def k(idx_hbm, table_hbm, tmpl_hbm, out_hbm,
          idx_v, buf_v, tmpl_v, table_s, sem_i, sem_g, sem_w, sem_t):
        sid = lax.axis_index("s")
        wid = sid * 2 + lax.axis_index("c")
        base = wid * per_w

        pltpu.async_copy(tmpl_hbm, tmpl_v, sem_t)
        row0 = sid * rows_per_sc
        pltpu.sync_copy(table_hbm.at[pl.ds(row0, rows_per_sc)],
                        table_s.at[pl.ds(row0, rows_per_sc)])
        pltpu.make_async_copy(tmpl_hbm, tmpl_v, sem_t).wait()
        plsc.subcore_barrier()

        def start_stage(c, p):
            pltpu.async_copy(idx_hbm.at[base + c], idx_v[p], sem_i[p])

        def fire_gathers(p):
            pltpu.make_async_copy(idx_hbm.at[base], idx_v[p], sem_i[p]).wait()
            descs = []
            for j in range(_NVEC):
                iv = idx_v[p][j]
                descs.append(pltpu.async_copy(
                    table_s.at[iv], buf_v[p].at[pl.ds(j * _L, _L)],
                    sem_g[p],
                ))
            return descs

        def drain_gathers(p):
            pltpu.make_async_copy(
                table_hbm.at[pl.ds(0, _CHUNK)], buf_v[p], sem_g[p]).wait()

        def finish_stage(c, p):
            drain_gathers(p)
            buf = buf_v[p]

            @plsc.parallel_loop(0, _CHUNK, 1, unroll=8)
            def _(r):
                buf[r] = buf[r] + tmpl_v[r]

            pltpu.async_copy(buf, out_hbm.at[base + c], sem_w[p])

        def wait_wb(p):
            pltpu.make_async_copy(buf_v[p], out_hbm.at[base], sem_w[p]).wait()

        n_rounds = per_w // _NBUF

        for p in range(_NBUF):
            start_stage(p, p)
        for p in range(_NBUF):
            fire_gathers(p)
            start_stage(p + _NBUF, p)

        def body(g, _):
            c0 = g * _NBUF
            for p in range(_NBUF):
                finish_stage(c0 + p, p)

                @pl.when(g < n_rounds - 1)
                def _(p=p):
                    wait_wb(p)
                    fire_gathers(p)

                @pl.when(g < n_rounds - 2)
                def _(p=p):
                    start_stage(c0 + p + 2 * _NBUF, p)

            return 0

        lax.fori_loop(0, n_rounds, body, 0)
        for p in range(_NBUF):
            wait_wb(p)

    out = k(idx3, table, tmpl)
    return out.reshape(B, S, D)

# --- scband reference (transcript-rebuilt; emitter-appended) ---
"""Pipeline reference for scband-notes-embedder-38981123178938 (READ-ONLY COPY).

The authoritative reference and input builder live on the scoring server;
editing this copy changes nothing except your own understanding.
"""

import jax, jax.numpy as jnp
import numpy as np

NOTES_POOL_SIZE = 100000
MAX_POS = 200
EMBED_DIM = 16


def positional_encoding(max_pos, embed_dim):
    pos = np.arange(max_pos)[:, np.newaxis].astype(np.float32)
    i = np.arange(embed_dim)[np.newaxis, :].astype(np.float32)
    angle_rates = 1.0 / np.power(10000, 2 * (i // 2) / np.float32(embed_dim))
    angle_rads = pos * angle_rates
    angle_rads[:, 0::2] = np.sin(angle_rads[:, 0::2])
    angle_rads[:, 1::2] = np.cos(angle_rads[:, 1::2])
    return jnp.asarray(angle_rads[np.newaxis, ...], dtype=jnp.float32)


def setup_inputs(seed: int = 0) -> dict:
    key = jax.random.key(seed)
    k1, k2 = jax.random.split(key)
    x_in = jax.random.randint(k1, (4096, 200), 0, NOTES_POOL_SIZE, dtype=jnp.int64 if jax.config.jax_enable_x64 else jnp.int32)
    table = jax.random.normal(k2, (NOTES_POOL_SIZE, EMBED_DIM), dtype=jnp.float32) * 0.05
    return {"x_in": x_in, "table": table}


def reference(x_in, table):
    # embedding lookup (SparseCore gather)
    notes_emb = jnp.take(table, x_in, axis=0)  # [B, S, D]
    pos_emb = positional_encoding(MAX_POS, EMBED_DIM)  # [1, MAX_POS, D]
    seq_len = x_in.shape[1]
    combine = notes_emb + pos_emb[:, :seq_len, :]
    # Dropout layer is invoked without training=True -> identity at inference
    return combine

if __name__ == "__main__":
    import jax
    _d = setup_inputs()
    print(jax.jit(kernel)(*tuple(_d.values())))

</pallas_src>

<mosaic_0001>
#map = affine_map<(d0, d1) -> (0, 0, 0)>
#map1 = affine_map<(d0, d1) -> (0, 0)>
module attributes {stable_mosaic.version = 14 : i64} {
  func.func @k(%arg0: i32, %arg1: i32, %arg2: memref<2048x25x16xi32, #tpu.memory_space<hbm>>, %arg3: memref<100000x16xf32, #tpu.memory_space<hbm>>, %arg4: memref<400x16xf32, #tpu.memory_space<hbm>>, %arg5: memref<2048x400x16xf32, #tpu.memory_space<hbm>>, %arg6: memref<25x16xi32, #tpu.memory_space<vmem>>, %arg7: memref<25x16xi32, #tpu.memory_space<vmem>>, %arg8: memref<400x16xf32, #tpu.memory_space<vmem>>, %arg9: memref<400x16xf32, #tpu.memory_space<vmem>>, %arg10: memref<400x16xf32, #tpu.memory_space<vmem>>, %arg11: memref<100000x16xf32, #tpu.memory_space<vmem_shared>>, %arg12: memref<!tpu.dma_semaphore, #tpu.memory_space<semaphore_mem>>, %arg13: memref<!tpu.dma_semaphore, #tpu.memory_space<semaphore_mem>>, %arg14: memref<!tpu.dma_semaphore, #tpu.memory_space<semaphore_mem>>, %arg15: memref<!tpu.dma_semaphore, #tpu.memory_space<semaphore_mem>>, %arg16: memref<!tpu.dma_semaphore, #tpu.memory_space<semaphore_mem>>, %arg17: memref<!tpu.dma_semaphore, #tpu.memory_space<semaphore_mem>>, %arg18: memref<!tpu.dma_semaphore, #tpu.memory_space<semaphore_mem>>) attributes {dimension_semantics = [#tpu.dimension_semantics<core_parallel>, #tpu.dimension_semantics<subcore_parallel>], iteration_bounds = array<i64: 2, 16>, scalar_prefetch = 0 : i64, scratch_operands = 13 : i64, tpu.core_type = #tpu.core_type<sc_vector_subcore>, window_params = [{transform_indices = #map}, {transform_indices = #map1}, {transform_indices = #map1}, {transform_indices = #map}]} {
    %mul3A = arith.constant 2 : i32
    %mul3A_0 = arith.muli %arg1, %mul3A : i32
    %add3A = arith.addi %mul3A_0, %arg0 : i32
    %mul3A_1 = arith.constant 64 : i32
    %mul3A_2 = arith.muli %add3A, %mul3A_1 : i32
    tpu.enqueue_dma source(%arg4 : memref<400x16xf32, #tpu.memory_space<hbm>>) target(%arg10 : memref<400x16xf32, #tpu.memory_space<vmem>>) target_semaphore(%arg18 : memref<!tpu.dma_semaphore, #tpu.memory_space<semaphore_mem>>)
    %mul3A_3 = arith.constant 6250 : i32
    %mul3A_4 = arith.muli %arg1, %mul3A_3 : i32
    "tpu.region"() ({
      %run_scoped3A = tpu.sem_alloc : memref<!tpu.dma_semaphore, #tpu.memory_space<semaphore_mem>>
      %dma_start3A_630 = arith.constant 0 : i32
      %dma_start3A_631 = tpu.memref_slice %arg11[%mul3A_4, %dma_start3A_630] : memref<100000x16xf32, #tpu.memory_space<vmem_shared>> -> memref<6250x16xf32, #tpu.memory_space<vmem_shared>>
      %dma_start3A_632 = arith.constant 0 : i32
      %dma_start3A_633 = tpu.memref_slice %arg3[%mul3A_4, %dma_start3A_632] : memref<100000x16xf32, #tpu.memory_space<hbm>> -> memref<6250x16xf32, #tpu.memory_space<hbm>>
      tpu.enqueue_dma source(%dma_start3A_633 : memref<6250x16xf32, #tpu.memory_space<hbm>>) target(%dma_start3A_631 : memref<6250x16xf32, #tpu.memory_space<vmem_shared>>) target_semaphore(%run_scoped3A : memref<!tpu.dma_semaphore, #tpu.memory_space<semaphore_mem>>)
      %dma_wait3A_634 = arith.constant 0 : i32
      %dma_wait3A_635 = tpu.memref_slice %arg11[%mul3A_4, %dma_wait3A_634] : memref<100000x16xf32, #tpu.memory_space<vmem_shared>> -> memref<6250x16xf32, #tpu.memory_space<vmem_shared>>
      %dma_wait3A_636 = arith.constant 0 : i32
      %dma_wait3A_637 = tpu.memref_slice %arg3[%mul3A_4, %dma_wait3A_636] : memref<100000x16xf32, #tpu.memory_space<hbm>> -> memref<6250x16xf32, #tpu.memory_space<hbm>>
      tpu.wait_dma2 semaphore(%run_scoped3A : memref<!tpu.dma_semaphore, #tpu.memory_space<semaphore_mem>>) src(%dma_wait3A_637 : memref<6250x16xf32, #tpu.memory_space<hbm>>) dst(%dma_wait3A_635 : memref<6250x16xf32, #tpu.memory_space<vmem_shared>>)
      tpu.yield
    }) : () -> ()
    tpu.wait_dma2 semaphore(%arg18 : memref<!tpu.dma_semaphore, #tpu.memory_space<semaphore_mem>>) src(%arg4 : memref<400x16xf32, #tpu.memory_space<hbm>>) dst(%arg10 : memref<400x16xf32, #tpu.memory_space<vmem>>)
    %barrier3A = arith.constant 0 : index
    tpu.barrier barrier_id(%barrier3A)
    %add3A_5 = arith.constant 0 : i32
    %add3A_6 = arith.addi %mul3A_2, %add3A_5 : i32
    %dma_start3A = arith.constant 0 : i32
    %dma_start3A_7 = arith.constant 0 : i32
    %dma_start3A_8 = tpu.memref_slice %arg2[%add3A_6, %dma_start3A, %dma_start3A_7] : memref<2048x25x16xi32, #tpu.memory_space<hbm>> -> memref<1x25x16xi32, #tpu.memory_space<hbm>>
    %dma_start3A_9 = tpu.memref_squeeze %dma_start3A_8 : memref<1x25x16xi32, #tpu.memory_space<hbm>> -> memref<25x16xi32, #tpu.memory_space<hbm>>
    %dma_start3A_10 = arith.constant 0 : i32
    %dma_start3A_11 = arith.constant 0 : i32
    %dma_start3A_12 = tpu.memref_slice %arg2[%add3A_6, %dma_start3A_10, %dma_start3A_11] : memref<2048x25x16xi32, #tpu.memory_space<hbm>> -> memref<1x25x16xi32, #tpu.memory_space<hbm>>
    %dma_start3A_13 = tpu.memref_squeeze %dma_start3A_12 : memref<1x25x16xi32, #tpu.memory_space<hbm>> -> memref<25x16xi32, #tpu.memory_space<hbm>>
    tpu.enqueue_dma source(%dma_start3A_13 : memref<25x16xi32, #tpu.memory_space<hbm>>) target(%arg6 : memref<25x16xi32, #tpu.memory_space<vmem>>) target_semaphore(%arg12 : memref<!tpu.dma_semaphore, #tpu.memory_space<semaphore_mem>>)
    %add3A_14 = arith.constant 1 : i32
    %add3A_15 = arith.addi %mul3A_2, %add3A_14 : i32
    %dma_start3A_16 = arith.constant 0 : i32
    %dma_start3A_17 = arith.constant 0 : i32
    %dma_start3A_18 = tpu.memref_slice %arg2[%add3A_15, %dma_start3A_16, %dma_start3A_17] : memref<2048x25x16xi32, #tpu.memory_space<hbm>> -> memref<1x25x16xi32, #tpu.memory_space<hbm>>
    %dma_start3A_19 = tpu.memref_squeeze %dma_start3A_18 : memref<1x25x16xi32, #tpu.memory_space<hbm>> -> memref<25x16xi32, #tpu.memory_space<hbm>>
    %dma_start3A_20 = arith.constant 0 : i32
    %dma_start3A_21 = arith.constant 0 : i32
    %dma_start3A_22 = tpu.memref_slice %arg2[%add3A_15, %dma_start3A_20, %dma_start3A_21] : memref<2048x25x16xi32, #tpu.memory_space<hbm>> -> memref<1x25x16xi32, #tpu.memory_space<hbm>>
    %dma_start3A_23 = tpu.memref_squeeze %dma_start3A_22 : memref<1x25x16xi32, #tpu.memory_space<hbm>> -> memref<25x16xi32, #tpu.memory_space<hbm>>
    tpu.enqueue_dma source(%dma_start3A_23 : memref<25x16xi32, #tpu.memory_space<hbm>>) target(%arg7 : memref<25x16xi32, #tpu.memory_space<vmem>>) target_semaphore(%arg13 : memref<!tpu.dma_semaphore, #tpu.memory_space<semaphore_mem>>)
    %dma_wait3A = arith.constant 0 : i32
    %dma_wait3A_24 = arith.constant 0 : i32
    %dma_wait3A_25 = tpu.memref_slice %arg2[%mul3A_2, %dma_wait3A, %dma_wait3A_24] : memref<2048x25x16xi32, #tpu.memory_space<hbm>> -> memref<1x25x16xi32, #tpu.memory_space<hbm>>
    %dma_wait3A_26 = tpu.memref_squeeze %dma_wait3A_25 : memref<1x25x16xi32, #tpu.memory_space<hbm>> -> memref<25x16xi32, #tpu.memory_space<hbm>>
    %dma_wait3A_27 = arith.constant 0 : i32
    %dma_wait3A_28 = arith.constant 0 : i32
    %dma_wait3A_29 = tpu.memref_slice %arg2[%mul3A_2, %dma_wait3A_27, %dma_wait3A_28] : memref<2048x25x16xi32, #tpu.memory_space<hbm>> -> memref<1x25x16xi32, #tpu.memory_space<hbm>>
    %dma_wait3A_30 = tpu.memref_squeeze %dma_wait3A_29 : memref<1x25x16xi32, #tpu.memory_space<hbm>> -> memref<25x16xi32, #tpu.memory_space<hbm>>
    tpu.wait_dma2 semaphore(%arg12 : memref<!tpu.dma_semaphore, #tpu.memory_space<semaphore_mem>>) src(%dma_wait3A_30 : memref<25x16xi32, #tpu.memory_space<hbm>>) dst(%arg6 : memref<25x16xi32, #tpu.memory_space<vmem>>)
    %get3A = arith.constant 0 : i32
    %get3A_31 = arith.index_cast %get3A : i32 to index
    %get3A_32 = arith.constant 0 : index
    %get3A_33 = tpu.vector_load %arg6[%get3A_31, %get3A_32] {strides = array<i32>} : memref<25x16xi32, #tpu.memory_space<vmem>>, vector<1x16xi32>,
    %get3A_34 = vector.shape_cast %get3A_33 : vector<1x16xi32> to vector<16xi32>
    %dma_start3A_35 = arith.constant 0 : i32
    %dma_start3A_36 = arith.constant 0 : i32
    %dma_start3A_37 = tpu.memref_slice %arg8[%dma_start3A_35, %dma_start3A_36] : memref<400x16xf32, #tpu.memory_space<vmem>> -> memref<16x16xf32, #tpu.memory_space<vmem>>
    %dma_start3A_38 = arith.constant 0 : i32
    %dma_start3A_39 = arith.constant 0 : i32
    %dma_start3A_40 = tpu.memref_slice %arg11[%dma_start3A_38, %dma_start3A_39] : memref<100000x16xf32, #tpu.memory_space<vmem_shared>> -> memref<100000x16xf32, #tpu.memory_space<vmem_shared>>
    tpu.enqueue_indirect_dma source(%dma_start3A_40 : memref<100000x16xf32, #tpu.memory_space<vmem_shared>>) target(%dma_start3A_37 : memref<16x16xf32, #tpu.memory_space<vmem>>) offsets(%get3A_34 : vector<16xi32>) semaphore(%arg14 : memref<!tpu.dma_semaphore, #tpu.memory_space<semaphore_mem>>)
    %get3A_41 = arith.constant 1 : i32
    %get3A_42 = arith.index_cast %get3A_41 : i32 to index
    %get3A_43 = arith.constant 0 : index
    %get3A_44 = tpu.vector_load %arg6[%get3A_42, %get3A_43] {strides = array<i32>} : memref<25x16xi32, #tpu.memory_space<vmem>>, vector<1x16xi32>,
    %get3A_45 = vector.shape_cast %get3A_44 : vector<1x16xi32> to vector<16xi32>
    %dma_start3A_46 = arith.constant 16 : i32
    %dma_start3A_47 = arith.constant 0 : i32
    %dma_start3A_48 = tpu.memref_slice %arg8[%dma_start3A_46, %dma_start3A_47] : memref<400x16xf32, #tpu.memory_space<vmem>> -> memref<16x16xf32, #tpu.memory_space<vmem>>
    %dma_start3A_49 = arith.constant 0 : i32
    %dma_start3A_50 = arith.constant 0 : i32
    %dma_start3A_51 = tpu.memref_slice %arg11[%dma_start3A_49, %dma_start3A_50] : memref<100000x16xf32, #tpu.memory_space<vmem_shared>> -> memref<100000x16xf32, #tpu.memory_space<vmem_shared>>
    tpu.enqueue_indirect_dma source(%dma_start3A_51 : memref<100000x16xf32, #tpu.memory_space<vmem_shared>>) target(%dma_start3A_48 : memref<16x16xf32, #tpu.memory_space<vmem>>) offsets(%get3A_45 : vector<16xi32>) semaphore(%arg14 : memref<!tpu.dma_semaphore, #tpu.memory_space<semaphore_mem>>)
    %get3A_52 = arith.constant 2 : i32
    %get3A_53 = arith.index_cast %get3A_52 : i32 to index
    %get3A_54 = arith.constant 0 : index
    %get3A_55 = tpu.vector_load %arg6[%get3A_53, %get3A_54] {strides = array<i32>} : memref<25x16xi32, #tpu.memory_space<vmem>>, vector<1x16xi32>,
    %get3A_56 = vector.shape_cast %get3A_55 : vector<1x16xi32> to vector<16xi32>
    %dma_start3A_57 = arith.constant 32 : i32
    %dma_start3A_58 = arith.constant 0 : i32
    %dma_start3A_59 = tpu.memref_slice %arg8[%dma_start3A_57, %dma_start3A_58] : memref<400x16xf32, #tpu.memory_space<vmem>> -> memref<16x16xf32, #tpu.memory_space<vmem>>
    %dma_start3A_60 = arith.constant 0 : i32
    %dma_start3A_61 = arith.constant 0 : i32
    %dma_start3A_62 = tpu.memref_slice %arg11[%dma_start3A_60, %dma_start3A_61] : memref<100000x16xf32, #tpu.memory_space<vmem_shared>> -> memref<100000x16xf32, #tpu.memory_space<vmem_shared>>
    tpu.enqueue_indirect_dma source(%dma_start3A_62 : memref<100000x16xf32, #tpu.memory_space<vmem_shared>>) target(%dma_start3A_59 : memref<16x16xf32, #tpu.memory_space<vmem>>) offsets(%get3A_56 : vector<16xi32>) semaphore(%arg14 : memref<!tpu.dma_semaphore, #tpu.memory_space<semaphore_mem>>)
    %get3A_63 = arith.constant 3 : i32
    %get3A_64 = arith.index_cast %get3A_63 : i32 to index
    %get3A_65 = arith.constant 0 : index
    %get3A_66 = tpu.vector_load %arg6[%get3A_64, %get3A_65] {strides = array<i32>} : memref<25x16xi32, #tpu.memory_space<vmem>>, vector<1x16xi32>,
    %get3A_67 = vector.shape_cast %get3A_66 : vector<1x16xi32> to vector<16xi32>
    %dma_start3A_68 = arith.constant 48 : i32
    %dma_start3A_69 = arith.constant 0 : i32
    %dma_start3A_70 = tpu.memref_slice %arg8[%dma_start3A_68, %dma_start3A_69] : memref<400x16xf32, #tpu.memory_space<vmem>> -> memref<16x16xf32, #tpu.memory_space<vmem>>
    %dma_start3A_71 = arith.constant 0 : i32
    %dma_start3A_72 = arith.constant 0 : i32
    %dma_start3A_73 = tpu.memref_slice %arg11[%dma_start3A_71, %dma_start3A_72] : memref<100000x16xf32, #tpu.memory_space<vmem_shared>> -> memref<100000x16xf32, #tpu.memory_space<vmem_shared>>
    tpu.enqueue_indirect_dma source(%dma_start3A_73 : memref<100000x16xf32, #tpu.memory_space<vmem_shared>>) target(%dma_start3A_70 : memref<16x16xf32, #tpu.memory_space<vmem>>) offsets(%get3A_67 : vector<16xi32>) semaphore(%arg14 : memref<!tpu.dma_semaphore, #tpu.memory_space<semaphore_mem>>)
    %get3A_74 = arith.constant 4 : i32
    %get3A_75 = arith.index_cast %get3A_74 : i32 to index
    %get3A_76 = arith.constant 0 : index
    %get3A_77 = tpu.vector_load %arg6[%get3A_75, %get3A_76] {strides = array<i32>} : memref<25x16xi32, #tpu.memory_space<vmem>>, vector<1x16xi32>,
    %get3A_78 = vector.shape_cast %get3A_77 : vector<1x16xi32> to vector<16xi32>
    %dma_start3A_79 = arith.constant 64 : i32
    %dma_start3A_80 = arith.constant 0 : i32
    %dma_start3A_81 = tpu.memref_slice %arg8[%dma_start3A_79, %dma_start3A_80] : memref<400x16xf32, #tpu.memory_space<vmem>> -> memref<16x16xf32, #tpu.memory_space<vmem>>
    %dma_start3A_82 = arith.constant 0 : i32
    %dma_start3A_83 = arith.constant 0 : i32
    %dma_start3A_84 = tpu.memref_slice %arg11[%dma_start3A_82, %dma_start3A_83] : memref<100000x16xf32, #tpu.memory_space<vmem_shared>> -> memref<100000x16xf32, #tpu.memory_space<vmem_shared>>
    tpu.enqueue_indirect_dma source(%dma_start3A_84 : memref<100000x16xf32, #tpu.memory_space<vmem_shared>>) target(%dma_start3A_81 : memref<16x16xf32, #tpu.memory_space<vmem>>) offsets(%get3A_78 : vector<16xi32>) semaphore(%arg14 : memref<!tpu.dma_semaphore, #tpu.memory_space<semaphore_mem>>)
    %get3A_85 = arith.constant 5 : i32
    %get3A_86 = arith.index_cast %get3A_85 : i32 to index
    %get3A_87 = arith.constant 0 : index
    %get3A_88 = tpu.vector_load %arg6[%get3A_86, %get3A_87] {strides = array<i32>} : memref<25x16xi32, #tpu.memory_space<vmem>>, vector<1x16xi32>,
    %get3A_89 = vector.shape_cast %get3A_88 : vector<1x16xi32> to vector<16xi32>
    %dma_start3A_90 = arith.constant 80 : i32
    %dma_start3A_91 = arith.constant 0 : i32
    %dma_start3A_92 = tpu.memref_slice %arg8[%dma_start3A_90, %dma_start3A_91] : memref<400x16xf32, #tpu.memory_space<vmem>> -> memref<16x16xf32, #tpu.memory_space<vmem>>
    %dma_start3A_93 = arith.constant 0 : i32
    %dma_start3A_94 = arith.constant 0 : i32
    %dma_start3A_95 = tpu.memref_slice %arg11[%dma_start3A_93, %dma_start3A_94] : memref<100000x16xf32, #tpu.memory_space<vmem_shared>> -> memref<100000x16xf32, #tpu.memory_space<vmem_shared>>
    tpu.enqueue_indirect_dma source(%dma_start3A_95 : memref<100000x16xf32, #tpu.memory_space<vmem_shared>>) target(%dma_start3A_92 : memref<16x16xf32, #tpu.memory_space<vmem>>) offsets(%get3A_89 : vector<16xi32>) semaphore(%arg14 : memref<!tpu.dma_semaphore, #tpu.memory_space<semaphore_mem>>)
    %get3A_96 = arith.constant 6 : i32
    %get3A_97 = arith.index_cast %get3A_96 : i32 to index
    %get3A_98 = arith.constant 0 : index
    %get3A_99 = tpu.vector_load %arg6[%get3A_97, %get3A_98] {strides = array<i32>} : memref<25x16xi32, #tpu.memory_space<vmem>>, vector<1x16xi32>,
    %get3A_100 = vector.shape_cast %get3A_99 : vector<1x16xi32> to vector<16xi32>
    %dma_start3A_101 = arith.constant 96 : i32
    %dma_start3A_102 = arith.constant 0 : i32
    %dma_start3A_103 = tpu.memref_slice %arg8[%dma_start3A_101, %dma_start3A_102] : memref<400x16xf32, #tpu.memory_space<vmem>> -> memref<16x16xf32, #tpu.memory_space<vmem>>
    %dma_start3A_104 = arith.constant 0 : i32
    %dma_start3A_105 = arith.constant 0 : i32
    %dma_start3A_106 = tpu.memref_slice %arg11[%dma_start3A_104, %dma_start3A_105] : memref<100000x16xf32, #tpu.memory_space<vmem_shared>> -> memref<100000x16xf32, #tpu.memory_space<vmem_shared>>
    tpu.enqueue_indirect_dma source(%dma_start3A_106 : memref<100000x16xf32, #tpu.memory_space<vmem_shared>>) target(%dma_start3A_103 : memref<16x16xf32, #tpu.memory_space<vmem>>) offsets(%get3A_100 : vector<16xi32>) semaphore(%arg14 : memref<!tpu.dma_semaphore, #tpu.memory_space<semaphore_mem>>)
    %get3A_107 = arith.constant 7 : i32
    %get3A_108 = arith.index_cast %get3A_107 : i32 to index
    %get3A_109 = arith.constant 0 : index
    %get3A_110 = tpu.vector_load %arg6[%get3A_108, %get3A_109] {strides = array<i32>} : memref<25x16xi32, #tpu.memory_space<vmem>>, vector<1x16xi32>,
    %get3A_111 = vector.shape_cast %get3A_110 : vector<1x16xi32> to vector<16xi32>
    %dma_start3A_112 = arith.constant 112 : i32
    %dma_start3A_113 = arith.constant 0 : i32
    %dma_start3A_114 = tpu.memref_slice %arg8[%dma_start3A_112, %dma_start3A_113] : memref<400x16xf32, #tpu.memory_space<vmem>> -> memref<16x16xf32, #tpu.memory_space<vmem>>
    %dma_start3A_115 = arith.constant 0 : i32
    %dma_start3A_116 = arith.constant 0 : i32
    %dma_start3A_117 = tpu.memref_slice %arg11[%dma_start3A_115, %dma_start3A_116] : memref<100000x16xf32, #tpu.memory_space<vmem_shared>> -> memref<100000x16xf32, #tpu.memory_space<vmem_shared>>
    tpu.enqueue_indirect_dma source(%dma_start3A_117 : memref<100000x16xf32, #tpu.memory_space<vmem_shared>>) target(%dma_start3A_114 : memref<16x16xf32, #tpu.memory_space<vmem>>) offsets(%get3A_111 : vector<16xi32>) semaphore(%arg14 : memref<!tpu.dma_semaphore, #tpu.memory_space<semaphore_mem>>)
    %get3A_118 = arith.constant 8 : i32
    %get3A_119 = arith.index_cast %get3A_118 : i32 to index
    %get3A_120 = arith.constant 0 : index
    %get3A_121 = tpu.vector_load %arg6[%get3A_119, %get3A_120] {strides = array<i32>} : memref<25x16xi32, #tpu.memory_space<vmem>>, vector<1x16xi32>,
    %get3A_122 = vector.shape_cast %get3A_121 : vector<1x16xi32> to vector<16xi32>
    %dma_start3A_123 = arith.constant 128 : i32
    %dma_start3A_124 = arith.constant 0 : i32
    %dma_start3A_125 = tpu.memref_slice %arg8[%dma_start3A_123, %dma_start3A_124] : memref<400x16xf32, #tpu.memory_space<vmem>> -> memref<16x16xf32, #tpu.memory_space<vmem>>
    %dma_start3A_126 = arith.constant 0 : i32
    %dma_start3A_127 = arith.constant 0 : i32
    %dma_start3A_128 = tpu.memref_slice %arg11[%dma_start3A_126, %dma_start3A_127] : memref<100000x16xf32, #tpu.memory_space<vmem_shared>> -> memref<100000x16xf32, #tpu.memory_space<vmem_shared>>
    tpu.enqueue_indirect_dma source(%dma_start3A_128 : memref<100000x16xf32, #tpu.memory_space<vmem_shared>>) target(%dma_start3A_125 : memref<16x16xf32, #tpu.memory_space<vmem>>) offsets(%get3A_122 : vector<16xi32>) semaphore(%arg14 : memref<!tpu.dma_semaphore, #tpu.memory_space<semaphore_mem>>)
    %get3A_129 = arith.constant 9 : i32
    %get3A_130 = arith.index_cast %get3A_129 : i32 to index
    %get3A_131 = arith.constant 0 : index
    %get3A_132 = tpu.vector_load %arg6[%get3A_130, %get3A_131] {strides = array<i32>} : memref<25x16xi32, #tpu.memory_space<vmem>>, vector<1x16xi32>,
    %get3A_133 = vector.shape_cast %get3A_132 : vector<1x16xi32> to vector<16xi32>
    %dma_start3A_134 = arith.constant 144 : i32
    %dma_start3A_135 = arith.constant 0 : i32
    %dma_start3A_136 = tpu.memref_slice %arg8[%dma_start3A_134, %dma_start3A_135] : memref<400x16xf32, #tpu.memory_space<vmem>> -> memref<16x16xf32, #tpu.memory_space<vmem>>
    %dma_start3A_137 = arith.constant 0 : i32
    %dma_start3A_138 = arith.constant 0 : i32
    %dma_start3A_139 = tpu.memref_slice %arg11[%dma_start3A_137, %dma_start3A_138] : memref<100000x16xf32, #tpu.memory_space<vmem_shared>> -> memref<100000x16xf32, #tpu.memory_space<vmem_shared>>
    tpu.enqueue_indirect_dma source(%dma_start3A_139 : memref<100000x16xf32, #tpu.memory_space<vmem_shared>>) target(%dma_start3A_136 : memref<16x16xf32, #tpu.memory_space<vmem>>) offsets(%get3A_133 : vector<16xi32>) semaphore(%arg14 : memref<!tpu.dma_semaphore, #tpu.memory_space<semaphore_mem>>)
    %get3A_140 = arith.constant 10 : i32
    %get3A_141 = arith.index_cast %get3A_140 : i32 to index
    %get3A_142 = arith.constant 0 : index
    %get3A_143 = tpu.vector_load %arg6[%get3A_141, %get3A_142] {strides = array<i32>} : memref<25x16xi32, #tpu.memory_space<vmem>>, vector<1x16xi32>,
    %get3A_144 = vector.shape_cast %get3A_143 : vector<1x16xi32> to vector<16xi32>
    %dma_start3A_145 = arith.constant 160 : i32
    %dma_start3A_146 = arith.constant 0 : i32
    %dma_start3A_147 = tpu.memref_slice %arg8[%dma_start3A_145, %dma_start3A_146] : memref<400x16xf32, #tpu.memory_space<vmem>> -> memref<16x16xf32, #tpu.memory_space<vmem>>
    %dma_start3A_148 = arith.constant 0 : i32
    %dma_start3A_149 = arith.constant 0 : i32
    %dma_start3A_150 = tpu.memref_slice %arg11[%dma_start3A_148, %dma_start3A_149] : memref<100000x16xf32, #tpu.memory_space<vmem_shared>> -> memref<100000x16xf32, #tpu.memory_space<vmem_shared>>
    tpu.enqueue_indirect_dma source(%dma_start3A_150 : memref<100000x16xf32, #tpu.memory_space<vmem_shared>>) target(%dma_start3A_147 : memref<16x16xf32, #tpu.memory_space<vmem>>) offsets(%get3A_144 : vector<16xi32>) semaphore(%arg14 : memref<!tpu.dma_semaphore, #tpu.memory_space<semaphore_mem>>)
    %get3A_151 = arith.constant 11 : i32
    %get3A_152 = arith.index_cast %get3A_151 : i32 to index
    %get3A_153 = arith.constant 0 : index
    %get3A_154 = tpu.vector_load %arg6[%get3A_152, %get3A_153] {strides = array<i32>} : memref<25x16xi32, #tpu.memory_space<vmem>>, vector<1x16xi32>,
    %get3A_155 = vector.shape_cast %get3A_154 : vector<1x16xi32> to vector<16xi32>
    %dma_start3A_156 = arith.constant 176 : i32
    %dma_start3A_157 = arith.constant 0 : i32
    %dma_start3A_158 = tpu.memref_slice %arg8[%dma_start3A_156, %dma_start3A_157] : memref<400x16xf32, #tpu.memory_space<vmem>> -> memref<16x16xf32, #tpu.memory_space<vmem>>
    %dma_start3A_159 = arith.constant 0 : i32
    %dma_start3A_160 = arith.constant 0 : i32
    %dma_start3A_161 = tpu.memref_slice %arg11[%dma_start3A_159, %dma_start3A_160] : memref<100000x16xf32, #tpu.memory_space<vmem_shared>> -> memref<100000x16xf32, #tpu.memory_space<vmem_shared>>
    tpu.enqueue_indirect_dma source(%dma_start3A_161 : memref<100000x16xf32, #tpu.memory_space<vmem_shared>>) target(%dma_start3A_158 : memref<16x16xf32, #tpu.memory_space<vmem>>) offsets(%get3A_155 : vector<16xi32>) semaphore(%arg14 : memref<!tpu.dma_semaphore, #tpu.memory_space<semaphore_mem>>)
    %get3A_162 = arith.constant 12 : i32
    %get3A_163 = arith.index_cast %get3A_162 : i32 to index
    %get3A_164 = arith.constant 0 : index
    %get3A_165 = tpu.vector_load %arg6[%get3A_163, %get3A_164] {strides = array<i32>} : memref<25x16xi32, #tpu.memory_space<vmem>>, vector<1x16xi32>,
    %get3A_166 = vector.shape_cast %get3A_165 : vector<1x16xi32> to vector<16xi32>
    %dma_start3A_167 = arith.constant 192 : i32
    %dma_start3A_168 = arith.constant 0 : i32
    %dma_start3A_169 = tpu.memref_slice %arg8[%dma_start3A_167, %dma_start3A_168] : memref<400x16xf32, #tpu.memory_space<vmem>> -> memref<16x16xf32, #tpu.memory_space<vmem>>
    %dma_start3A_170 = arith.constant 0 : i32
    %dma_start3A_171 = arith.constant 0 : i32
    %dma_start3A_172 = tpu.memref_slice %arg11[%dma_start3A_170, %dma_start3A_171] : memref<100000x16xf32, #tpu.memory_space<vmem_shared>> -> memref<100000x16xf32, #tpu.memory_space<vmem_shared>>
    tpu.enqueue_indirect_dma source(%dma_start3A_172 : memref<100000x16xf32, #tpu.memory_space<vmem_shared>>) target(%dma_start3A_169 : memref<16x16xf32, #tpu.memory_space<vmem>>) offsets(%get3A_166 : vector<16xi32>) semaphore(%arg14 : memref<!tpu.dma_semaphore, #tpu.memory_space<semaphore_mem>>)
    %get3A_173 = arith.constant 13 : i32
    %get3A_174 = arith.index_cast %get3A_173 : i32 to index
    %get3A_175 = arith.constant 0 : index
    %get3A_176 = tpu.vector_load %arg6[%get3A_174, %get3A_175] {strides = array<i32>} : memref<25x16xi32, #tpu.memory_space<vmem>>, vector<1x16xi32>,
    %get3A_177 = vector.shape_cast %get3A_176 : vector<1x16xi32> to vector<16xi32>
    %dma_start3A_178 = arith.constant 208 : i32
    %dma_start3A_179 = arith.constant 0 : i32
    %dma_start3A_180 = tpu.memref_slice %arg8[%dma_start3A_178, %dma_start3A_179] : memref<400x16xf32, #tpu.memory_space<vmem>> -> memref<16x16xf32, #tpu.memory_space<vmem>>
    %dma_start3A_181 = arith.constant 0 : i32
    %dma_start3A_182 = arith.constant 0 : i32
    %dma_start3A_183 = tpu.memref_slice %arg11[%dma_start3A_181, %dma_start3A_182] : memref<100000x16xf32, #tpu.memory_space<vmem_shared>> -> memref<100000x16xf32, #tpu.memory_space<vmem_shared>>
    tpu.enqueue_indirect_dma source(%dma_start3A_183 : memref<100000x16xf32, #tpu.memory_space<vmem_shared>>) target(%dma_start3A_180 : memref<16x16xf32, #tpu.memory_space<vmem>>) offsets(%get3A_177 : vector<16xi32>) semaphore(%arg14 : memref<!tpu.dma_semaphore, #tpu.memory_space<semaphore_mem>>)
    %get3A_184 = arith.constant 14 : i32
    %get3A_185 = arith.index_cast %get3A_184 : i32 to index
    %get3A_186 = arith.constant 0 : index
    %get3A_187 = tpu.vector_load %arg6[%get3A_185, %get3A_186] {strides = array<i32>} : memref<25x16xi32, #tpu.memory_space<vmem>>, vector<1x16xi32>,
    %get3A_188 = vector.shape_cast %get3A_187 : vector<1x16xi32> to vector<16xi32>
    %dma_start3A_189 = arith.constant 224 : i32
    %dma_start3A_190 = arith.constant 0 : i32
    %dma_start3A_191 = tpu.memref_slice %arg8[%dma_start3A_189, %dma_start3A_190] : memref<400x16xf32, #tpu.memory_space<vmem>> -> memref<16x16xf32, #tpu.memory_space<vmem>>
    %dma_start3A_192 = arith.constant 0 : i32
    %dma_start3A_193 = arith.constant 0 : i32
    %dma_start3A_194 = tpu.memref_slice %arg11[%dma_start3A_192, %dma_start3A_193] : memref<100000x16xf32, #tpu.memory_space<vmem_shared>> -> memref<100000x16xf32, #tpu.memory_space<vmem_shared>>
    tpu.enqueue_indirect_dma source(%dma_start3A_194 : memref<100000x16xf32, #tpu.memory_space<vmem_shared>>) target(%dma_start3A_191 : memref<16x16xf32, #tpu.memory_space<vmem>>) offsets(%get3A_188 : vector<16xi32>) semaphore(%arg14 : memref<!tpu.dma_semaphore, #tpu.memory_space<semaphore_mem>>)
    %get3A_195 = arith.constant 15 : i32
    %get3A_196 = arith.index_cast %get3A_195 : i32 to index
    %get3A_197 = arith.constant 0 : index
    %get3A_198 = tpu.vector_load %arg6[%get3A_196, %get3A_197] {strides = array<i32>} : memref<25x16xi32, #tpu.memory_space<vmem>>, vector<1x16xi32>,
    %get3A_199 = vector.shape_cast %get3A_198 : vector<1x16xi32> to vector<16xi32>
    %dma_start3A_200 = arith.constant 240 : i32
    %dma_start3A_201 = arith.constant 0 : i32
    %dma_start3A_202 = tpu.memref_slice %arg8[%dma_start3A_200, %dma_start3A_201] : memref<400x16xf32, #tpu.memory_space<vmem>> -> memref<16x16xf32, #tpu.memory_space<vmem>>
    %dma_start3A_203 = arith.constant 0 : i32
    %dma_start3A_204 = arith.constant 0 : i32
    %dma_start3A_205 = tpu.memref_slice %arg11[%dma_start3A_203, %dma_start3A_204] : memref<100000x16xf32, #tpu.memory_space<vmem_shared>> -> memref<100000x16xf32, #tpu.memory_space<vmem_shared>>
    tpu.enqueue_indirect_dma source(%dma_start3A_205 : memref<100000x16xf32, #tpu.memory_space<vmem_shared>>) target(%dma_start3A_202 : memref<16x16xf32, #tpu.memory_space<vmem>>) offsets(%get3A_199 : vector<16xi32>) semaphore(%arg14 : memref<!tpu.dma_semaphore, #tpu.memory_space<semaphore_mem>>)
    %get3A_206 = arith.constant 16 : i32
    %get3A_207 = arith.index_cast %get3A_206 : i32 to index
    %get3A_208 = arith.constant 0 : index
    %get3A_209 = tpu.vector_load %arg6[%get3A_207, %get3A_208] {strides = array<i32>} : memref<25x16xi32, #tpu.memory_space<vmem>>, vector<1x16xi32>,
    %get3A_210 = vector.shape_cast %get3A_209 : vector<1x16xi32> to vector<16xi32>
    %dma_start3A_211 = arith.constant 256 : i32
    %dma_start3A_212 = arith.constant 0 : i32
    %dma_start3A_213 = tpu.memref_slice %arg8[%dma_start3A_211, %dma_start3A_212] : memref<400x16xf32, #tpu.memory_space<vmem>> -> memref<16x16xf32, #tpu.memory_space<vmem>>
    %dma_start3A_214 = arith.constant 0 : i32
    %dma_start3A_215 = arith.constant 0 : i32
    %dma_start3A_216 = tpu.memref_slice %arg11[%dma_start3A_214, %dma_start3A_215] : memref<100000x16xf32, #tpu.memory_space<vmem_shared>> -> memref<100000x16xf32, #tpu.memory_space<vmem_shared>>
    tpu.enqueue_indirect_dma source(%dma_start3A_216 : memref<100000x16xf32, #tpu.memory_space<vmem_shared>>) target(%dma_start3A_213 : memref<16x16xf32, #tpu.memory_space<vmem>>) offsets(%get3A_210 : vector<16xi32>) semaphore(%arg14 : memref<!tpu.dma_semaphore, #tpu.memory_space<semaphore_mem>>)
    %get3A_217 = arith.constant 17 : i32
    %get3A_218 = arith.index_cast %get3A_217 : i32 to index
    %get3A_219 = arith.constant 0 : index
    %get3A_220 = tpu.vector_load %arg6[%get3A_218, %get3A_219] {strides = array<i32>} : memref<25x16xi32, #tpu.memory_space<vmem>>, vector<1x16xi32>,
    %get3A_221 = vector.shape_cast %get3A_220 : vector<1x16xi32> to vector<16xi32>
    %dma_start3A_222 = arith.constant 272 : i32
    %dma_start3A_223 = arith.constant 0 : i32
    %dma_start3A_224 = tpu.memref_slice %arg8[%dma_start3A_222, %dma_start3A_223] : memref<400x16xf32, #tpu.memory_space<vmem>> -> memref<16x16xf32, #tpu.memory_space<vmem>>
    %dma_start3A_225 = arith.constant 0 : i32
    %dma_start3A_226 = arith.constant 0 : i32
    %dma_start3A_227 = tpu.memref_slice %arg11[%dma_start3A_225, %dma_start3A_226] : memref<100000x16xf32, #tpu.memory_space<vmem_shared>> -> memref<100000x16xf32, #tpu.memory_space<vmem_shared>>
    tpu.enqueue_indirect_dma source(%dma_start3A_227 : memref<100000x16xf32, #tpu.memory_space<vmem_shared>>) target(%dma_start3A_224 : memref<16x16xf32, #tpu.memory_space<vmem>>) offsets(%get3A_221 : vector<16xi32>) semaphore(%arg14 : memref<!tpu.dma_semaphore, #tpu.memory_space<semaphore_mem>>)
    %get3A_228 = arith.constant 18 : i32
    %get3A_229 = arith.index_cast %get3A_228 : i32 to index
    %get3A_230 = arith.constant 0 : index
    %get3A_231 = tpu.vector_load %arg6[%get3A_229, %get3A_230] {strides = array<i32>} : memref<25x16xi32, #tpu.memory_space<vmem>>, vector<1x16xi32>,
    %get3A_232 = vector.shape_cast %get3A_231 : vector<1x16xi32> to vector<16xi32>
    %dma_start3A_233 = arith.constant 288 : i32
    %dma_start3A_234 = arith.constant 0 : i32
    %dma_start3A_235 = tpu.memref_slice %arg8[%dma_start3A_233, %dma_start3A_234] : memref<400x16xf32, #tpu.memory_space<vmem>> -> memref<16x16xf32, #tpu.memory_space<vmem>>
    %dma_start3A_236 = arith.constant 0 : i32
    %dma_start3A_237 = arith.constant 0 : i32
    %dma_start3A_238 = tpu.memref_slice %arg11[%dma_start3A_236, %dma_start3A_237] : memref<100000x16xf32, #tpu.memory_space<vmem_shared>> -> memref<100000x16xf32, #tpu.memory_space<vmem_shared>>
    tpu.enqueue_indirect_dma source(%dma_start3A_238 : memref<100000x16xf32, #tpu.memory_space<vmem_shared>>) target(%dma_start3A_235 : memref<16x16xf32, #tpu.memory_space<vmem>>) offsets(%get3A_232 : vector<16xi32>) semaphore(%arg14 : memref<!tpu.dma_semaphore, #tpu.memory_space<semaphore_mem>>)
    %get3A_239 = arith.constant 19 : i32
    %get3A_240 = arith.index_cast %get3A_239 : i32 to index
    %get3A_241 = arith.constant 0 : index
    %get3A_242 = tpu.vector_load %arg6[%get3A_240, %get3A_241] {strides = array<i32>} : memref<25x16xi32, #tpu.memory_space<vmem>>, vector<1x16xi32>,
    %get3A_243 = vector.shape_cast %get3A_242 : vector<1x16xi32> to vector<16xi32>
    %dma_start3A_244 = arith.constant 304 : i32
    %dma_start3A_245 = arith.constant 0 : i32
    %dma_start3A_246 = tpu.memref_slice %arg8[%dma_start3A_244, %dma_start3A_245] : memref<400x16xf32, #tpu.memory_space<vmem>> -> memref<16x16xf32, #tpu.memory_space<vmem>>
    %dma_start3A_247 = arith.constant 0 : i32
    %dma_start3A_248 = arith.constant 0 : i32
    %dma_start3A_249 = tpu.memref_slice %arg11[%dma_start3A_247, %dma_start3A_248] : memref<100000x16xf32, #tpu.memory_space<vmem_shared>> -> memref<100000x16xf32, #tpu.memory_space<vmem_shared>>
    tpu.enqueue_indirect_dma source(%dma_start3A_249 : memref<100000x16xf32, #tpu.memory_space<vmem_shared>>) target(%dma_start3A_246 : memref<16x16xf32, #tpu.memory_space<vmem>>) offsets(%get3A_243 : vector<16xi32>) semaphore(%arg14 : memref<!tpu.dma_semaphore, #tpu.memory_space<semaphore_mem>>)
    %get3A_250 = arith.constant 20 : i32
    %get3A_251 = arith.index_cast %get3A_250 : i32 to index
    %get3A_252 = arith.constant 0 : index
    %get3A_253 = tpu.vector_load %arg6[%get3A_251, %get3A_252] {strides = array<i32>} : memref<25x16xi32, #tpu.memory_space<vmem>>, vector<1x16xi32>,
    %get3A_254 = vector.shape_cast %get3A_253 : vector<1x16xi32> to vector<16xi32>
    %dma_start3A_255 = arith.constant 320 : i32
    %dma_start3A_256 = arith.constant 0 : i32
    %dma_start3A_257 = tpu.memref_slice %arg8[%dma_start3A_255, %dma_start3A_256] : memref<400x16xf32, #tpu.memory_space<vmem>> -> memref<16x16xf32, #tpu.memory_space<vmem>>
    %dma_start3A_258 = arith.constant 0 : i32
    %dma_start3A_259 = arith.constant 0 : i32
    %dma_start3A_260 = tpu.memref_slice %arg11[%dma_start3A_258, %dma_start3A_259] : memref<100000x16xf32, #tpu.memory_space<vmem_shared>> -> memref<100000x16xf32, #tpu.memory_space<vmem_shared>>
    tpu.enqueue_indirect_dma source(%dma_start3A_260 : memref<100000x16xf32, #tpu.memory_space<vmem_shared>>) target(%dma_start3A_257 : memref<16x16xf32, #tpu.memory_space<vmem>>) offsets(%get3A_254 : vector<16xi32>) semaphore(%arg14 : memref<!tpu.dma_semaphore, #tpu.memory_space<semaphore_mem>>)
    %get3A_261 = arith.constant 21 : i32
    %get3A_262 = arith.index_cast %get3A_261 : i32 to index
    %get3A_263 = arith.constant 0 : index
    %get3A_264 = tpu.vector_load %arg6[%get3A_262, %get3A_263] {strides = array<i32>} : memref<25x16xi32, #tpu.memory_space<vmem>>, vector<1x16xi32>,
    %get3A_265 = vector.shape_cast %get3A_264 : vector<1x16xi32> to vector<16xi32>
    %dma_start3A_266 = arith.constant 336 : i32
    %dma_start3A_267 = arith.constant 0 : i32
    %dma_start3A_268 = tpu.memref_slice %arg8[%dma_start3A_266, %dma_start3A_267] : memref<400x16xf32, #tpu.memory_space<vmem>> -> memref<16x16xf32, #tpu.memory_space<vmem>>
    %dma_start3A_269 = arith.constant 0 : i32
    %dma_start3A_270 = arith.constant 0 : i32
    %dma_start3A_271 = tpu.memref_slice %arg11[%dma_start3A_269, %dma_start3A_270] : memref<100000x16xf32, #tpu.memory_space<vmem_shared>> -> memref<100000x16xf32, #tpu.memory_space<vmem_shared>>
    tpu.enqueue_indirect_dma source(%dma_start3A_271 : memref<100000x16xf32, #tpu.memory_space<vmem_shared>>) target(%dma_start3A_268 : memref<16x16xf32, #tpu.memory_space<vmem>>) offsets(%get3A_265 : vector<16xi32>) semaphore(%arg14 : memref<!tpu.dma_semaphore, #tpu.memory_space<semaphore_mem>>)
    %get3A_272 = arith.constant 22 : i32
    %get3A_273 = arith.index_cast %get3A_272 : i32 to index
    %get3A_274 = arith.constant 0 : index
    %get3A_275 = tpu.vector_load %arg6[%get3A_273, %get3A_274] {strides = array<i32>} : memref<25x16xi32, #tpu.memory_space<vmem>>, vector<1x16xi32>,
    %get3A_276 = vector.shape_cast %get3A_275 : vector<1x16xi32> to vector<16xi32>
    %dma_start3A_277 = arith.constant 352 : i32
    %dma_start3A_278 = arith.constant 0 : i32
    %dma_start3A_279 = tpu.memref_slice %arg8[%dma_start3A_277, %dma_start3A_278] : memref<400x16xf32, #tpu.memory_space<vmem>> -> memref<16x16xf32, #tpu.memory_space<vmem>>
    %dma_start3A_280 = arith.constant 0 : i32
    %dma_start3A_281 = arith.constant 0 : i32
    %dma_start3A_282 = tpu.memref_slice %arg11[%dma_start3A_280, %dma_start3A_281] : memref<100000x16xf32, #tpu.memory_space<vmem_shared>> -> memref<100000x16xf32, #tpu.memory_space<vmem_shared>>
    tpu.enqueue_indirect_dma source(%dma_start3A_282 : memref<100000x16xf32, #tpu.memory_space<vmem_shared>>) target(%dma_start3A_279 : memref<16x16xf32, #tpu.memory_space<vmem>>) offsets(%get3A_276 : vector<16xi32>) semaphore(%arg14 : memref<!tpu.dma_semaphore, #tpu.memory_space<semaphore_mem>>)
    %get3A_283 = arith.constant 23 : i32
    %get3A_284 = arith.index_cast %get3A_283 : i32 to index
    %get3A_285 = arith.constant 0 : index
    %get3A_286 = tpu.vector_load %arg6[%get3A_284, %get3A_285] {strides = array<i32>} : memref<25x16xi32, #tpu.memory_space<vmem>>, vector<1x16xi32>,
    %get3A_287 = vector.shape_cast %get3A_286 : vector<1x16xi32> to vector<16xi32>
    %dma_start3A_288 = arith.constant 368 : i32
    %dma_start3A_289 = arith.constant 0 : i32
    %dma_start3A_290 = tpu.memref_slice %arg8[%dma_start3A_288, %dma_start3A_289] : memref<400x16xf32, #tpu.memory_space<vmem>> -> memref<16x16xf32, #tpu.memory_space<vmem>>
    %dma_start3A_291 = arith.constant 0 : i32
    %dma_start3A_292 = arith.constant 0 : i32
    %dma_start3A_293 = tpu.memref_slice %arg11[%dma_start3A_291, %dma_start3A_292] : memref<100000x16xf32, #tpu.memory_space<vmem_shared>> -> memref<100000x16xf32, #tpu.memory_space<vmem_shared>>
    tpu.enqueue_indirect_dma source(%dma_start3A_293 : memref<100000x16xf32, #tpu.memory_space<vmem_shared>>) target(%dma_start3A_290 : memref<16x16xf32, #tpu.memory_space<vmem>>) offsets(%get3A_287 : vector<16xi32>) semaphore(%arg14 : memref<!tpu.dma_semaphore, #tpu.memory_space<semaphore_mem>>)
    %get3A_294 = arith.constant 24 : i32
    %get3A_295 = arith.index_cast %get3A_294 : i32 to index
    %get3A_296 = arith.constant 0 : index
    %get3A_297 = tpu.vector_load %arg6[%get3A_295, %get3A_296] {strides = array<i32>} : memref<25x16xi32, #tpu.memory_space<vmem>>, vector<1x16xi32>,
    %get3A_298 = vector.shape_cast %get3A_297 : vector<1x16xi32> to vector<16xi32>
    %dma_start3A_299 = arith.constant 384 : i32
    %dma_start3A_300 = arith.constant 0 : i32
    %dma_start3A_301 = tpu.memref_slice %arg8[%dma_start3A_299, %dma_start3A_300] : memref<400x16xf32, #tpu.memory_space<vmem>> -> memref<16x16xf32, #tpu.memory_space<vmem>>
    %dma_start3A_302 = arith.constant 0 : i32
    %dma_start3A_303 = arith.constant 0 : i32
    %dma_start3A_304 = tpu.memref_slice %arg11[%dma_start3A_302, %dma_start3A_303] : memref<100000x16xf32, #tpu.memory_space<vmem_shared>> -> memref<100000x16xf32, #tpu.memory_space<vmem_shared>>
    tpu.enqueue_indirect_dma source(%dma_start3A_304 : memref<100000x16xf32, #tpu.memory_space<vmem_shared>>) target(%dma_start3A_301 : memref<16x16xf32, #tpu.memory_space<vmem>>) offsets(%get3A_298 : vector<16xi32>) semaphore(%arg14 : memref<!tpu.dma_semaphore, #tpu.memory_space<semaphore_mem>>)
    %add3A_305 = arith.constant 2 : i32
    %add3A_306 = arith.addi %mul3A_2, %add3A_305 : i32
    %dma_start3A_307 = arith.constant 0 : i32
    %dma_start3A_308 = arith.constant 0 : i32
    %dma_start3A_309 = tpu.memref_slice %arg2[%add3A_306, %dma_start3A_307, %dma_start3A_308] : memref<2048x25x16xi32, #tpu.memory_space<hbm>> -> memref<1x25x16xi32, #tpu.memory_space<hbm>>
    %dma_start3A_310 = tpu.memref_squeeze %dma_start3A_309 : memref<1x25x16xi32, #tpu.memory_space<hbm>> -> memref<25x16xi32, #tpu.memory_space<hbm>>
    %dma_start3A_311 = arith.constant 0 : i32
    %dma_start3A_312 = arith.constant 0 : i32
    %dma_start3A_313 = tpu.memref_slice %arg2[%add3A_306, %dma_start3A_311, %dma_start3A_312] : memref<2048x25x16xi32, #tpu.memory_space<hbm>> -> memref<1x25x16xi32, #tpu.memory_space<hbm>>
    %dma_start3A_314 = tpu.memref_squeeze %dma_start3A_313 : memref<1x25x16xi32, #tpu.memory_space<hbm>> -> memref<25x16xi32, #tpu.memory_space<hbm>>
    tpu.enqueue_dma source(%dma_start3A_314 : memref<25x16xi32, #tpu.memory_space<hbm>>) target(%arg6 : memref<25x16xi32, #tpu.memory_space<vmem>>) target_semaphore(%arg12 : memref<!tpu.dma_semaphore, #tpu.memory_space<semaphore_mem>>)
    %dma_wait3A_315 = arith.constant 0 : i32
    %dma_wait3A_316 = arith.constant 0 : i32
    %dma_wait3A_317 = tpu.memref_slice %arg2[%mul3A_2, %dma_wait3A_315, %dma_wait3A_316] : memref<2048x25x16xi32, #tpu.memory_space<hbm>> -> memref<1x25x16xi32, #tpu.memory_space<hbm>>
    %dma_wait3A_318 = tpu.memref_squeeze %dma_wait3A_317 : memref<1x25x16xi32, #tpu.memory_space<hbm>> -> memref<25x16xi32, #tpu.memory_space<hbm>>
    %dma_wait3A_319 = arith.constant 0 : i32
    %dma_wait3A_320 = arith.constant 0 : i32
    %dma_wait3A_321 = tpu.memref_slice %arg2[%mul3A_2, %dma_wait3A_319, %dma_wait3A_320] : memref<2048x25x16xi32, #tpu.memory_space<hbm>> -> memref<1x25x16xi32, #tpu.memory_space<hbm>>
    %dma_wait3A_322 = tpu.memref_squeeze %dma_wait3A_321 : memref<1x25x16xi32, #tpu.memory_space<hbm>> -> memref<25x16xi32, #tpu.memory_space<hbm>>
    tpu.wait_dma2 semaphore(%arg13 : memref<!tpu.dma_semaphore, #tpu.memory_space<semaphore_mem>>) src(%dma_wait3A_322 : memref<25x16xi32, #tpu.memory_space<hbm>>) dst(%arg7 : memref<25x16xi32, #tpu.memory_space<vmem>>)
    %get3A_323 = arith.constant 0 : i32
    %get3A_324 = arith.index_cast %get3A_323 : i32 to index
    %get3A_325 = arith.constant 0 : index
    %get3A_326 = tpu.vector_load %arg7[%get3A_324, %get3A_325] {strides = array<i32>} : memref<25x16xi32, #tpu.memory_space<vmem>>, vector<1x16xi32>,
    %get3A_327 = vector.shape_cast %get3A_326 : vector<1x16xi32> to vector<16xi32>
    %dma_start3A_328 = arith.constant 0 : i32
    %dma_start3A_329 = arith.constant 0 : i32
    %dma_start3A_330 = tpu.memref_slice %arg9[%dma_start3A_328, %dma_start3A_329] : memref<400x16xf32, #tpu.memory_space<vmem>> -> memref<16x16xf32, #tpu.memory_space<vmem>>
    %dma_start3A_331 = arith.constant 0 : i32
    %dma_start3A_332 = arith.constant 0 : i32
    %dma_start3A_333 = tpu.memref_slice %arg11[%dma_start3A_331, %dma_start3A_332] : memref<100000x16xf32, #tpu.memory_space<vmem_shared>> -> memref<100000x16xf32, #tpu.memory_space<vmem_shared>>
    tpu.enqueue_indirect_dma source(%dma_start3A_333 : memref<100000x16xf32, #tpu.memory_space<vmem_shared>>) target(%dma_start3A_330 : memref<16x16xf32, #tpu.memory_space<vmem>>) offsets(%get3A_327 : vector<16xi32>) semaphore(%arg15 : memref<!tpu.dma_semaphore, #tpu.memory_space<semaphore_mem>>)
    %get3A_334 = arith.constant 1 : i32
    %get3A_335 = arith.index_cast %get3A_334 : i32 to index
    %get3A_336 = arith.constant 0 : index
    %get3A_337 = tpu.vector_load %arg7[%get3A_335, %get3A_336] {strides = array<i32>} : memref<25x16xi32, #tpu.memory_space<vmem>>, vector<1x16xi32>,
    %get3A_338 = vector.shape_cast %get3A_337 : vector<1x16xi32> to vector<16xi32>
    %dma_start3A_339 = arith.constant 16 : i32
    %dma_start3A_340 = arith.constant 0 : i32
    %dma_start3A_341 = tpu.memref_slice %arg9[%dma_start3A_339, %dma_start3A_340] : memref<400x16xf32, #tpu.memory_space<vmem>> -> memref<16x16xf32, #tpu.memory_space<vmem>>
    %dma_start3A_342 = arith.constant 0 : i32
    %dma_start3A_343 = arith.constant 0 : i32
    %dma_start3A_344 = tpu.memref_slice %arg11[%dma_start3A_342, %dma_start3A_343] : memref<100000x16xf32, #tpu.memory_space<vmem_shared>> -> memref<100000x16xf32, #tpu.memory_space<vmem_shared>>
    tpu.enqueue_indirect_dma source(%dma_start3A_344 : memref<100000x16xf32, #tpu.memory_space<vmem_shared>>) target(%dma_start3A_341 : memref<16x16xf32, #tpu.memory_space<vmem>>) offsets(%get3A_338 : vector<16xi32>) semaphore(%arg15 : memref<!tpu.dma_semaphore, #tpu.memory_space<semaphore_mem>>)
    %get3A_345 = arith.constant 2 : i32
    %get3A_346 = arith.index_cast %get3A_345 : i32 to index
    %get3A_347 = arith.constant 0 : index
    %get3A_348 = tpu.vector_load %arg7[%get3A_346, %get3A_347] {strides = array<i32>} : memref<25x16xi32, #tpu.memory_space<vmem>>, vector<1x16xi32>,
    %get3A_349 = vector.shape_cast %get3A_348 : vector<1x16xi32> to vector<16xi32>
    %dma_start3A_350 = arith.constant 32 : i32
    %dma_start3A_351 = arith.constant 0 : i32
    %dma_start3A_352 = tpu.memref_slice %arg9[%dma_start3A_350, %dma_start3A_351] : memref<400x16xf32, #tpu.memory_space<vmem>> -> memref<16x16xf32, #tpu.memory_space<vmem>>
    %dma_start3A_353 = arith.constant 0 : i32
    %dma_start3A_354 = arith.constant 0 : i32
    %dma_start3A_355 = tpu.memref_slice %arg11[%dma_start3A_353, %dma_start3A_354] : memref<100000x16xf32, #tpu.memory_space<vmem_shared>> -> memref<100000x16xf32, #tpu.memory_space<vmem_shared>>
    tpu.enqueue_indirect_dma source(%dma_start3A_355 : memref<100000x16xf32, #tpu.memory_space<vmem_shared>>) target(%dma_start3A_352 : memref<16x16xf32, #tpu.memory_space<vmem>>) offsets(%get3A_349 : vector<16xi32>) semaphore(%arg15 : memref<!tpu.dma_semaphore, #tpu.memory_space<semaphore_mem>>)
    %get3A_356 = arith.constant 3 : i32
    %get3A_357 = arith.index_cast %get3A_356 : i32 to index
    %get3A_358 = arith.constant 0 : index
    %get3A_359 = tpu.vector_load %arg7[%get3A_357, %get3A_358] {strides = array<i32>} : memref<25x16xi32, #tpu.memory_space<vmem>>, vector<1x16xi32>,
    %get3A_360 = vector.shape_cast %get3A_359 : vector<1x16xi32> to vector<16xi32>
    %dma_start3A_361 = arith.constant 48 : i32
    %dma_start3A_362 = arith.constant 0 : i32
    %dma_start3A_363 = tpu.memref_slice %arg9[%dma_start3A_361, %dma_start3A_362] : memref<400x16xf32, #tpu.memory_space<vmem>> -> memref<16x16xf32, #tpu.memory_space<vmem>>
    %dma_start3A_364 = arith.constant 0 : i32
    %dma_start3A_365 = arith.constant 0 : i32
    %dma_start3A_366 = tpu.memref_slice %arg11[%dma_start3A_364, %dma_start3A_365] : memref<100000x16xf32, #tpu.memory_space<vmem_shared>> -> memref<100000x16xf32, #tpu.memory_space<vmem_shared>>
    tpu.enqueue_indirect_dma source(%dma_start3A_366 : memref<100000x16xf32, #tpu.memory_space<vmem_shared>>) target(%dma_start3A_363 : memref<16x16xf32, #tpu.memory_space<vmem>>) offsets(%get3A_360 : vector<16xi32>) semaphore(%arg15 : memref<!tpu.dma_semaphore, #tpu.memory_space<semaphore_mem>>)
    %get3A_367 = arith.constant 4 : i32
    %get3A_368 = arith.index_cast %get3A_367 : i32 to index
    %get3A_369 = arith.constant 0 : index
    %get3A_370 = tpu.vector_load %arg7[%get3A_368, %get3A_369] {strides = array<i32>} : memref<25x16xi32, #tpu.memory_space<vmem>>, vector<1x16xi32>,
    %get3A_371 = vector.shape_cast %get3A_370 : vector<1x16xi32> to vector<16xi32>
    %dma_start3A_372 = arith.constant 64 : i32
    %dma_start3A_373 = arith.constant 0 : i32
    %dma_start3A_374 = tpu.memref_slice %arg9[%dma_start3A_372, %dma_start3A_373] : memref<400x16xf32, #tpu.memory_space<vmem>> -> memref<16x16xf32, #tpu.memory_space<vmem>>
    %dma_start3A_375 = arith.constant 0 : i32
    %dma_start3A_376 = arith.constant 0 : i32
    %dma_start3A_377 = tpu.memref_slice %arg11[%dma_start3A_375, %dma_start3A_376] : memref<100000x16xf32, #tpu.memory_space<vmem_shared>> -> memref<100000x16xf32, #tpu.memory_space<vmem_shared>>
    tpu.enqueue_indirect_dma source(%dma_start3A_377 : memref<100000x16xf32, #tpu.memory_space<vmem_shared>>) target(%dma_start3A_374 : memref<16x16xf32, #tpu.memory_space<vmem>>) offsets(%get3A_371 : vector<16xi32>) semaphore(%arg15 : memref<!tpu.dma_semaphore, #tpu.memory_space<semaphore_mem>>)
    %get3A_378 = arith.constant 5 : i32
    %get3A_379 = arith.index_cast %get3A_378 : i32 to index
    %get3A_380 = arith.constant 0 : index
    %get3A_381 = tpu.vector_load %arg7[%get3A_379, %get3A_380] {strides = array<i32>} : memref<25x16xi32, #tpu.memory_space<vmem>>, vector<1x16xi32>,
    %get3A_382 = vector.shape_cast %get3A_381 : vector<1x16xi32> to vector<16xi32>
    %dma_start3A_383 = arith.constant 80 : i32
    %dma_start3A_384 = arith.constant 0 : i32
    %dma_start3A_385 = tpu.memref_slice %arg9[%dma_start3A_383, %dma_start3A_384] : memref<400x16xf32, #tpu.memory_space<vmem>> -> memref<16x16xf32, #tpu.memory_space<vmem>>
    %dma_start3A_386 = arith.constant 0 : i32
    %dma_start3A_387 = arith.constant 0 : i32
    %dma_start3A_388 = tpu.memref_slice %arg11[%dma_start3A_386, %dma_start3A_387] : memref<100000x16xf32, #tpu.memory_space<vmem_shared>> -> memref<100000x16xf32, #tpu.memory_space<vmem_shared>>
    tpu.enqueue_indirect_dma source(%dma_start3A_388 : memref<100000x16xf32, #tpu.memory_space<vmem_shared>>) target(%dma_start3A_385 : memref<16x16xf32, #tpu.memory_space<vmem>>) offsets(%get3A_382 : vector<16xi32>) semaphore(%arg15 : memref<!tpu.dma_semaphore, #tpu.memory_space<semaphore_mem>>)
    %get3A_389 = arith.constant 6 : i32
    %get3A_390 = arith.index_cast %get3A_389 : i32 to index
    %get3A_391 = arith.constant 0 : index
    %get3A_392 = tpu.vector_load %arg7[%get3A_390, %get3A_391] {strides = array<i32>} : memref<25x16xi32, #tpu.memory_space<vmem>>, vector<1x16xi32>,
    %get3A_393 = vector.shape_cast %get3A_392 : vector<1x16xi32> to vector<16xi32>
    %dma_start3A_394 = arith.constant 96 : i32
    %dma_start3A_395 = arith.constant 0 : i32
    %dma_start3A_396 = tpu.memref_slice %arg9[%dma_start3A_394, %dma_start3A_395] : memref<400x16xf32, #tpu.memory_space<vmem>> -> memref<16x16xf32, #tpu.memory_space<vmem>>
    %dma_start3A_397 = arith.constant 0 : i32
    %dma_start3A_398 = arith.constant 0 : i32
    %dma_start3A_399 = tpu.memref_slice %arg11[%dma_start3A_397, %dma_start3A_398] : memref<100000x16xf32, #tpu.memory_space<vmem_shared>> -> memref<100000x16xf32, #tpu.memory_space<vmem_shared>>
    tpu.enqueue_indirect_dma source(%dma_start3A_399 : memref<100000x16xf32, #tpu.memory_space<vmem_shared>>) target(%dma_start3A_396 : memref<16x16xf32, #tpu.memory_space<vmem>>) offsets(%get3A_393 : vector<16xi32>) semaphore(%arg15 : memref<!tpu.dma_semaphore, #tpu.memory_space<semaphore_mem>>)
    %get3A_400 = arith.constant 7 : i32
    %get3A_401 = arith.index_cast %get3A_400 : i32 to index
    %get3A_402 = arith.constant 0 : index
    %get3A_403 = tpu.vector_load %arg7[%get3A_401, %get3A_402] {strides = array<i32>} : memref<25x16xi32, #tpu.memory_space<vmem>>, vector<1x16xi32>,
    %get3A_404 = vector.shape_cast %get3A_403 : vector<1x16xi32> to vector<16xi32>
    %dma_start3A_405 = arith.constant 112 : i32
    %dma_start3A_406 = arith.constant 0 : i32
    %dma_start3A_407 = tpu.memref_slice %arg9[%dma_start3A_405, %dma_start3A_406] : memref<400x16xf32, #tpu.memory_space<vmem>> -> memref<16x16xf32, #tpu.memory_space<vmem>>
    %dma_start3A_408 = arith.constant 0 : i32
    %dma_start3A_409 = arith.constant 0 : i32
    %dma_start3A_410 = tpu.memref_slice %arg11[%dma_start3A_408, %dma_start3A_409] : memref<100000x16xf32, #tpu.memory_space<vmem_shared>> -> memref<100000x16xf32, #tpu.memory_space<vmem_shared>>
    tpu.enqueue_indirect_dma source(%dma_start3A_410 : memref<100000x16xf32, #tpu.memory_space<vmem_shared>>) target(%dma_start3A_407 : memref<16x16xf32, #tpu.memory_space<vmem>>) offsets(%get3A_404 : vector<16xi32>) semaphore(%arg15 : memref<!tpu.dma_semaphore, #tpu.memory_space<semaphore_mem>>)
    %get3A_411 = arith.constant 8 : i32
    %get3A_412 = arith.index_cast %get3A_411 : i32 to index
    %get3A_413 = arith.constant 0 : index
    %get3A_414 = tpu.vector_load %arg7[%get3A_412, %get3A_413] {strides = array<i32>} : memref<25x16xi32, #tpu.memory_space<vmem>>, vector<1x16xi32>,
    %get3A_415 = vector.shape_cast %get3A_414 : vector<1x16xi32> to vector<16xi32>
    %dma_start3A_416 = arith.constant 128 : i32
    %dma_start3A_417 = arith.constant 0 : i32
    %dma_start3A_418 = tpu.memref_slice %arg9[%dma_start3A_416, %dma_start3A_417] : memref<400x16xf32, #tpu.memory_space<vmem>> -> memref<16x16xf32, #tpu.memory_space<vmem>>
    %dma_start3A_419 = arith.constant 0 : i32
    %dma_start3A_420 = arith.constant 0 : i32
    %dma_start3A_421 = tpu.memref_slice %arg11[%dma_start3A_419, %dma_start3A_420] : memref<100000x16xf32, #tpu.memory_space<vmem_shared>> -> memref<100000x16xf32, #tpu.memory_space<vmem_shared>>
    tpu.enqueue_indirect_dma source(%dma_start3A_421 : memref<100000x16xf32, #tpu.memory_space<vmem_shared>>) target(%dma_start3A_418 : memref<16x16xf32, #tpu.memory_space<vmem>>) offsets(%get3A_415 : vector<16xi32>) semaphore(%arg15 : memref<!tpu.dma_semaphore, #tpu.memory_space<semaphore_mem>>)
    %get3A_422 = arith.constant 9 : i32
    %get3A_423 = arith.index_cast %get3A_422 : i32 to index
    %get3A_424 = arith.constant 0 : index
    %get3A_425 = tpu.vector_load %arg7[%get3A_423, %get3A_424] {strides = array<i32>} : memref<25x16xi32, #tpu.memory_space<vmem>>, vector<1x16xi32>,
    %get3A_426 = vector.shape_cast %get3A_425 : vector<1x16xi32> to vector<16xi32>
    %dma_start3A_427 = arith.constant 144 : i32
    %dma_start3A_428 = arith.constant 0 : i32
    %dma_start3A_429 = tpu.memref_slice %arg9[%dma_start3A_427, %dma_start3A_428] : memref<400x16xf32, #tpu.memory_space<vmem>> -> memref<16x16xf32, #tpu.memory_space<vmem>>
    %dma_start3A_430 = arith.constant 0 : i32
    %dma_start3A_431 = arith.constant 0 : i32
    %dma_start3A_432 = tpu.memref_slice %arg11[%dma_start3A_430, %dma_start3A_431] : memref<100000x16xf32, #tpu.memory_space<vmem_shared>> -> memref<100000x16xf32, #tpu.memory_space<vmem_shared>>
    tpu.enqueue_indirect_dma source(%dma_start3A_432 : memref<100000x16xf32, #tpu.memory_space<vmem_shared>>) target(%dma_start3A_429 : memref<16x16xf32, #tpu.memory_space<vmem>>) offsets(%get3A_426 : vector<16xi32>) semaphore(%arg15 : memref<!tpu.dma_semaphore, #tpu.memory_space<semaphore_mem>>)
    %get3A_433 = arith.constant 10 : i32
    %get3A_434 = arith.index_cast %get3A_433 : i32 to index
    %get3A_435 = arith.constant 0 : index
    %get3A_436 = tpu.vector_load %arg7[%get3A_434, %get3A_435] {strides = array<i32>} : memref<25x16xi32, #tpu.memory_space<vmem>>, vector<1x16xi32>,
    %get3A_437 = vector.shape_cast %get3A_436 : vector<1x16xi32> to vector<16xi32>
    %dma_start3A_438 = arith.constant 160 : i32
    %dma_start3A_439 = arith.constant 0 : i32
    %dma_start3A_440 = tpu.memref_slice %arg9[%dma_start3A_438, %dma_start3A_439] : memref<400x16xf32, #tpu.memory_space<vmem>> -> memref<16x16xf32, #tpu.memory_space<vmem>>
    %dma_start3A_441 = arith.constant 0 : i32
    %dma_start3A_442 = arith.constant 0 : i32
    %dma_start3A_443 = tpu.memref_slice %arg11[%dma_start3A_441, %dma_start3A_442] : memref<100000x16xf32, #tpu.memory_space<vmem_shared>> -> memref<100000x16xf32, #tpu.memory_space<vmem_shared>>
    tpu.enqueue_indirect_dma source(%dma_start3A_443 : memref<100000x16xf32, #tpu.memory_space<vmem_shared>>) target(%dma_start3A_440 : memref<16x16xf32, #tpu.memory_space<vmem>>) offsets(%get3A_437 : vector<16xi32>) semaphore(%arg15 : memref<!tpu.dma_semaphore, #tpu.memory_space<semaphore_mem>>)
    %get3A_444 = arith.constant 11 : i32
    %get3A_445 = arith.index_cast %get3A_444 : i32 to index
    %get3A_446 = arith.constant 0 : index
    %get3A_447 = tpu.vector_load %arg7[%get3A_445, %get3A_446] {strides = array<i32>} : memref<25x16xi32, #tpu.memory_space<vmem>>, vector<1x16xi32>,
    %get3A_448 = vector.shape_cast %get3A_447 : vector<1x16xi32> to vector<16xi32>
    %dma_start3A_449 = arith.constant 176 : i32
    %dma_start3A_450 = arith.constant 0 : i32
    %dma_start3A_451 = tpu.memref_slice %arg9[%dma_start3A_449, %dma_start3A_450] : memref<400x16xf32, #tpu.memory_space<vmem>> -> memref<16x16xf32, #tpu.memory_space<vmem>>
    %dma_start3A_452 = arith.constant 0 : i32
    %dma_start3A_453 = arith.constant 0 : i32
    %dma_start3A_454 = tpu.memref_slice %arg11[%dma_start3A_452, %dma_start3A_453] : memref<100000x16xf32, #tpu.memory_space<vmem_shared>> -> memref<100000x16xf32, #tpu.memory_space<vmem_shared>>
    tpu.enqueue_indirect_dma source(%dma_start3A_454 : memref<100000x16xf32, #tpu.memory_space<vmem_shared>>) target(%dma_start3A_451 : memref<16x16xf32, #tpu.memory_space<vmem>>) offsets(%get3A_448 : vector<16xi32>) semaphore(%arg15 : memref<!tpu.dma_semaphore, #tpu.memory_space<semaphore_mem>>)
    %get3A_455 = arith.constant 12 : i32
    %get3A_456 = arith.index_cast %get3A_455 : i32 to index
    %get3A_457 = arith.constant 0 : index
    %get3A_458 = tpu.vector_load %arg7[%get3A_456, %get3A_457] {strides = array<i32>} : memref<25x16xi32, #tpu.memory_space<vmem>>, vector<1x16xi32>,
    %get3A_459 = vector.shape_cast %get3A_458 : vector<1x16xi32> to vector<16xi32>
    %dma_start3A_460 = arith.constant 192 : i32
    %dma_start3A_461 = arith.constant 0 : i32
    %dma_start3A_462 = tpu.memref_slice %arg9[%dma_start3A_460, %dma_start3A_461] : memref<400x16xf32, #tpu.memory_space<vmem>> -> memref<16x16xf32, #tpu.memory_space<vmem>>
    %dma_start3A_463 = arith.constant 0 : i32
    %dma_start3A_464 = arith.constant 0 : i32
    %dma_start3A_465 = tpu.memref_slice %arg11[%dma_start3A_463, %dma_start3A_464] : memref<100000x16xf32, #tpu.memory_space<vmem_shared>> -> memref<100000x16xf32, #tpu.memory_space<vmem_shared>>
    tpu.enqueue_indirect_dma source(%dma_start3A_465 : memref<100000x16xf32, #tpu.memory_space<vmem_shared>>) target(%dma_start3A_462 : memref<16x16xf32, #tpu.memory_space<vmem>>) offsets(%get3A_459 : vector<16xi32>) semaphore(%arg15 : memref<!tpu.dma_semaphore, #tpu.memory_space<semaphore_mem>>)
    %get3A_466 = arith.constant 13 : i32
    %get3A_467 = arith.index_cast %get3A_466 : i32 to index
    %get3A_468 = arith.constant 0 : index
    %get3A_469 = tpu.vector_load %arg7[%get3A_467, %get3A_468] {strides = array<i32>} : memref<25x16xi32, #tpu.memory_space<vmem>>, vector<1x16xi32>,
    %get3A_470 = vector.shape_cast %get3A_469 : vector<1x16xi32> to vector<16xi32>
    %dma_start3A_471 = arith.constant 208 : i32
    %dma_start3A_472 = arith.constant 0 : i32
    %dma_start3A_473 = tpu.memref_slice %arg9[%dma_start3A_471, %dma_start3A_472] : memref<400x16xf32, #tpu.memory_space<vmem>> -> memref<16x16xf32, #tpu.memory_space<vmem>>
    %dma_start3A_474 = arith.constant 0 : i32
    %dma_start3A_475 = arith.constant 0 : i32
    %dma_start3A_476 = tpu.memref_slice %arg11[%dma_start3A_474, %dma_start3A_475] : memref<100000x16xf32, #tpu.memory_space<vmem_shared>> -> memref<100000x16xf32, #tpu.memory_space<vmem_shared>>
    tpu.enqueue_indirect_dma source(%dma_start3A_476 : memref<100000x16xf32, #tpu.memory_space<vmem_shared>>) target(%dma_start3A_473 : memref<16x16xf32, #tpu.memory_space<vmem>>) offsets(%get3A_470 : vector<16xi32>) semaphore(%arg15 : memref<!tpu.dma_semaphore, #tpu.memory_space<semaphore_mem>>)
    %get3A_477 = arith.constant 14 : i32
    %get3A_478 = arith.index_cast %get3A_477 : i32 to index
    %get3A_479 = arith.constant 0 : index
    %get3A_480 = tpu.vector_load %arg7[%get3A_478, %get3A_479] {strides = array<i32>} : memref<25x16xi32, #tpu.memory_space<vmem>>, vector<1x16xi32>,
    %get3A_481 = vector.shape_cast %get3A_480 : vector<1x16xi32> to vector<16xi32>
    %dma_start3A_482 = arith.constant 224 : i32
    %dma_start3A_483 = arith.constant 0 : i32
    %dma_start3A_484 = tpu.memref_slice %arg9[%dma_start3A_482, %dma_start3A_483] : memref<400x16xf32, #tpu.memory_space<vmem>> -> memref<16x16xf32, #tpu.memory_space<vmem>>
    %dma_start3A_485 = arith.constant 0 : i32
    %dma_start3A_486 = arith.constant 0 : i32
    %dma_start3A_487 = tpu.memref_slice %arg11[%dma_start3A_485, %dma_start3A_486] : memref<100000x16xf32, #tpu.memory_space<vmem_shared>> -> memref<100000x16xf32, #tpu.memory_space<vmem_shared>>
    tpu.enqueue_indirect_dma source(%dma_start3A_487 : memref<100000x16xf32, #tpu.memory_space<vmem_shared>>) target(%dma_start3A_484 : memref<16x16xf32, #tpu.memory_space<vmem>>) offsets(%get3A_481 : vector<16xi32>) semaphore(%arg15 : memref<!tpu.dma_semaphore, #tpu.memory_space<semaphore_mem>>)
    %get3A_488 = arith.constant 15 : i32
    %get3A_489 = arith.index_cast %get3A_488 : i32 to index
    %get3A_490 = arith.constant 0 : index
    %get3A_491 = tpu.vector_load %arg7[%get3A_489, %get3A_490] {strides = array<i32>} : memref<25x16xi32, #tpu.memory_space<vmem>>, vector<1x16xi32>,
    %get3A_492 = vector.shape_cast %get3A_491 : vector<1x16xi32> to vector<16xi32>
    %dma_start3A_493 = arith.constant 240 : i32
    %dma_start3A_494 = arith.constant 0 : i32
    %dma_start3A_495 = tpu.memref_slice %arg9[%dma_start3A_493, %dma_start3A_494] : memref<400x16xf32, #tpu.memory_space<vmem>> -> memref<16x16xf32, #tpu.memory_space<vmem>>
    %dma_start3A_496 = arith.constant 0 : i32
    %dma_start3A_497 = arith.constant 0 : i32
    %dma_start3A_498 = tpu.memref_slice %arg11[%dma_start3A_496, %dma_start3A_497] : memref<100000x16xf32, #tpu.memory_space<vmem_shared>> -> memref<100000x16xf32, #tpu.memory_space<vmem_shared>>
    tpu.enqueue_indirect_dma source(%dma_start3A_498 : memref<100000x16xf32, #tpu.memory_space<vmem_shared>>) target(%dma_start3A_495 : memref<16x16xf32, #tpu.memory_space<vmem>>) offsets(%get3A_492 : vector<16xi32>) semaphore(%arg15 : memref<!tpu.dma_semaphore, #tpu.memory_space<semaphore_mem>>)
    %get3A_499 = arith.constant 16 : i32
    %get3A_500 = arith.index_cast %get3A_499 : i32 to index
    %get3A_501 = arith.constant 0 : index
    %get3A_502 = tpu.vector_load %arg7[%get3A_500, %get3A_501] {strides = array<i32>} : memref<25x16xi32, #tpu.memory_space<vmem>>, vector<1x16xi32>,
    %get3A_503 = vector.shape_cast %get3A_502 : vector<1x16xi32> to vector<16xi32>
    %dma_start3A_504 = arith.constant 256 : i32
    %dma_start3A_505 = arith.constant 0 : i32
    %dma_start3A_506 = tpu.memref_slice %arg9[%dma_start3A_504, %dma_start3A_505] : memref<400x16xf32, #tpu.memory_space<vmem>> -> memref<16x16xf32, #tpu.memory_space<vmem>>
    %dma_start3A_507 = arith.constant 0 : i32
    %dma_start3A_508 = arith.constant 0 : i32
    %dma_start3A_509 = tpu.memref_slice %arg11[%dma_start3A_507, %dma_start3A_508] : memref<100000x16xf32, #tpu.memory_space<vmem_shared>> -> memref<100000x16xf32, #tpu.memory_space<vmem_shared>>
    tpu.enqueue_indirect_dma source(%dma_start3A_509 : memref<100000x16xf32, #tpu.memory_space<vmem_shared>>) target(%dma_start3A_506 : memref<16x16xf32, #tpu.memory_space<vmem>>) offsets(%get3A_503 : vector<16xi32>) semaphore(%arg15 : memref<!tpu.dma_semaphore, #tpu.memory_space<semaphore_mem>>)
    %get3A_510 = arith.constant 17 : i32
    %get3A_511 = arith.index_cast %get3A_510 : i32 to index
    %get3A_512 = arith.constant 0 : index
    %get3A_513 = tpu.vector_load %arg7[%get3A_511, %get3A_512] {strides = array<i32>} : memref<25x16xi32, #tpu.memory_space<vmem>>, vector<1x16xi32>,
    %get3A_514 = vector.shape_cast %get3A_513 : vector<1x16xi32> to vector<16xi32>
    %dma_start3A_515 = arith.constant 272 : i32
    %dma_start3A_516 = arith.constant 0 : i32
    %dma_start3A_517 = tpu.memref_slice %arg9[%dma_start3A_515, %dma_start3A_516] : memref<400x16xf32, #tpu.memory_space<vmem>> -> memref<16x16xf32, #tpu.memory_space<vmem>>
    %dma_start3A_518 = arith.constant 0 : i32
    %dma_start3A_519 = arith.constant 0 : i32
    %dma_start3A_520 = tpu.memref_slice %arg11[%dma_start3A_518, %dma_start3A_519] : memref<100000x16xf32, #tpu.memory_space<vmem_shared>> -> memref<100000x16xf32, #tpu.memory_space<vmem_shared>>
    tpu.enqueue_indirect_dma source(%dma_start3A_520 : memref<100000x16xf32, #tpu.memory_space<vmem_shared>>) target(%dma_start3A_517 : memref<16x16xf32, #tpu.memory_space<vmem>>) offsets(%get3A_514 : vector<16xi32>) semaphore(%arg15 : memref<!tpu.dma_semaphore, #tpu.memory_space<semaphore_mem>>)
    %get3A_521 = arith.constant 18 : i32
    %get3A_522 = arith.index_cast %get3A_521 : i32 to index
    %get3A_523 = arith.constant 0 : index
    %get3A_524 = tpu.vector_load %arg7[%get3A_522, %get3A_523] {strides = array<i32>} : memref<25x16xi32, #tpu.memory_space<vmem>>, vector<1x16xi32>,
    %get3A_525 = vector.shape_cast %get3A_524 : vector<1x16xi32> to vector<16xi32>
    %dma_start3A_526 = arith.constant 288 : i32
    %dma_start3A_527 = arith.constant 0 : i32
    %dma_start3A_528 = tpu.memref_slice %arg9[%dma_start3A_526, %dma_start3A_527] : memref<400x16xf32, #tpu.memory_space<vmem>> -> memref<16x16xf32, #tpu.memory_space<vmem>>
    %dma_start3A_529 = arith.constant 0 : i32
    %dma_start3A_530 = arith.constant 0 : i32
    %dma_start3A_531 = tpu.memref_slice %arg11[%dma_start3A_529, %dma_start3A_530] : memref<100000x16xf32, #tpu.memory_space<vmem_shared>> -> memref<100000x16xf32, #tpu.memory_space<vmem_shared>>
    tpu.enqueue_indirect_dma source(%dma_start3A_531 : memref<100000x16xf32, #tpu.memory_space<vmem_shared>>) target(%dma_start3A_528 : memref<16x16xf32, #tpu.memory_space<vmem>>) offsets(%get3A_525 : vector<16xi32>) semaphore(%arg15 : memref<!tpu.dma_semaphore, #tpu.memory_space<semaphore_mem>>)
    %get3A_532 = arith.constant 19 : i32
    %get3A_533 = arith.index_cast %get3A_532 : i32 to index
    %get3A_534 = arith.constant 0 : index
    %get3A_535 = tpu.vector_load %arg7[%get3A_533, %get3A_534] {strides = array<i32>} : memref<25x16xi32, #tpu.memory_space<vmem>>, vector<1x16xi32>,
    %get3A_536 = vector.shape_cast %get3A_535 : vector<1x16xi32> to vector<16xi32>
    %dma_start3A_537 = arith.constant 304 : i32
    %dma_start3A_538 = arith.constant 0 : i32
    %dma_start3A_539 = tpu.memref_slice %arg9[%dma_start3A_537, %dma_start3A_538] : memref<400x16xf32, #tpu.memory_space<vmem>> -> memref<16x16xf32, #tpu.memory_space<vmem>>
    %dma_start3A_540 = arith.constant 0 : i32
    %dma_start3A_541 = arith.constant 0 : i32
    %dma_start3A_542 = tpu.memref_slice %arg11[%dma_start3A_540, %dma_start3A_541] : memref<100000x16xf32, #tpu.memory_space<vmem_shared>> -> memref<100000x16xf32, #tpu.memory_space<vmem_shared>>
    tpu.enqueue_indirect_dma source(%dma_start3A_542 : memref<100000x16xf32, #tpu.memory_space<vmem_shared>>) target(%dma_start3A_539 : memref<16x16xf32, #tpu.memory_space<vmem>>) offsets(%get3A_536 : vector<16xi32>) semaphore(%arg15 : memref<!tpu.dma_semaphore, #tpu.memory_space<semaphore_mem>>)
    %get3A_543 = arith.constant 20 : i32
    %get3A_544 = arith.index_cast %get3A_543 : i32 to index
    %get3A_545 = arith.constant 0 : index
    %get3A_546 = tpu.vector_load %arg7[%get3A_544, %get3A_545] {strides = array<i32>} : memref<25x16xi32, #tpu.memory_space<vmem>>, vector<1x16xi32>,
    %get3A_547 = vector.shape_cast %get3A_546 : vector<1x16xi32> to vector<16xi32>
    %dma_start3A_548 = arith.constant 320 : i32
    %dma_start3A_549 = arith.constant 0 : i32
    %dma_start3A_550 = tpu.memref_slice %arg9[%dma_start3A_548, %dma_start3A_549] : memref<400x16xf32, #tpu.memory_space<vmem>> -> memref<16x16xf32, #tpu.memory_space<vmem>>
    %dma_start3A_551 = arith.constant 0 : i32
    %dma_start3A_552 = arith.constant 0 : i32
    %dma_start3A_553 = tpu.memref_slice %arg11[%dma_start3A_551, %dma_start3A_552] : memref<100000x16xf32, #tpu.memory_space<vmem_shared>> -> memref<100000x16xf32, #tpu.memory_space<vmem_shared>>
    tpu.enqueue_indirect_dma source(%dma_start3A_553 : memref<100000x16xf32, #tpu.memory_space<vmem_shared>>) target(%dma_start3A_550 : memref<16x16xf32, #tpu.memory_space<vmem>>) offsets(%get3A_547 : vector<16xi32>) semaphore(%arg15 : memref<!tpu.dma_semaphore, #tpu.memory_space<semaphore_mem>>)
    %get3A_554 = arith.constant 21 : i32
    %get3A_555 = arith.index_cast %get3A_554 : i32 to index
    %get3A_556 = arith.constant 0 : index
    %get3A_557 = tpu.vector_load %arg7[%get3A_555, %get3A_556] {strides = array<i32>} : memref<25x16xi32, #tpu.memory_space<vmem>>, vector<1x16xi32>,
    %get3A_558 = vector.shape_cast %get3A_557 : vector<1x16xi32> to vector<16xi32>
    %dma_start3A_559 = arith.constant 336 : i32
    %dma_start3A_560 = arith.constant 0 : i32
    %dma_start3A_561 = tpu.memref_slice %arg9[%dma_start3A_559, %dma_start3A_560] : memref<400x16xf32, #tpu.memory_space<vmem>> -> memref<16x16xf32, #tpu.memory_space<vmem>>
    %dma_start3A_562 = arith.constant 0 : i32
    %dma_start3A_563 = arith.constant 0 : i32
    %dma_start3A_564 = tpu.memref_slice %arg11[%dma_start3A_562, %dma_start3A_563] : memref<100000x16xf32, #tpu.memory_space<vmem_shared>> -> memref<100000x16xf32, #tpu.memory_space<vmem_shared>>
    tpu.enqueue_indirect_dma source(%dma_start3A_564 : memref<100000x16xf32, #tpu.memory_space<vmem_shared>>) target(%dma_start3A_561 : memref<16x16xf32, #tpu.memory_space<vmem>>) offsets(%get3A_558 : vector<16xi32>) semaphore(%arg15 : memref<!tpu.dma_semaphore, #tpu.memory_space<semaphore_mem>>)
    %get3A_565 = arith.constant 22 : i32
    %get3A_566 = arith.index_cast %get3A_565 : i32 to index
    %get3A_567 = arith.constant 0 : index
    %get3A_568 = tpu.vector_load %arg7[%get3A_566, %get3A_567] {strides = array<i32>} : memref<25x16xi32, #tpu.memory_space<vmem>>, vector<1x16xi32>,
    %get3A_569 = vector.shape_cast %get3A_568 : vector<1x16xi32> to vector<16xi32>
    %dma_start3A_570 = arith.constant 352 : i32
    %dma_start3A_571 = arith.constant 0 : i32
    %dma_start3A_572 = tpu.memref_slice %arg9[%dma_start3A_570, %dma_start3A_571] : memref<400x16xf32, #tpu.memory_space<vmem>> -> memref<16x16xf32, #tpu.memory_space<vmem>>
    %dma_start3A_573 = arith.constant 0 : i32
    %dma_start3A_574 = arith.constant 0 : i32
    %dma_start3A_575 = tpu.memref_slice %arg11[%dma_start3A_573, %dma_start3A_574] : memref<100000x16xf32, #tpu.memory_space<vmem_shared>> -> memref<100000x16xf32, #tpu.memory_space<vmem_shared>>
    tpu.enqueue_indirect_dma source(%dma_start3A_575 : memref<100000x16xf32, #tpu.memory_space<vmem_shared>>) target(%dma_start3A_572 : memref<16x16xf32, #tpu.memory_space<vmem>>) offsets(%get3A_569 : vector<16xi32>) semaphore(%arg15 : memref<!tpu.dma_semaphore, #tpu.memory_space<semaphore_mem>>)
    %get3A_576 = arith.constant 23 : i32
    %get3A_577 = arith.index_cast %get3A_576 : i32 to index
    %get3A_578 = arith.constant 0 : index
    %get3A_579 = tpu.vector_load %arg7[%get3A_577, %get3A_578] {strides = array<i32>} : memref<25x16xi32, #tpu.memory_space<vmem>>, vector<1x16xi32>,
    %get3A_580 = vector.shape_cast %get3A_579 : vector<1x16xi32> to vector<16xi32>
    %dma_start3A_581 = arith.constant 368 : i32
    %dma_start3A_582 = arith.constant 0 : i32
    %dma_start3A_583 = tpu.memref_slice %arg9[%dma_start3A_581, %dma_start3A_582] : memref<400x16xf32, #tpu.memory_space<vmem>> -> memref<16x16xf32, #tpu.memory_space<vmem>>
    %dma_start3A_584 = arith.constant 0 : i32
    %dma_start3A_585 = arith.constant 0 : i32
    %dma_start3A_586 = tpu.memref_slice %arg11[%dma_start3A_584, %dma_start3A_585] : memref<100000x16xf32, #tpu.memory_space<vmem_shared>> -> memref<100000x16xf32, #tpu.memory_space<vmem_shared>>
    tpu.enqueue_indirect_dma source(%dma_start3A_586 : memref<100000x16xf32, #tpu.memory_space<vmem_shared>>) target(%dma_start3A_583 : memref<16x16xf32, #tpu.memory_space<vmem>>) offsets(%get3A_580 : vector<16xi32>) semaphore(%arg15 : memref<!tpu.dma_semaphore, #tpu.memory_space<semaphore_mem>>)
    %get3A_587 = arith.constant 24 : i32
    %get3A_588 = arith.index_cast %get3A_587 : i32 to index
    %get3A_589 = arith.constant 0 : index
    %get3A_590 = tpu.vector_load %arg7[%get3A_588, %get3A_589] {strides = array<i32>} : memref<25x16xi32, #tpu.memory_space<vmem>>, vector<1x16xi32>,
    %get3A_591 = vector.shape_cast %get3A_590 : vector<1x16xi32> to vector<16xi32>
    %dma_start3A_592 = arith.constant 384 : i32
    %dma_start3A_593 = arith.constant 0 : i32
    %dma_start3A_594 = tpu.memref_slice %arg9[%dma_start3A_592, %dma_start3A_593] : memref<400x16xf32, #tpu.memory_space<vmem>> -> memref<16x16xf32, #tpu.memory_space<vmem>>
    %dma_start3A_595 = arith.constant 0 : i32
    %dma_start3A_596 = arith.constant 0 : i32
    %dma_start3A_597 = tpu.memref_slice %arg11[%dma_start3A_595, %dma_start3A_596] : memref<100000x16xf32, #tpu.memory_space<vmem_shared>> -> memref<100000x16xf32, #tpu.memory_space<vmem_shared>>
    tpu.enqueue_indirect_dma source(%dma_start3A_597 : memref<100000x16xf32, #tpu.memory_space<vmem_shared>>) target(%dma_start3A_594 : memref<16x16xf32, #tpu.memory_space<vmem>>) offsets(%get3A_591 : vector<16xi32>) semaphore(%arg15 : memref<!tpu.dma_semaphore, #tpu.memory_space<semaphore_mem>>)
    %add3A_598 = arith.constant 3 : i32
    %add3A_599 = arith.addi %mul3A_2, %add3A_598 : i32
    %dma_start3A_600 = arith.constant 0 : i32
    %dma_start3A_601 = arith.constant 0 : i32
    %dma_start3A_602 = tpu.memref_slice %arg2[%add3A_599, %dma_start3A_600, %dma_start3A_601] : memref<2048x25x16xi32, #tpu.memory_space<hbm>> -> memref<1x25x16xi32, #tpu.memory_space<hbm>>
    %dma_start3A_603 = tpu.memref_squeeze %dma_start3A_602 : memref<1x25x16xi32, #tpu.memory_space<hbm>> -> memref<25x16xi32, #tpu.memory_space<hbm>>
    %dma_start3A_604 = arith.constant 0 : i32
    %dma_start3A_605 = arith.constant 0 : i32
    %dma_start3A_606 = tpu.memref_slice %arg2[%add3A_599, %dma_start3A_604, %dma_start3A_605] : memref<2048x25x16xi32, #tpu.memory_space<hbm>> -> memref<1x25x16xi32, #tpu.memory_space<hbm>>
    %dma_start3A_607 = tpu.memref_squeeze %dma_start3A_606 : memref<1x25x16xi32, #tpu.memory_space<hbm>> -> memref<25x16xi32, #tpu.memory_space<hbm>>
    tpu.enqueue_dma source(%dma_start3A_607 : memref<25x16xi32, #tpu.memory_space<hbm>>) target(%arg7 : memref<25x16xi32, #tpu.memory_space<vmem>>) target_semaphore(%arg13 : memref<!tpu.dma_semaphore, #tpu.memory_space<semaphore_mem>>)
    %scan3A = arith.constant 0 : i32
    %scan3A_608 = arith.constant 0 : i32
    %scan3A_609 = arith.constant 32 : i32
    %scan3A_610 = arith.addi %scan3A_608, %scan3A_609 : i32
    %scan3A_611 = arith.constant 1 : i32
    %scan3A_612 = scf.for %scan3A_630 = %scan3A_608 to %scan3A_610 step %scan3A_611 iter_args(%scan3A_631 = %scan3A) -> (i32)  : i32 {
      %mul3A_632 = arith.constant 2 : i32
      %mul3A_633 = arith.muli %scan3A_630, %mul3A_632 : i32
      %add3A_634 = arith.constant 0 : i32
      %add3A_635 = arith.addi %mul3A_633, %add3A_634 : i32
      %dma_wait3A_636 = arith.constant 0 : i32
      %dma_wait3A_637 = arith.constant 0 : i32
      %dma_wait3A_638 = tpu.memref_slice %arg3[%dma_wait3A_636, %dma_wait3A_637] : memref<100000x16xf32, #tpu.memory_space<hbm>> -> memref<400x16xf32, #tpu.memory_space<hbm>>
      %dma_wait3A_639 = arith.constant 0 : i32
      %dma_wait3A_640 = arith.constant 0 : i32
      %dma_wait3A_641 = tpu.memref_slice %arg3[%dma_wait3A_639, %dma_wait3A_640] : memref<100000x16xf32, #tpu.memory_space<hbm>> -> memref<400x16xf32, #tpu.memory_space<hbm>>
      tpu.wait_dma2 semaphore(%arg14 : memref<!tpu.dma_semaphore, #tpu.memory_space<semaphore_mem>>) src(%dma_wait3A_641 : memref<400x16xf32, #tpu.memory_space<hbm>>) dst(%arg8 : memref<400x16xf32, #tpu.memory_space<vmem>>)
      %parallel_loop3A = arith.constant 0 : i32
      %parallel_loop3A_642 = arith.constant 400 : i32
      %parallel_loop3A_643 = arith.constant 1 : i32
      scf.for %parallel_loop3A_691 = %parallel_loop3A to %parallel_loop3A_642 step %parallel_loop3A_643  : i32 {
        %parallel_loop3A_692 = arith.index_cast %parallel_loop3A_691 : i32 to index
        %parallel_loop3A_693 = arith.constant 0 : index
        %parallel_loop3A_694 = tpu.vector_load %arg8[%parallel_loop3A_692, %parallel_loop3A_693] {strides = array<i32>} : memref<400x16xf32, #tpu.memory_space<vmem>>, vector<1x16xf32>,
        %parallel_loop3A_695 = vector.shape_cast %parallel_loop3A_694 : vector<1x16xf32> to vector<16xf32>
        %parallel_loop3A_696 = arith.index_cast %parallel_loop3A_691 : i32 to index
        %parallel_loop3A_697 = arith.constant 0 : index
        %parallel_loop3A_698 = tpu.vector_load %arg10[%parallel_loop3A_696, %parallel_loop3A_697] {strides = array<i32>} : memref<400x16xf32, #tpu.memory_space<vmem>>, vector<1x16xf32>,
        %parallel_loop3A_699 = vector.shape_cast %parallel_loop3A_698 : vector<1x16xf32> to vector<16xf32>
        %parallel_loop3A_700 = arith.addf %parallel_loop3A_695, %parallel_loop3A_699 : vector<16xf32>
        %parallel_loop3A_701 = arith.index_cast %parallel_loop3A_691 : i32 to index
        %parallel_loop3A_702 = arith.constant 0 : index
        %parallel_loop3A_703 = tpu.vector_load %arg8[%parallel_loop3A_701, %parallel_loop3A_702] {strides = array<i32>} : memref<400x16xf32, #tpu.memory_space<vmem>>, vector<1x16xf32>,
        %parallel_loop3A_704 = vector.shape_cast %parallel_loop3A_703 : vector<1x16xf32> to vector<16xf32>
        %parallel_loop3A_705 = vector.shape_cast %parallel_loop3A_700 : vector<16xf32> to vector<1x16xf32>
        tpu.vector_store %arg8[%parallel_loop3A_701, %parallel_loop3A_702], %parallel_loop3A_705 {strides = array<i32>} : memref<400x16xf32, #tpu.memory_space<vmem>>, vector<1x16xf32>,
      } {sc.loop_unroll_factor = 8 : i64, sc.parallel_access}
      %add3A_644 = arith.addi %mul3A_2, %add3A_635 : i32
      %dma_start3A_645 = arith.constant 0 : i32
      %dma_start3A_646 = arith.constant 0 : i32
      %dma_start3A_647 = tpu.memref_slice %arg5[%add3A_644, %dma_start3A_645, %dma_start3A_646] : memref<2048x400x16xf32, #tpu.memory_space<hbm>> -> memref<1x400x16xf32, #tpu.memory_space<hbm>>
      %dma_start3A_648 = tpu.memref_squeeze %dma_start3A_647 : memref<1x400x16xf32, #tpu.memory_space<hbm>> -> memref<400x16xf32, #tpu.memory_space<hbm>>
      %dma_start3A_649 = arith.constant 0 : i32
      %dma_start3A_650 = arith.constant 0 : i32
      %dma_start3A_651 = tpu.memref_slice %arg5[%add3A_644, %dma_start3A_649, %dma_start3A_650] : memref<2048x400x16xf32, #tpu.memory_space<hbm>> -> memref<1x400x16xf32, #tpu.memory_space<hbm>>
      %dma_start3A_652 = tpu.memref_squeeze %dma_start3A_651 : memref<1x400x16xf32, #tpu.memory_space<hbm>> -> memref<400x16xf32, #tpu.memory_space<hbm>>
      tpu.enqueue_dma source(%arg8 : memref<400x16xf32, #tpu.memory_space<vmem>>) target(%dma_start3A_652 : memref<400x16xf32, #tpu.memory_space<hbm>>) target_semaphore(%arg16 : memref<!tpu.dma_semaphore, #tpu.memory_space<semaphore_mem>>)
      %lt3A = arith.constant 31 : i32
      %lt3A_653 = arith.cmpi slt, %scan3A_630, %lt3A : i32
      %convert_element_type3A = arith.extui %lt3A_653 : i1 to i32
      %cond3A = arith.constant 0 : i32
      %cond3A_654 = arith.cmpi ne, %convert_element_type3A, %cond3A : i32
      scf.if %cond3A_654 {
        %dma_wait3A_691 = arith.constant 0 : i32
        %dma_wait3A_692 = arith.constant 0 : i32
        %dma_wait3A_693 = tpu.memref_slice %arg5[%mul3A_2, %dma_wait3A_691, %dma_wait3A_692] : memref<2048x400x16xf32, #tpu.memory_space<hbm>> -> memref<1x400x16xf32, #tpu.memory_space<hbm>>
        %dma_wait3A_694 = tpu.memref_squeeze %dma_wait3A_693 : memref<1x400x16xf32, #tpu.memory_space<hbm>> -> memref<400x16xf32, #tpu.memory_space<hbm>>
        %dma_wait3A_695 = arith.constant 0 : i32
        %dma_wait3A_696 = arith.constant 0 : i32
        %dma_wait3A_697 = tpu.memref_slice %arg5[%mul3A_2, %dma_wait3A_695, %dma_wait3A_696] : memref<2048x400x16xf32, #tpu.memory_space<hbm>> -> memref<1x400x16xf32, #tpu.memory_space<hbm>>
        %dma_wait3A_698 = tpu.memref_squeeze %dma_wait3A_697 : memref<1x400x16xf32, #tpu.memory_space<hbm>> -> memref<400x16xf32, #tpu.memory_space<hbm>>
        tpu.wait_dma2 semaphore(%arg16 : memref<!tpu.dma_semaphore, #tpu.memory_space<semaphore_mem>>) src(%arg8 : memref<400x16xf32, #tpu.memory_space<vmem>>) dst(%dma_wait3A_698 : memref<400x16xf32, #tpu.memory_space<hbm>>)
        %dma_wait3A_699 = arith.constant 0 : i32
        %dma_wait3A_700 = arith.constant 0 : i32
        %dma_wait3A_701 = tpu.memref_slice %arg2[%mul3A_2, %dma_wait3A_699, %dma_wait3A_700] : memref<2048x25x16xi32, #tpu.memory_space<hbm>> -> memref<1x25x16xi32, #tpu.memory_space<hbm>>
        %dma_wait3A_702 = tpu.memref_squeeze %dma_wait3A_701 : memref<1x25x16xi32, #tpu.memory_space<hbm>> -> memref<25x16xi32, #tpu.memory_space<hbm>>
        %dma_wait3A_703 = arith.constant 0 : i32
        %dma_wait3A_704 = arith.constant 0 : i32
        %dma_wait3A_705 = tpu.memref_slice %arg2[%mul3A_2, %dma_wait3A_703, %dma_wait3A_704] : memref<2048x25x16xi32, #tpu.memory_space<hbm>> -> memref<1x25x16xi32, #tpu.memory_space<hbm>>
        %dma_wait3A_706 = tpu.memref_squeeze %dma_wait3A_705 : memref<1x25x16xi32, #tpu.memory_space<hbm>> -> memref<25x16xi32, #tpu.memory_space<hbm>>
        tpu.wait_dma2 semaphore(%arg12 : memref<!tpu.dma_semaphore, #tpu.memory_space<semaphore_mem>>) src(%dma_wait3A_706 : memref<25x16xi32, #tpu.memory_space<hbm>>) dst(%arg6 : memref<25x16xi32, #tpu.memory_space<vmem>>)
        %get3A_707 = arith.constant 0 : i32
        %get3A_708 = arith.index_cast %get3A_707 : i32 to index
        %get3A_709 = arith.constant 0 : index
        %get3A_710 = tpu.vector_load %arg6[%get3A_708, %get3A_709] {strides = array<i32>} : memref<25x16xi32, #tpu.memory_space<vmem>>, vector<1x16xi32>,
        %get3A_711 = vector.shape_cast %get3A_710 : vector<1x16xi32> to vector<16xi32>
        %dma_start3A_712 = arith.constant 0 : i32
        %dma_start3A_713 = arith.constant 0 : i32
        %dma_start3A_714 = tpu.memref_slice %arg8[%dma_start3A_712, %dma_start3A_713] : memref<400x16xf32, #tpu.memory_space<vmem>> -> memref<16x16xf32, #tpu.memory_space<vmem>>
        %dma_start3A_715 = arith.constant 0 : i32
        %dma_start3A_716 = arith.constant 0 : i32
        %dma_start3A_717 = tpu.memref_slice %arg11[%dma_start3A_715, %dma_start3A_716] : memref<100000x16xf32, #tpu.memory_space<vmem_shared>> -> memref<100000x16xf32, #tpu.memory_space<vmem_shared>>
        tpu.enqueue_indirect_dma source(%dma_start3A_717 : memref<100000x16xf32, #tpu.memory_space<vmem_shared>>) target(%dma_start3A_714 : memref<16x16xf32, #tpu.memory_space<vmem>>) offsets(%get3A_711 : vector<16xi32>) semaphore(%arg14 : memref<!tpu.dma_semaphore, #tpu.memory_space<semaphore_mem>>)
        %get3A_718 = arith.constant 1 : i32
        %get3A_719 = arith.index_cast %get3A_718 : i32 to index
        %get3A_720 = arith.constant 0 : index
        %get3A_721 = tpu.vector_load %arg6[%get3A_719, %get3A_720] {strides = array<i32>} : memref<25x16xi32, #tpu.memory_space<vmem>>, vector<1x16xi32>,
        %get3A_722 = vector.shape_cast %get3A_721 : vector<1x16xi32> to vector<16xi32>
        %dma_start3A_723 = arith.constant 16 : i32
        %dma_start3A_724 = arith.constant 0 : i32
        %dma_start3A_725 = tpu.memref_slice %arg8[%dma_start3A_723, %dma_start3A_724] : memref<400x16xf32, #tpu.memory_space<vmem>> -> memref<16x16xf32, #tpu.memory_space<vmem>>
        %dma_start3A_726 = arith.constant 0 : i32
        %dma_start3A_727 = arith.constant 0 : i32
        %dma_start3A_728 = tpu.memref_slice %arg11[%dma_start3A_726, %dma_start3A_727] : memref<100000x16xf32, #tpu.memory_space<vmem_shared>> -> memref<100000x16xf32, #tpu.memory_space<vmem_shared>>
        tpu.enqueue_indirect_dma source(%dma_start3A_728 : memref<100000x16xf32, #tpu.memory_space<vmem_shared>>) target(%dma_start3A_725 : memref<16x16xf32, #tpu.memory_space<vmem>>) offsets(%get3A_722 : vector<16xi32>) semaphore(%arg14 : memref<!tpu.dma_semaphore, #tpu.memory_space<semaphore_mem>>)
        %get3A_729 = arith.constant 2 : i32
        %get3A_730 = arith.index_cast %get3A_729 : i32 to index
        %get3A_731 = arith.constant 0 : index
        %get3A_732 = tpu.vector_load %arg6[%get3A_730, %get3A_731] {strides = array<i32>} : memref<25x16xi32, #tpu.memory_space<vmem>>, vector<1x16xi32>,
        %get3A_733 = vector.shape_cast %get3A_732 : vector<1x16xi32> to vector<16xi32>
        %dma_start3A_734 = arith.constant 32 : i32
        %dma_start3A_735 = arith.constant 0 : i32
        %dma_start3A_736 = tpu.memref_slice %arg8[%dma_start3A_734, %dma_start3A_735] : memref<400x16xf32, #tpu.memory_space<vmem>> -> memref<16x16xf32, #tpu.memory_space<vmem>>
        %dma_start3A_737 = arith.constant 0 : i32
        %dma_start3A_738 = arith.constant 0 : i32
        %dma_start3A_739 = tpu.memref_slice %arg11[%dma_start3A_737, %dma_start3A_738] : memref<100000x16xf32, #tpu.memory_space<vmem_shared>> -> memref<100000x16xf32, #tpu.memory_space<vmem_shared>>
        tpu.enqueue_indirect_dma source(%dma_start3A_739 : memref<100000x16xf32, #tpu.memory_space<vmem_shared>>) target(%dma_start3A_736 : memref<16x16xf32, #tpu.memory_space<vmem>>) offsets(%get3A_733 : vector<16xi32>) semaphore(%arg14 : memref<!tpu.dma_semaphore, #tpu.memory_space<semaphore_mem>>)
        %get3A_740 = arith.constant 3 : i32
        %get3A_741 = arith.index_cast %get3A_740 : i32 to index
        %get3A_742 = arith.constant 0 : index
        %get3A_743 = tpu.vector_load %arg6[%get3A_741, %get3A_742] {strides = array<i32>} : memref<25x16xi32, #tpu.memory_space<vmem>>, vector<1x16xi32>,
        %get3A_744 = vector.shape_cast %get3A_743 : vector<1x16xi32> to vector<16xi32>
        %dma_start3A_745 = arith.constant 48 : i32
        %dma_start3A_746 = arith.constant 0 : i32
        %dma_start3A_747 = tpu.memref_slice %arg8[%dma_start3A_745, %dma_start3A_746] : memref<400x16xf32, #tpu.memory_space<vmem>> -> memref<16x16xf32, #tpu.memory_space<vmem>>
        %dma_start3A_748 = arith.constant 0 : i32
        %dma_start3A_749 = arith.constant 0 : i32
        %dma_start3A_750 = tpu.memref_slice %arg11[%dma_start3A_748, %dma_start3A_749] : memref<100000x16xf32, #tpu.memory_space<vmem_shared>> -> memref<100000x16xf32, #tpu.memory_space<vmem_shared>>
        tpu.enqueue_indirect_dma source(%dma_start3A_750 : memref<100000x16xf32, #tpu.memory_space<vmem_shared>>) target(%dma_start3A_747 : memref<16x16xf32, #tpu.memory_space<vmem>>) offsets(%get3A_744 : vector<16xi32>) semaphore(%arg14 : memref<!tpu.dma_semaphore, #tpu.memory_space<semaphore_mem>>)
        %get3A_751 = arith.constant 4 : i32
        %get3A_752 = arith.index_cast %get3A_751 : i32 to index
        %get3A_753 = arith.constant 0 : index
        %get3A_754 = tpu.vector_load %arg6[%get3A_752, %get3A_753] {strides = array<i32>} : memref<25x16xi32, #tpu.memory_space<vmem>>, vector<1x16xi32>,
        %get3A_755 = vector.shape_cast %get3A_754 : vector<1x16xi32> to vector<16xi32>
        %dma_start3A_756 = arith.constant 64 : i32
        %dma_start3A_757 = arith.constant 0 : i32
        %dma_start3A_758 = tpu.memref_slice %arg8[%dma_start3A_756, %dma_start3A_757] : memref<400x16xf32, #tpu.memory_space<vmem>> -> memref<16x16xf32, #tpu.memory_space<vmem>>
        %dma_start3A_759 = arith.constant 0 : i32
        %dma_start3A_760 = arith.constant 0 : i32
        %dma_start3A_761 = tpu.memref_slice %arg11[%dma_start3A_759, %dma_start3A_760] : memref<100000x16xf32, #tpu.memory_space<vmem_shared>> -> memref<100000x16xf32, #tpu.memory_space<vmem_shared>>
        tpu.enqueue_indirect_dma source(%dma_start3A_761 : memref<100000x16xf32, #tpu.memory_space<vmem_shared>>) target(%dma_start3A_758 : memref<16x16xf32, #tpu.memory_space<vmem>>) offsets(%get3A_755 : vector<16xi32>) semaphore(%arg14 : memref<!tpu.dma_semaphore, #tpu.memory_space<semaphore_mem>>)
        %get3A_762 = arith.constant 5 : i32
        %get3A_763 = arith.index_cast %get3A_762 : i32 to index
        %get3A_764 = arith.constant 0 : index
        %get3A_765 = tpu.vector_load %arg6[%get3A_763, %get3A_764] {strides = array<i32>} : memref<25x16xi32, #tpu.memory_space<vmem>>, vector<1x16xi32>,
        %get3A_766 = vector.shape_cast %get3A_765 : vector<1x16xi32> to vector<16xi32>
        %dma_start3A_767 = arith.constant 80 : i32
        %dma_start3A_768 = arith.constant 0 : i32
        %dma_start3A_769 = tpu.memref_slice %arg8[%dma_start3A_767, %dma_start3A_768] : memref<400x16xf32, #tpu.memory_space<vmem>> -> memref<16x16xf32, #tpu.memory_space<vmem>>
        %dma_start3A_770 = arith.constant 0 : i32
        %dma_start3A_771 = arith.constant 0 : i32
        %dma_start3A_772 = tpu.memref_slice %arg11[%dma_start3A_770, %dma_start3A_771] : memref<100000x16xf32, #tpu.memory_space<vmem_shared>> -> memref<100000x16xf32, #tpu.memory_space<vmem_shared>>
        tpu.enqueue_indirect_dma source(%dma_start3A_772 : memref<100000x16xf32, #tpu.memory_space<vmem_shared>>) target(%dma_start3A_769 : memref<16x16xf32, #tpu.memory_space<vmem>>) offsets(%get3A_766 : vector<16xi32>) semaphore(%arg14 : memref<!tpu.dma_semaphore, #tpu.memory_space<semaphore_mem>>)
        %get3A_773 = arith.constant 6 : i32
        %get3A_774 = arith.index_cast %get3A_773 : i32 to index
        %get3A_775 = arith.constant 0 : index
        %get3A_776 = tpu.vector_load %arg6[%get3A_774, %get3A_775] {strides = array<i32>} : memref<25x16xi32, #tpu.memory_space<vmem>>, vector<1x16xi32>,
        %get3A_777 = vector.shape_cast %get3A_776 : vector<1x16xi32> to vector<16xi32>
        %dma_start3A_778 = arith.constant 96 : i32
        %dma_start3A_779 = arith.constant 0 : i32
        %dma_start3A_780 = tpu.memref_slice %arg8[%dma_start3A_778, %dma_start3A_779] : memref<400x16xf32, #tpu.memory_space<vmem>> -> memref<16x16xf32, #tpu.memory_space<vmem>>
        %dma_start3A_781 = arith.constant 0 : i32
        %dma_start3A_782 = arith.constant 0 : i32
        %dma_start3A_783 = tpu.memref_slice %arg11[%dma_start3A_781, %dma_start3A_782] : memref<100000x16xf32, #tpu.memory_space<vmem_shared>> -> memref<100000x16xf32, #tpu.memory_space<vmem_shared>>
        tpu.enqueue_indirect_dma source(%dma_start3A_783 : memref<100000x16xf32, #tpu.memory_space<vmem_shared>>) target(%dma_start3A_780 : memref<16x16xf32, #tpu.memory_space<vmem>>) offsets(%get3A_777 : vector<16xi32>) semaphore(%arg14 : memref<!tpu.dma_semaphore, #tpu.memory_space<semaphore_mem>>)
        %get3A_784 = arith.constant 7 : i32
        %get3A_785 = arith.index_cast %get3A_784 : i32 to index
        %get3A_786 = arith.constant 0 : index
        %get3A_787 = tpu.vector_load %arg6[%get3A_785, %get3A_786] {strides = array<i32>} : memref<25x16xi32, #tpu.memory_space<vmem>>, vector<1x16xi32>,
        %get3A_788 = vector.shape_cast %get3A_787 : vector<1x16xi32> to vector<16xi32>
        %dma_start3A_789 = arith.constant 112 : i32
        %dma_start3A_790 = arith.constant 0 : i32
        %dma_start3A_791 = tpu.memref_slice %arg8[%dma_start3A_789, %dma_start3A_790] : memref<400x16xf32, #tpu.memory_space<vmem>> -> memref<16x16xf32, #tpu.memory_space<vmem>>
        %dma_start3A_792 = arith.constant 0 : i32
        %dma_start3A_793 = arith.constant 0 : i32
        %dma_start3A_794 = tpu.memref_slice %arg11[%dma_start3A_792, %dma_start3A_793] : memref<100000x16xf32, #tpu.memory_space<vmem_shared>> -> memref<100000x16xf32, #tpu.memory_space<vmem_shared>>
        tpu.enqueue_indirect_dma source(%dma_start3A_794 : memref<100000x16xf32, #tpu.memory_space<vmem_shared>>) target(%dma_start3A_791 : memref<16x16xf32, #tpu.memory_space<vmem>>) offsets(%get3A_788 : vector<16xi32>) semaphore(%arg14 : memref<!tpu.dma_semaphore, #tpu.memory_space<semaphore_mem>>)
        %get3A_795 = arith.constant 8 : i32
        %get3A_796 = arith.index_cast %get3A_795 : i32 to index
        %get3A_797 = arith.constant 0 : index
        %get3A_798 = tpu.vector_load %arg6[%get3A_796, %get3A_797] {strides = array<i32>} : memref<25x16xi32, #tpu.memory_space<vmem>>, vector<1x16xi32>,
        %get3A_799 = vector.shape_cast %get3A_798 : vector<1x16xi32> to vector<16xi32>
        %dma_start3A_800 = arith.constant 128 : i32
        %dma_start3A_801 = arith.constant 0 : i32
        %dma_start3A_802 = tpu.memref_slice %arg8[%dma_start3A_800, %dma_start3A_801] : memref<400x16xf32, #tpu.memory_space<vmem>> -> memref<16x16xf32, #tpu.memory_space<vmem>>
        %dma_start3A_803 = arith.constant 0 : i32
        %dma_start3A_804 = arith.constant 0 : i32
        %dma_start3A_805 = tpu.memref_slice %arg11[%dma_start3A_803, %dma_start3A_804] : memref<100000x16xf32, #tpu.memory_space<vmem_shared>> -> memref<100000x16xf32, #tpu.memory_space<vmem_shared>>
        tpu.enqueue_indirect_dma source(%dma_start3A_805 : memref<100000x16xf32, #tpu.memory_space<vmem_shared>>) target(%dma_start3A_802 : memref<16x16xf32, #tpu.memory_space<vmem>>) offsets(%get3A_799 : vector<16xi32>) semaphore(%arg14 : memref<!tpu.dma_semaphore, #tpu.memory_space<semaphore_mem>>)
        %get3A_806 = arith.constant 9 : i32
        %get3A_807 = arith.index_cast %get3A_806 : i32 to index
        %get3A_808 = arith.constant 0 : index
        %get3A_809 = tpu.vector_load %arg6[%get3A_807, %get3A_808] {strides = array<i32>} : memref<25x16xi32, #tpu.memory_space<vmem>>, vector<1x16xi32>,
        %get3A_810 = vector.shape_cast %get3A_809 : vector<1x16xi32> to vector<16xi32>
        %dma_start3A_811 = arith.constant 144 : i32
        %dma_start3A_812 = arith.constant 0 : i32
        %dma_start3A_813 = tpu.memref_slice %arg8[%dma_start3A_811, %dma_start3A_812] : memref<400x16xf32, #tpu.memory_space<vmem>> -> memref<16x16xf32, #tpu.memory_space<vmem>>
        %dma_start3A_814 = arith.constant 0 : i32
        %dma_start3A_815 = arith.constant 0 : i32
        %dma_start3A_816 = tpu.memref_slice %arg11[%dma_start3A_814, %dma_start3A_815] : memref<100000x16xf32, #tpu.memory_space<vmem_shared>> -> memref<100000x16xf32, #tpu.memory_space<vmem_shared>>
        tpu.enqueue_indirect_dma source(%dma_start3A_816 : memref<100000x16xf32, #tpu.memory_space<vmem_shared>>) target(%dma_start3A_813 : memref<16x16xf32, #tpu.memory_space<vmem>>) offsets(%get3A_810 : vector<16xi32>) semaphore(%arg14 : memref<!tpu.dma_semaphore, #tpu.memory_space<semaphore_mem>>)
        %get3A_817 = arith.constant 10 : i32
        %get3A_818 = arith.index_cast %get3A_817 : i32 to index
        %get3A_819 = arith.constant 0 : index
        %get3A_820 = tpu.vector_load %arg6[%get3A_818, %get3A_819] {strides = array<i32>} : memref<25x16xi32, #tpu.memory_space<vmem>>, vector<1x16xi32>,
        %get3A_821 = vector.shape_cast %get3A_820 : vector<1x16xi32> to vector<16xi32>
        %dma_start3A_822 = arith.constant 160 : i32
        %dma_start3A_823 = arith.constant 0 : i32
        %dma_start3A_824 = tpu.memref_slice %arg8[%dma_start3A_822, %dma_start3A_823] : memref<400x16xf32, #tpu.memory_space<vmem>> -> memref<16x16xf32, #tpu.memory_space<vmem>>
        %dma_start3A_825 = arith.constant 0 : i32
        %dma_start3A_826 = arith.constant 0 : i32
        %dma_start3A_827 = tpu.memref_slice %arg11[%dma_start3A_825, %dma_start3A_826] : memref<100000x16xf32, #tpu.memory_space<vmem_shared>> -> memref<100000x16xf32, #tpu.memory_space<vmem_shared>>
        tpu.enqueue_indirect_dma source(%dma_start3A_827 : memref<100000x16xf32, #tpu.memory_space<vmem_shared>>) target(%dma_start3A_824 : memref<16x16xf32, #tpu.memory_space<vmem>>) offsets(%get3A_821 : vector<16xi32>) semaphore(%arg14 : memref<!tpu.dma_semaphore, #tpu.memory_space<semaphore_mem>>)
        %get3A_828 = arith.constant 11 : i32
        %get3A_829 = arith.index_cast %get3A_828 : i32 to index
        %get3A_830 = arith.constant 0 : index
        %get3A_831 = tpu.vector_load %arg6[%get3A_829, %get3A_830] {strides = array<i32>} : memref<25x16xi32, #tpu.memory_space<vmem>>, vector<1x16xi32>,
        %get3A_832 = vector.shape_cast %get3A_831 : vector<1x16xi32> to vector<16xi32>
        %dma_start3A_833 = arith.constant 176 : i32
        %dma_start3A_834 = arith.constant 0 : i32
        %dma_start3A_835 = tpu.memref_slice %arg8[%dma_start3A_833, %dma_start3A_834] : memref<400x16xf32, #tpu.memory_space<vmem>> -> memref<16x16xf32, #tpu.memory_space<vmem>>
        %dma_start3A_836 = arith.constant 0 : i32
        %dma_start3A_837 = arith.constant 0 : i32
        %dma_start3A_838 = tpu.memref_slice %arg11[%dma_start3A_836, %dma_start3A_837] : memref<100000x16xf32, #tpu.memory_space<vmem_shared>> -> memref<100000x16xf32, #tpu.memory_space<vmem_shared>>
        tpu.enqueue_indirect_dma source(%dma_start3A_838 : memref<100000x16xf32, #tpu.memory_space<vmem_shared>>) target(%dma_start3A_835 : memref<16x16xf32, #tpu.memory_space<vmem>>) offsets(%get3A_832 : vector<16xi32>) semaphore(%arg14 : memref<!tpu.dma_semaphore, #tpu.memory_space<semaphore_mem>>)
        %get3A_839 = arith.constant 12 : i32
        %get3A_840 = arith.index_cast %get3A_839 : i32 to index
        %get3A_841 = arith.constant 0 : index
        %get3A_842 = tpu.vector_load %arg6[%get3A_840, %get3A_841] {strides = array<i32>} : memref<25x16xi32, #tpu.memory_space<vmem>>, vector<1x16xi32>,
        %get3A_843 = vector.shape_cast %get3A_842 : vector<1x16xi32> to vector<16xi32>
        %dma_start3A_844 = arith.constant 192 : i32
        %dma_start3A_845 = arith.constant 0 : i32
        %dma_start3A_846 = tpu.memref_slice %arg8[%dma_start3A_844, %dma_start3A_845] : memref<400x16xf32, #tpu.memory_space<vmem>> -> memref<16x16xf32, #tpu.memory_space<vmem>>
        %dma_start3A_847 = arith.constant 0 : i32
        %dma_start3A_848 = arith.constant 0 : i32
        %dma_start3A_849 = tpu.memref_slice %arg11[%dma_start3A_847, %dma_start3A_848] : memref<100000x16xf32, #tpu.memory_space<vmem_shared>> -> memref<100000x16xf32, #tpu.memory_space<vmem_shared>>
        tpu.enqueue_indirect_dma source(%dma_start3A_849 : memref<100000x16xf32, #tpu.memory_space<vmem_shared>>) target(%dma_start3A_846 : memref<16x16xf32, #tpu.memory_space<vmem>>) offsets(%get3A_843 : vector<16xi32>) semaphore(%arg14 : memref<!tpu.dma_semaphore, #tpu.memory_space<semaphore_mem>>)
        %get3A_850 = arith.constant 13 : i32
        %get3A_851 = arith.index_cast %get3A_850 : i32 to index
        %get3A_852 = arith.constant 0 : index
        %get3A_853 = tpu.vector_load %arg6[%get3A_851, %get3A_852] {strides = array<i32>} : memref<25x16xi32, #tpu.memory_space<vmem>>, vector<1x16xi32>,
        %get3A_854 = vector.shape_cast %get3A_853 : vector<1x16xi32> to vector<16xi32>
        %dma_start3A_855 = arith.constant 208 : i32
        %dma_start3A_856 = arith.constant 0 : i32
        %dma_start3A_857 = tpu.memref_slice %arg8[%dma_start3A_855, %dma_start3A_856] : memref<400x16xf32, #tpu.memory_space<vmem>> -> memref<16x16xf32, #tpu.memory_space<vmem>>
        %dma_start3A_858 = arith.constant 0 : i32
        %dma_start3A_859 = arith.constant 0 : i32
        %dma_start3A_860 = tpu.memref_slice %arg11[%dma_start3A_858, %dma_start3A_859] : memref<100000x16xf32, #tpu.memory_space<vmem_shared>> -> memref<100000x16xf32, #tpu.memory_space<vmem_shared>>
        tpu.enqueue_indirect_dma source(%dma_start3A_860 : memref<100000x16xf32, #tpu.memory_space<vmem_shared>>) target(%dma_start3A_857 : memref<16x16xf32, #tpu.memory_space<vmem>>) offsets(%get3A_854 : vector<16xi32>) semaphore(%arg14 : memref<!tpu.dma_semaphore, #tpu.memory_space<semaphore_mem>>)
        %get3A_861 = arith.constant 14 : i32
        %get3A_862 = arith.index_cast %get3A_861 : i32 to index
        %get3A_863 = arith.constant 0 : index
        %get3A_864 = tpu.vector_load %arg6[%get3A_862, %get3A_863] {strides = array<i32>} : memref<25x16xi32, #tpu.memory_space<vmem>>, vector<1x16xi32>,
        %get3A_865 = vector.shape_cast %get3A_864 : vector<1x16xi32> to vector<16xi32>
        %dma_start3A_866 = arith.constant 224 : i32
        %dma_start3A_867 = arith.constant 0 : i32
        %dma_start3A_868 = tpu.memref_slice %arg8[%dma_start3A_866, %dma_start3A_867] : memref<400x16xf32, #tpu.memory_space<vmem>> -> memref<16x16xf32, #tpu.memory_space<vmem>>
        %dma_start3A_869 = arith.constant 0 : i32
        %dma_start3A_870 = arith.constant 0 : i32
        %dma_start3A_871 = tpu.memref_slice %arg11[%dma_start3A_869, %dma_start3A_870] : memref<100000x16xf32, #tpu.memory_space<vmem_shared>> -> memref<100000x16xf32, #tpu.memory_space<vmem_shared>>
        tpu.enqueue_indirect_dma source(%dma_start3A_871 : memref<100000x16xf32, #tpu.memory_space<vmem_shared>>) target(%dma_start3A_868 : memref<16x16xf32, #tpu.memory_space<vmem>>) offsets(%get3A_865 : vector<16xi32>) semaphore(%arg14 : memref<!tpu.dma_semaphore, #tpu.memory_space<semaphore_mem>>)
        %get3A_872 = arith.constant 15 : i32
        %get3A_873 = arith.index_cast %get3A_872 : i32 to index
        %get3A_874 = arith.constant 0 : index
        %get3A_875 = tpu.vector_load %arg6[%get3A_873, %get3A_874] {strides = array<i32>} : memref<25x16xi32, #tpu.memory_space<vmem>>, vector<1x16xi32>,
        %get3A_876 = vector.shape_cast %get3A_875 : vector<1x16xi32> to vector<16xi32>
        %dma_start3A_877 = arith.constant 240 : i32
        %dma_start3A_878 = arith.constant 0 : i32
        %dma_start3A_879 = tpu.memref_slice %arg8[%dma_start3A_877, %dma_start3A_878] : memref<400x16xf32, #tpu.memory_space<vmem>> -> memref<16x16xf32, #tpu.memory_space<vmem>>
        %dma_start3A_880 = arith.constant 0 : i32
        %dma_start3A_881 = arith.constant 0 : i32
        %dma_start3A_882 = tpu.memref_slice %arg11[%dma_start3A_880, %dma_start3A_881] : memref<100000x16xf32, #tpu.memory_space<vmem_shared>> -> memref<100000x16xf32, #tpu.memory_space<vmem_shared>>
        tpu.enqueue_indirect_dma source(%dma_start3A_882 : memref<100000x16xf32, #tpu.memory_space<vmem_shared>>) target(%dma_start3A_879 : memref<16x16xf32, #tpu.memory_space<vmem>>) offsets(%get3A_876 : vector<16xi32>) semaphore(%arg14 : memref<!tpu.dma_semaphore, #tpu.memory_space<semaphore_mem>>)
        %get3A_883 = arith.constant 16 : i32
        %get3A_884 = arith.index_cast %get3A_883 : i32 to index
        %get3A_885 = arith.constant 0 : index
        %get3A_886 = tpu.vector_load %arg6[%get3A_884, %get3A_885] {strides = array<i32>} : memref<25x16xi32, #tpu.memory_space<vmem>>, vector<1x16xi32>,
        %get3A_887 = vector.shape_cast %get3A_886 : vector<1x16xi32> to vector<16xi32>
        %dma_start3A_888 = arith.constant 256 : i32
        %dma_start3A_889 = arith.constant 0 : i32
        %dma_start3A_890 = tpu.memref_slice %arg8[%dma_start3A_888, %dma_start3A_889] : memref<400x16xf32, #tpu.memory_space<vmem>> -> memref<16x16xf32, #tpu.memory_space<vmem>>
        %dma_start3A_891 = arith.constant 0 : i32
        %dma_start3A_892 = arith.constant 0 : i32
        %dma_start3A_893 = tpu.memref_slice %arg11[%dma_start3A_891, %dma_start3A_892] : memref<100000x16xf32, #tpu.memory_space<vmem_shared>> -> memref<100000x16xf32, #tpu.memory_space<vmem_shared>>
        tpu.enqueue_indirect_dma source(%dma_start3A_893 : memref<100000x16xf32, #tpu.memory_space<vmem_shared>>) target(%dma_start3A_890 : memref<16x16xf32, #tpu.memory_space<vmem>>) offsets(%get3A_887 : vector<16xi32>) semaphore(%arg14 : memref<!tpu.dma_semaphore, #tpu.memory_space<semaphore_mem>>)
        %get3A_894 = arith.constant 17 : i32
        %get3A_895 = arith.index_cast %get3A_894 : i32 to index
        %get3A_896 = arith.constant 0 : index
        %get3A_897 = tpu.vector_load %arg6[%get3A_895, %get3A_896] {strides = array<i32>} : memref<25x16xi32, #tpu.memory_space<vmem>>, vector<1x16xi32>,
        %get3A_898 = vector.shape_cast %get3A_897 : vector<1x16xi32> to vector<16xi32>
        %dma_start3A_899 = arith.constant 272 : i32
        %dma_start3A_900 = arith.constant 0 : i32
        %dma_start3A_901 = tpu.memref_slice %arg8[%dma_start3A_899, %dma_start3A_900] : memref<400x16xf32, #tpu.memory_space<vmem>> -> memref<16x16xf32, #tpu.memory_space<vmem>>
        %dma_start3A_902 = arith.constant 0 : i32
        %dma_start3A_903 = arith.constant 0 : i32
        %dma_start3A_904 = tpu.memref_slice %arg11[%dma_start3A_902, %dma_start3A_903] : memref<100000x16xf32, #tpu.memory_space<vmem_shared>> -> memref<100000x16xf32, #tpu.memory_space<vmem_shared>>
        tpu.enqueue_indirect_dma source(%dma_start3A_904 : memref<100000x16xf32, #tpu.memory_space<vmem_shared>>) target(%dma_start3A_901 : memref<16x16xf32, #tpu.memory_space<vmem>>) offsets(%get3A_898 : vector<16xi32>) semaphore(%arg14 : memref<!tpu.dma_semaphore, #tpu.memory_space<semaphore_mem>>)
        %get3A_905 = arith.constant 18 : i32
        %get3A_906 = arith.index_cast %get3A_905 : i32 to index
        %get3A_907 = arith.constant 0 : index
        %get3A_908 = tpu.vector_load %arg6[%get3A_906, %get3A_907] {strides = array<i32>} : memref<25x16xi32, #tpu.memory_space<vmem>>, vector<1x16xi32>,
        %get3A_909 = vector.shape_cast %get3A_908 : vector<1x16xi32> to vector<16xi32>
        %dma_start3A_910 = arith.constant 288 : i32
        %dma_start3A_911 = arith.constant 0 : i32
        %dma_start3A_912 = tpu.memref_slice %arg8[%dma_start3A_910, %dma_start3A_911] : memref<400x16xf32, #tpu.memory_space<vmem>> -> memref<16x16xf32, #tpu.memory_space<vmem>>
        %dma_start3A_913 = arith.constant 0 : i32
        %dma_start3A_914 = arith.constant 0 : i32
        %dma_start3A_915 = tpu.memref_slice %arg11[%dma_start3A_913, %dma_start3A_914] : memref<100000x16xf32, #tpu.memory_space<vmem_shared>> -> memref<100000x16xf32, #tpu.memory_space<vmem_shared>>
        tpu.enqueue_indirect_dma source(%dma_start3A_915 : memref<100000x16xf32, #tpu.memory_space<vmem_shared>>) target(%dma_start3A_912 : memref<16x16xf32, #tpu.memory_space<vmem>>) offsets(%get3A_909 : vector<16xi32>) semaphore(%arg14 : memref<!tpu.dma_semaphore, #tpu.memory_space<semaphore_mem>>)
        %get3A_916 = arith.constant 19 : i32
        %get3A_917 = arith.index_cast %get3A_916 : i32 to index
        %get3A_918 = arith.constant 0 : index
        %get3A_919 = tpu.vector_load %arg6[%get3A_917, %get3A_918] {strides = array<i32>} : memref<25x16xi32, #tpu.memory_space<vmem>>, vector<1x16xi32>,
        %get3A_920 = vector.shape_cast %get3A_919 : vector<1x16xi32> to vector<16xi32>
        %dma_start3A_921 = arith.constant 304 : i32
        %dma_start3A_922 = arith.constant 0 : i32
        %dma_start3A_923 = tpu.memref_slice %arg8[%dma_start3A_921, %dma_start3A_922] : memref<400x16xf32, #tpu.memory_space<vmem>> -> memref<16x16xf32, #tpu.memory_space<vmem>>
        %dma_start3A_924 = arith.constant 0 : i32
        %dma_start3A_925 = arith.constant 0 : i32
        %dma_start3A_926 = tpu.memref_slice %arg11[%dma_start3A_924, %dma_start3A_925] : memref<100000x16xf32, #tpu.memory_space<vmem_shared>> -> memref<100000x16xf32, #tpu.memory_space<vmem_shared>>
        tpu.enqueue_indirect_dma source(%dma_start3A_926 : memref<100000x16xf32, #tpu.memory_space<vmem_shared>>) target(%dma_start3A_923 : memref<16x16xf32, #tpu.memory_space<vmem>>) offsets(%get3A_920 : vector<16xi32>) semaphore(%arg14 : memref<!tpu.dma_semaphore, #tpu.memory_space<semaphore_mem>>)
        %get3A_927 = arith.constant 20 : i32
        %get3A_928 = arith.index_cast %get3A_927 : i32 to index
        %get3A_929 = arith.constant 0 : index
        %get3A_930 = tpu.vector_load %arg6[%get3A_928, %get3A_929] {strides = array<i32>} : memref<25x16xi32, #tpu.memory_space<vmem>>, vector<1x16xi32>,
        %get3A_931 = vector.shape_cast %get3A_930 : vector<1x16xi32> to vector<16xi32>
        %dma_start3A_932 = arith.constant 320 : i32
        %dma_start3A_933 = arith.constant 0 : i32
        %dma_start3A_934 = tpu.memref_slice %arg8[%dma_start3A_932, %dma_start3A_933] : memref<400x16xf32, #tpu.memory_space<vmem>> -> memref<16x16xf32, #tpu.memory_space<vmem>>
        %dma_start3A_935 = arith.constant 0 : i32
        %dma_start3A_936 = arith.constant 0 : i32
        %dma_start3A_937 = tpu.memref_slice %arg11[%dma_start3A_935, %dma_start3A_936] : memref<100000x16xf32, #tpu.memory_space<vmem_shared>> -> memref<100000x16xf32, #tpu.memory_space<vmem_shared>>
        tpu.enqueue_indirect_dma source(%dma_start3A_937 : memref<100000x16xf32, #tpu.memory_space<vmem_shared>>) target(%dma_start3A_934 : memref<16x16xf32, #tpu.memory_space<vmem>>) offsets(%get3A_931 : vector<16xi32>) semaphore(%arg14 : memref<!tpu.dma_semaphore, #tpu.memory_space<semaphore_mem>>)
        %get3A_938 = arith.constant 21 : i32
        %get3A_939 = arith.index_cast %get3A_938 : i32 to index
        %get3A_940 = arith.constant 0 : index
        %get3A_941 = tpu.vector_load %arg6[%get3A_939, %get3A_940] {strides = array<i32>} : memref<25x16xi32, #tpu.memory_space<vmem>>, vector<1x16xi32>,
        %get3A_942 = vector.shape_cast %get3A_941 : vector<1x16xi32> to vector<16xi32>
        %dma_start3A_943 = arith.constant 336 : i32
        %dma_start3A_944 = arith.constant 0 : i32
        %dma_start3A_945 = tpu.memref_slice %arg8[%dma_start3A_943, %dma_start3A_944] : memref<400x16xf32, #tpu.memory_space<vmem>> -> memref<16x16xf32, #tpu.memory_space<vmem>>
        %dma_start3A_946 = arith.constant 0 : i32
        %dma_start3A_947 = arith.constant 0 : i32
        %dma_start3A_948 = tpu.memref_slice %arg11[%dma_start3A_946, %dma_start3A_947] : memref<100000x16xf32, #tpu.memory_space<vmem_shared>> -> memref<100000x16xf32, #tpu.memory_space<vmem_shared>>
        tpu.enqueue_indirect_dma source(%dma_start3A_948 : memref<100000x16xf32, #tpu.memory_space<vmem_shared>>) target(%dma_start3A_945 : memref<16x16xf32, #tpu.memory_space<vmem>>) offsets(%get3A_942 : vector<16xi32>) semaphore(%arg14 : memref<!tpu.dma_semaphore, #tpu.memory_space<semaphore_mem>>)
        %get3A_949 = arith.constant 22 : i32
        %get3A_950 = arith.index_cast %get3A_949 : i32 to index
        %get3A_951 = arith.constant 0 : index
        %get3A_952 = tpu.vector_load %arg6[%get3A_950, %get3A_951] {strides = array<i32>} : memref<25x16xi32, #tpu.memory_space<vmem>>, vector<1x16xi32>,
        %get3A_953 = vector.shape_cast %get3A_952 : vector<1x16xi32> to vector<16xi32>
        %dma_start3A_954 = arith.constant 352 : i32
        %dma_start3A_955 = arith.constant 0 : i32
        %dma_start3A_956 = tpu.memref_slice %arg8[%dma_start3A_954, %dma_start3A_955] : memref<400x16xf32, #tpu.memory_space<vmem>> -> memref<16x16xf32, #tpu.memory_space<vmem>>
        %dma_start3A_957 = arith.constant 0 : i32
        %dma_start3A_958 = arith.constant 0 : i32
        %dma_start3A_959 = tpu.memref_slice %arg11[%dma_start3A_957, %dma_start3A_958] : memref<100000x16xf32, #tpu.memory_space<vmem_shared>> -> memref<100000x16xf32, #tpu.memory_space<vmem_shared>>
        tpu.enqueue_indirect_dma source(%dma_start3A_959 : memref<100000x16xf32, #tpu.memory_space<vmem_shared>>) target(%dma_start3A_956 : memref<16x16xf32, #tpu.memory_space<vmem>>) offsets(%get3A_953 : vector<16xi32>) semaphore(%arg14 : memref<!tpu.dma_semaphore, #tpu.memory_space<semaphore_mem>>)
        %get3A_960 = arith.constant 23 : i32
        %get3A_961 = arith.index_cast %get3A_960 : i32 to index
        %get3A_962 = arith.constant 0 : index
        %get3A_963 = tpu.vector_load %arg6[%get3A_961, %get3A_962] {strides = array<i32>} : memref<25x16xi32, #tpu.memory_space<vmem>>, vector<1x16xi32>,
        %get3A_964 = vector.shape_cast %get3A_963 : vector<1x16xi32> to vector<16xi32>
        %dma_start3A_965 = arith.constant 368 : i32
        %dma_start3A_966 = arith.constant 0 : i32
        %dma_start3A_967 = tpu.memref_slice %arg8[%dma_start3A_965, %dma_start3A_966] : memref<400x16xf32, #tpu.memory_space<vmem>> -> memref<16x16xf32, #tpu.memory_space<vmem>>
        %dma_start3A_968 = arith.constant 0 : i32
        %dma_start3A_969 = arith.constant 0 : i32
        %dma_start3A_970 = tpu.memref_slice %arg11[%dma_start3A_968, %dma_start3A_969] : memref<100000x16xf32, #tpu.memory_space<vmem_shared>> -> memref<100000x16xf32, #tpu.memory_space<vmem_shared>>
        tpu.enqueue_indirect_dma source(%dma_start3A_970 : memref<100000x16xf32, #tpu.memory_space<vmem_shared>>) target(%dma_start3A_967 : memref<16x16xf32, #tpu.memory_space<vmem>>) offsets(%get3A_964 : vector<16xi32>) semaphore(%arg14 : memref<!tpu.dma_semaphore, #tpu.memory_space<semaphore_mem>>)
        %get3A_971 = arith.constant 24 : i32
        %get3A_972 = arith.index_cast %get3A_971 : i32 to index
        %get3A_973 = arith.constant 0 : index
        %get3A_974 = tpu.vector_load %arg6[%get3A_972, %get3A_973] {strides = array<i32>} : memref<25x16xi32, #tpu.memory_space<vmem>>, vector<1x16xi32>,
        %get3A_975 = vector.shape_cast %get3A_974 : vector<1x16xi32> to vector<16xi32>
        %dma_start3A_976 = arith.constant 384 : i32
        %dma_start3A_977 = arith.constant 0 : i32
        %dma_start3A_978 = tpu.memref_slice %arg8[%dma_start3A_976, %dma_start3A_977] : memref<400x16xf32, #tpu.memory_space<vmem>> -> memref<16x16xf32, #tpu.memory_space<vmem>>
        %dma_start3A_979 = arith.constant 0 : i32
        %dma_start3A_980 = arith.constant 0 : i32
        %dma_start3A_981 = tpu.memref_slice %arg11[%dma_start3A_979, %dma_start3A_980] : memref<100000x16xf32, #tpu.memory_space<vmem_shared>> -> memref<100000x16xf32, #tpu.memory_space<vmem_shared>>
        tpu.enqueue_indirect_dma source(%dma_start3A_981 : memref<100000x16xf32, #tpu.memory_space<vmem_shared>>) target(%dma_start3A_978 : memref<16x16xf32, #tpu.memory_space<vmem>>) offsets(%get3A_975 : vector<16xi32>) semaphore(%arg14 : memref<!tpu.dma_semaphore, #tpu.memory_space<semaphore_mem>>)
      } else {
      }
      %lt3A_655 = arith.constant 30 : i32
      %lt3A_656 = arith.cmpi slt, %scan3A_630, %lt3A_655 : i32
      %convert_element_type3A_657 = arith.extui %lt3A_656 : i1 to i32
      %cond3A_658 = arith.constant 0 : i32
      %cond3A_659 = arith.cmpi ne, %convert_element_type3A_657, %cond3A_658 : i32
      scf.if %cond3A_659 {
        %add3A_691 = arith.constant 0 : i32
        %add3A_692 = arith.addi %mul3A_633, %add3A_691 : i32
        %add3A_693 = arith.constant 4 : i32
        %add3A_694 = arith.addi %add3A_692, %add3A_693 : i32
        %add3A_695 = arith.addi %mul3A_2, %add3A_694 : i32
        %dma_start3A_696 = arith.constant 0 : i32
        %dma_start3A_697 = arith.constant 0 : i32
        %dma_start3A_698 = tpu.memref_slice %arg2[%add3A_695, %dma_start3A_696, %dma_start3A_697] : memref<2048x25x16xi32, #tpu.memory_space<hbm>> -> memref<1x25x16xi32, #tpu.memory_space<hbm>>
        %dma_start3A_699 = tpu.memref_squeeze %dma_start3A_698 : memref<1x25x16xi32, #tpu.memory_space<hbm>> -> memref<25x16xi32, #tpu.memory_space<hbm>>
        %dma_start3A_700 = arith.constant 0 : i32
        %dma_start3A_701 = arith.constant 0 : i32
        %dma_start3A_702 = tpu.memref_slice %arg2[%add3A_695, %dma_start3A_700, %dma_start3A_701] : memref<2048x25x16xi32, #tpu.memory_space<hbm>> -> memref<1x25x16xi32, #tpu.memory_space<hbm>>
        %dma_start3A_703 = tpu.memref_squeeze %dma_start3A_702 : memref<1x25x16xi32, #tpu.memory_space<hbm>> -> memref<25x16xi32, #tpu.memory_space<hbm>>
        tpu.enqueue_dma source(%dma_start3A_703 : memref<25x16xi32, #tpu.memory_space<hbm>>) target(%arg6 : memref<25x16xi32, #tpu.memory_space<vmem>>) target_semaphore(%arg12 : memref<!tpu.dma_semaphore, #tpu.memory_space<semaphore_mem>>)
      } else {
      }
      %add3A_660 = arith.constant 1 : i32
      %add3A_661 = arith.addi %mul3A_633, %add3A_660 : i32
      %dma_wait3A_662 = arith.constant 0 : i32
      %dma_wait3A_663 = arith.constant 0 : i32
      %dma_wait3A_664 = tpu.memref_slice %arg3[%dma_wait3A_662, %dma_wait3A_663] : memref<100000x16xf32, #tpu.memory_space<hbm>> -> memref<400x16xf32, #tpu.memory_space<hbm>>
      %dma_wait3A_665 = arith.constant 0 : i32
      %dma_wait3A_666 = arith.constant 0 : i32
      %dma_wait3A_667 = tpu.memref_slice %arg3[%dma_wait3A_665, %dma_wait3A_666] : memref<100000x16xf32, #tpu.memory_space<hbm>> -> memref<400x16xf32, #tpu.memory_space<hbm>>
      tpu.wait_dma2 semaphore(%arg15 : memref<!tpu.dma_semaphore, #tpu.memory_space<semaphore_mem>>) src(%dma_wait3A_667 : memref<400x16xf32, #tpu.memory_space<hbm>>) dst(%arg9 : memref<400x16xf32, #tpu.memory_space<vmem>>)
      %parallel_loop3A_668 = arith.constant 0 : i32
      %parallel_loop3A_669 = arith.constant 400 : i32
      %parallel_loop3A_670 = arith.constant 1 : i32
      scf.for %parallel_loop3A_691 = %parallel_loop3A_668 to %parallel_loop3A_669 step %parallel_loop3A_670  : i32 {
        %parallel_loop3A_692 = arith.index_cast %parallel_loop3A_691 : i32 to index
        %parallel_loop3A_693 = arith.constant 0 : index
        %parallel_loop3A_694 = tpu.vector_load %arg9[%parallel_loop3A_692, %parallel_loop3A_693] {strides = array<i32>} : memref<400x16xf32, #tpu.memory_space<vmem>>, vector<1x16xf32>,
        %parallel_loop3A_695 = vector.shape_cast %parallel_loop3A_694 : vector<1x16xf32> to vector<16xf32>
        %parallel_loop3A_696 = arith.index_cast %parallel_loop3A_691 : i32 to index
        %parallel_loop3A_697 = arith.constant 0 : index
        %parallel_loop3A_698 = tpu.vector_load %arg10[%parallel_loop3A_696, %parallel_loop3A_697] {strides = array<i32>} : memref<400x16xf32, #tpu.memory_space<vmem>>, vector<1x16xf32>,
        %parallel_loop3A_699 = vector.shape_cast %parallel_loop3A_698 : vector<1x16xf32> to vector<16xf32>
        %parallel_loop3A_700 = arith.addf %parallel_loop3A_695, %parallel_loop3A_699 : vector<16xf32>
        %parallel_loop3A_701 = arith.index_cast %parallel_loop3A_691 : i32 to index
        %parallel_loop3A_702 = arith.constant 0 : index
        %parallel_loop3A_703 = tpu.vector_load %arg9[%parallel_loop3A_701, %parallel_loop3A_702] {strides = array<i32>} : memref<400x16xf32, #tpu.memory_space<vmem>>, vector<1x16xf32>,
        %parallel_loop3A_704 = vector.shape_cast %parallel_loop3A_703 : vector<1x16xf32> to vector<16xf32>
        %parallel_loop3A_705 = vector.shape_cast %parallel_loop3A_700 : vector<16xf32> to vector<1x16xf32>
        tpu.vector_store %arg9[%parallel_loop3A_701, %parallel_loop3A_702], %parallel_loop3A_705 {strides = array<i32>} : memref<400x16xf32, #tpu.memory_space<vmem>>, vector<1x16xf32>,
      } {sc.loop_unroll_factor = 8 : i64, sc.parallel_access}
      %add3A_671 = arith.addi %mul3A_2, %add3A_661 : i32
      %dma_start3A_672 = arith.constant 0 : i32
      %dma_start3A_673 = arith.constant 0 : i32
      %dma_start3A_674 = tpu.memref_slice %arg5[%add3A_671, %dma_start3A_672, %dma_start3A_673] : memref<2048x400x16xf32, #tpu.memory_space<hbm>> -> memref<1x400x16xf32, #tpu.memory_space<hbm>>
      %dma_start3A_675 = tpu.memref_squeeze %dma_start3A_674 : memref<1x400x16xf32, #tpu.memory_space<hbm>> -> memref<400x16xf32, #tpu.memory_space<hbm>>
      %dma_start3A_676 = arith.constant 0 : i32
      %dma_start3A_677 = arith.constant 0 : i32
      %dma_start3A_678 = tpu.memref_slice %arg5[%add3A_671, %dma_start3A_676, %dma_start3A_677] : memref<2048x400x16xf32, #tpu.memory_space<hbm>> -> memref<1x400x16xf32, #tpu.memory_space<hbm>>
      %dma_start3A_679 = tpu.memref_squeeze %dma_start3A_678 : memref<1x400x16xf32, #tpu.memory_space<hbm>> -> memref<400x16xf32, #tpu.memory_space<hbm>>
      tpu.enqueue_dma source(%arg9 : memref<400x16xf32, #tpu.memory_space<vmem>>) target(%dma_start3A_679 : memref<400x16xf32, #tpu.memory_space<hbm>>) target_semaphore(%arg17 : memref<!tpu.dma_semaphore, #tpu.memory_space<semaphore_mem>>)
      %lt3A_680 = arith.constant 31 : i32
      %lt3A_681 = arith.cmpi slt, %scan3A_630, %lt3A_680 : i32
      %convert_element_type3A_682 = arith.extui %lt3A_681 : i1 to i32
      %cond3A_683 = arith.constant 0 : i32
      %cond3A_684 = arith.cmpi ne, %convert_element_type3A_682, %cond3A_683 : i32
      scf.if %cond3A_684 {
        %dma_wait3A_691 = arith.constant 0 : i32
        %dma_wait3A_692 = arith.constant 0 : i32
        %dma_wait3A_693 = tpu.memref_slice %arg5[%mul3A_2, %dma_wait3A_691, %dma_wait3A_692] : memref<2048x400x16xf32, #tpu.memory_space<hbm>> -> memref<1x400x16xf32, #tpu.memory_space<hbm>>
        %dma_wait3A_694 = tpu.memref_squeeze %dma_wait3A_693 : memref<1x400x16xf32, #tpu.memory_space<hbm>> -> memref<400x16xf32, #tpu.memory_space<hbm>>
        %dma_wait3A_695 = arith.constant 0 : i32
        %dma_wait3A_696 = arith.constant 0 : i32
        %dma_wait3A_697 = tpu.memref_slice %arg5[%mul3A_2, %dma_wait3A_695, %dma_wait3A_696] : memref<2048x400x16xf32, #tpu.memory_space<hbm>> -> memref<1x400x16xf32, #tpu.memory_space<hbm>>
        %dma_wait3A_698 = tpu.memref_squeeze %dma_wait3A_697 : memref<1x400x16xf32, #tpu.memory_space<hbm>> -> memref<400x16xf32, #tpu.memory_space<hbm>>
        tpu.wait_dma2 semaphore(%arg17 : memref<!tpu.dma_semaphore, #tpu.memory_space<semaphore_mem>>) src(%arg9 : memref<400x16xf32, #tpu.memory_space<vmem>>) dst(%dma_wait3A_698 : memref<400x16xf32, #tpu.memory_space<hbm>>)
        %dma_wait3A_699 = arith.constant 0 : i32
        %dma_wait3A_700 = arith.constant 0 : i32
        %dma_wait3A_701 = tpu.memref_slice %arg2[%mul3A_2, %dma_wait3A_699, %dma_wait3A_700] : memref<2048x25x16xi32, #tpu.memory_space<hbm>> -> memref<1x25x16xi32, #tpu.memory_space<hbm>>
        %dma_wait3A_702 = tpu.memref_squeeze %dma_wait3A_701 : memref<1x25x16xi32, #tpu.memory_space<hbm>> -> memref<25x16xi32, #tpu.memory_space<hbm>>
        %dma_wait3A_703 = arith.constant 0 : i32
        %dma_wait3A_704 = arith.constant 0 : i32
        %dma_wait3A_705 = tpu.memref_slice %arg2[%mul3A_2, %dma_wait3A_703, %dma_wait3A_704] : memref<2048x25x16xi32, #tpu.memory_space<hbm>> -> memref<1x25x16xi32, #tpu.memory_space<hbm>>
        %dma_wait3A_706 = tpu.memref_squeeze %dma_wait3A_705 : memref<1x25x16xi32, #tpu.memory_space<hbm>> -> memref<25x16xi32, #tpu.memory_space<hbm>>
        tpu.wait_dma2 semaphore(%arg13 : memref<!tpu.dma_semaphore, #tpu.memory_space<semaphore_mem>>) src(%dma_wait3A_706 : memref<25x16xi32, #tpu.memory_space<hbm>>) dst(%arg7 : memref<25x16xi32, #tpu.memory_space<vmem>>)
        %get3A_707 = arith.constant 0 : i32
        %get3A_708 = arith.index_cast %get3A_707 : i32 to index
        %get3A_709 = arith.constant 0 : index
        %get3A_710 = tpu.vector_load %arg7[%get3A_708, %get3A_709] {strides = array<i32>} : memref<25x16xi32, #tpu.memory_space<vmem>>, vector<1x16xi32>,
        %get3A_711 = vector.shape_cast %get3A_710 : vector<1x16xi32> to vector<16xi32>
        %dma_start3A_712 = arith.constant 0 : i32
        %dma_start3A_713 = arith.constant 0 : i32
        %dma_start3A_714 = tpu.memref_slice %arg9[%dma_start3A_712, %dma_start3A_713] : memref<400x16xf32, #tpu.memory_space<vmem>> -> memref<16x16xf32, #tpu.memory_space<vmem>>
        %dma_start3A_715 = arith.constant 0 : i32
        %dma_start3A_716 = arith.constant 0 : i32
        %dma_start3A_717 = tpu.memref_slice %arg11[%dma_start3A_715, %dma_start3A_716] : memref<100000x16xf32, #tpu.memory_space<vmem_shared>> -> memref<100000x16xf32, #tpu.memory_space<vmem_shared>>
        tpu.enqueue_indirect_dma source(%dma_start3A_717 : memref<100000x16xf32, #tpu.memory_space<vmem_shared>>) target(%dma_start3A_714 : memref<16x16xf32, #tpu.memory_space<vmem>>) offsets(%get3A_711 : vector<16xi32>) semaphore(%arg15 : memref<!tpu.dma_semaphore, #tpu.memory_space<semaphore_mem>>)
        %get3A_718 = arith.constant 1 : i32
        %get3A_719 = arith.index_cast %get3A_718 : i32 to index
        %get3A_720 = arith.constant 0 : index
        %get3A_721 = tpu.vector_load %arg7[%get3A_719, %get3A_720] {strides = array<i32>} : memref<25x16xi32, #tpu.memory_space<vmem>>, vector<1x16xi32>,
        %get3A_722 = vector.shape_cast %get3A_721 : vector<1x16xi32> to vector<16xi32>
        %dma_start3A_723 = arith.constant 16 : i32
        %dma_start3A_724 = arith.constant 0 : i32
        %dma_start3A_725 = tpu.memref_slice %arg9[%dma_start3A_723, %dma_start3A_724] : memref<400x16xf32, #tpu.memory_space<vmem>> -> memref<16x16xf32, #tpu.memory_space<vmem>>
        %dma_start3A_726 = arith.constant 0 : i32
        %dma_start3A_727 = arith.constant 0 : i32
        %dma_start3A_728 = tpu.memref_slice %arg11[%dma_start3A_726, %dma_start3A_727] : memref<100000x16xf32, #tpu.memory_space<vmem_shared>> -> memref<100000x16xf32, #tpu.memory_space<vmem_shared>>
        tpu.enqueue_indirect_dma source(%dma_start3A_728 : memref<100000x16xf32, #tpu.memory_space<vmem_shared>>) target(%dma_start3A_725 : memref<16x16xf32, #tpu.memory_space<vmem>>) offsets(%get3A_722 : vector<16xi32>) semaphore(%arg15 : memref<!tpu.dma_semaphore, #tpu.memory_space<semaphore_mem>>)
        %get3A_729 = arith.constant 2 : i32
        %get3A_730 = arith.index_cast %get3A_729 : i32 to index
        %get3A_731 = arith.constant 0 : index
        %get3A_732 = tpu.vector_load %arg7[%get3A_730, %get3A_731] {strides = array<i32>} : memref<25x16xi32, #tpu.memory_space<vmem>>, vector<1x16xi32>,
        %get3A_733 = vector.shape_cast %get3A_732 : vector<1x16xi32> to vector<16xi32>
        %dma_start3A_734 = arith.constant 32 : i32
        %dma_start3A_735 = arith.constant 0 : i32
        %dma_start3A_736 = tpu.memref_slice %arg9[%dma_start3A_734, %dma_start3A_735] : memref<400x16xf32, #tpu.memory_space<vmem>> -> memref<16x16xf32, #tpu.memory_space<vmem>>
        %dma_start3A_737 = arith.constant 0 : i32
        %dma_start3A_738 = arith.constant 0 : i32
        %dma_start3A_739 = tpu.memref_slice %arg11[%dma_start3A_737, %dma_start3A_738] : memref<100000x16xf32, #tpu.memory_space<vmem_shared>> -> memref<100000x16xf32, #tpu.memory_space<vmem_shared>>
        tpu.enqueue_indirect_dma source(%dma_start3A_739 : memref<100000x16xf32, #tpu.memory_space<vmem_shared>>) target(%dma_start3A_736 : memref<16x16xf32, #tpu.memory_space<vmem>>) offsets(%get3A_733 : vector<16xi32>) semaphore(%arg15 : memref<!tpu.dma_semaphore, #tpu.memory_space<semaphore_mem>>)
        %get3A_740 = arith.constant 3 : i32
        %get3A_741 = arith.index_cast %get3A_740 : i32 to index
        %get3A_742 = arith.constant 0 : index
        %get3A_743 = tpu.vector_load %arg7[%get3A_741, %get3A_742] {strides = array<i32>} : memref<25x16xi32, #tpu.memory_space<vmem>>, vector<1x16xi32>,
        %get3A_744 = vector.shape_cast %get3A_743 : vector<1x16xi32> to vector<16xi32>
        %dma_start3A_745 = arith.constant 48 : i32
        %dma_start3A_746 = arith.constant 0 : i32
        %dma_start3A_747 = tpu.memref_slice %arg9[%dma_start3A_745, %dma_start3A_746] : memref<400x16xf32, #tpu.memory_space<vmem>> -> memref<16x16xf32, #tpu.memory_space<vmem>>
        %dma_start3A_748 = arith.constant 0 : i32
        %dma_start3A_749 = arith.constant 0 : i32
        %dma_start3A_750 = tpu.memref_slice %arg11[%dma_start3A_748, %dma_start3A_749] : memref<100000x16xf32, #tpu.memory_space<vmem_shared>> -> memref<100000x16xf32, #tpu.memory_space<vmem_shared>>
        tpu.enqueue_indirect_dma source(%dma_start3A_750 : memref<100000x16xf32, #tpu.memory_space<vmem_shared>>) target(%dma_start3A_747 : memref<16x16xf32, #tpu.memory_space<vmem>>) offsets(%get3A_744 : vector<16xi32>) semaphore(%arg15 : memref<!tpu.dma_semaphore, #tpu.memory_space<semaphore_mem>>)
        %get3A_751 = arith.constant 4 : i32
        %get3A_752 = arith.index_cast %get3A_751 : i32 to index
        %get3A_753 = arith.constant 0 : index
        %get3A_754 = tpu.vector_load %arg7[%get3A_752, %get3A_753] {strides = array<i32>} : memref<25x16xi32, #tpu.memory_space<vmem>>, vector<1x16xi32>,
        %get3A_755 = vector.shape_cast %get3A_754 : vector<1x16xi32> to vector<16xi32>
        %dma_start3A_756 = arith.constant 64 : i32
        %dma_start3A_757 = arith.constant 0 : i32
        %dma_start3A_758 = tpu.memref_slice %arg9[%dma_start3A_756, %dma_start3A_757] : memref<400x16xf32, #tpu.memory_space<vmem>> -> memref<16x16xf32, #tpu.memory_space<vmem>>
        %dma_start3A_759 = arith.constant 0 : i32
        %dma_start3A_760 = arith.constant 0 : i32
        %dma_start3A_761 = tpu.memref_slice %arg11[%dma_start3A_759, %dma_start3A_760] : memref<100000x16xf32, #tpu.memory_space<vmem_shared>> -> memref<100000x16xf32, #tpu.memory_space<vmem_shared>>
        tpu.enqueue_indirect_dma source(%dma_start3A_761 : memref<100000x16xf32, #tpu.memory_space<vmem_shared>>) target(%dma_start3A_758 : memref<16x16xf32, #tpu.memory_space<vmem>>) offsets(%get3A_755 : vector<16xi32>) semaphore(%arg15 : memref<!tpu.dma_semaphore, #tpu.memory_space<semaphore_mem>>)
        %get3A_762 = arith.constant 5 : i32
        %get3A_763 = arith.index_cast %get3A_762 : i32 to index
        %get3A_764 = arith.constant 0 : index
        %get3A_765 = tpu.vector_load %arg7[%get3A_763, %get3A_764] {strides = array<i32>} : memref<25x16xi32, #tpu.memory_space<vmem>>, vector<1x16xi32>,
        %get3A_766 = vector.shape_cast %get3A_765 : vector<1x16xi32> to vector<16xi32>
        %dma_start3A_767 = arith.constant 80 : i32
        %dma_start3A_768 = arith.constant 0 : i32
        %dma_start3A_769 = tpu.memref_slice %arg9[%dma_start3A_767, %dma_start3A_768] : memref<400x16xf32, #tpu.memory_space<vmem>> -> memref<16x16xf32, #tpu.memory_space<vmem>>
        %dma_start3A_770 = arith.constant 0 : i32
        %dma_start3A_771 = arith.constant 0 : i32
        %dma_start3A_772 = tpu.memref_slice %arg11[%dma_start3A_770, %dma_start3A_771] : memref<100000x16xf32, #tpu.memory_space<vmem_shared>> -> memref<100000x16xf32, #tpu.memory_space<vmem_shared>>
        tpu.enqueue_indirect_dma source(%dma_start3A_772 : memref<100000x16xf32, #tpu.memory_space<vmem_shared>>) target(%dma_start3A_769 : memref<16x16xf32, #tpu.memory_space<vmem>>) offsets(%get3A_766 : vector<16xi32>) semaphore(%arg15 : memref<!tpu.dma_semaphore, #tpu.memory_space<semaphore_mem>>)
        %get3A_773 = arith.constant 6 : i32
        %get3A_774 = arith.index_cast %get3A_773 : i32 to index
        %get3A_775 = arith.constant 0 : index
        %get3A_776 = tpu.vector_load %arg7[%get3A_774, %get3A_775] {strides = array<i32>} : memref<25x16xi32, #tpu.memory_space<vmem>>, vector<1x16xi32>,
        %get3A_777 = vector.shape_cast %get3A_776 : vector<1x16xi32> to vector<16xi32>
        %dma_start3A_778 = arith.constant 96 : i32
        %dma_start3A_779 = arith.constant 0 : i32
        %dma_start3A_780 = tpu.memref_slice %arg9[%dma_start3A_778, %dma_start3A_779] : memref<400x16xf32, #tpu.memory_space<vmem>> -> memref<16x16xf32, #tpu.memory_space<vmem>>
        %dma_start3A_781 = arith.constant 0 : i32
        %dma_start3A_782 = arith.constant 0 : i32
        %dma_start3A_783 = tpu.memref_slice %arg11[%dma_start3A_781, %dma_start3A_782] : memref<100000x16xf32, #tpu.memory_space<vmem_shared>> -> memref<100000x16xf32, #tpu.memory_space<vmem_shared>>
        tpu.enqueue_indirect_dma source(%dma_start3A_783 : memref<100000x16xf32, #tpu.memory_space<vmem_shared>>) target(%dma_start3A_780 : memref<16x16xf32, #tpu.memory_space<vmem>>) offsets(%get3A_777 : vector<16xi32>) semaphore(%arg15 : memref<!tpu.dma_semaphore, #tpu.memory_space<semaphore_mem>>)
        %get3A_784 = arith.constant 7 : i32
        %get3A_785 = arith.index_cast %get3A_784 : i32 to index
        %get3A_786 = arith.constant 0 : index
        %get3A_787 = tpu.vector_load %arg7[%get3A_785, %get3A_786] {strides = array<i32>} : memref<25x16xi32, #tpu.memory_space<vmem>>, vector<1x16xi32>,
        %get3A_788 = vector.shape_cast %get3A_787 : vector<1x16xi32> to vector<16xi32>
        %dma_start3A_789 = arith.constant 112 : i32
        %dma_start3A_790 = arith.constant 0 : i32
        %dma_start3A_791 = tpu.memref_slice %arg9[%dma_start3A_789, %dma_start3A_790] : memref<400x16xf32, #tpu.memory_space<vmem>> -> memref<16x16xf32, #tpu.memory_space<vmem>>
        %dma_start3A_792 = arith.constant 0 : i32
        %dma_start3A_793 = arith.constant 0 : i32
        %dma_start3A_794 = tpu.memref_slice %arg11[%dma_start3A_792, %dma_start3A_793] : memref<100000x16xf32, #tpu.memory_space<vmem_shared>> -> memref<100000x16xf32, #tpu.memory_space<vmem_shared>>
        tpu.enqueue_indirect_dma source(%dma_start3A_794 : memref<100000x16xf32, #tpu.memory_space<vmem_shared>>) target(%dma_start3A_791 : memref<16x16xf32, #tpu.memory_space<vmem>>) offsets(%get3A_788 : vector<16xi32>) semaphore(%arg15 : memref<!tpu.dma_semaphore, #tpu.memory_space<semaphore_mem>>)
        %get3A_795 = arith.constant 8 : i32
        %get3A_796 = arith.index_cast %get3A_795 : i32 to index
        %get3A_797 = arith.constant 0 : index
        %get3A_798 = tpu.vector_load %arg7[%get3A_796, %get3A_797] {strides = array<i32>} : memref<25x16xi32, #tpu.memory_space<vmem>>, vector<1x16xi32>,
        %get3A_799 = vector.shape_cast %get3A_798 : vector<1x16xi32> to vector<16xi32>
        %dma_start3A_800 = arith.constant 128 : i32
        %dma_start3A_801 = arith.constant 0 : i32
        %dma_start3A_802 = tpu.memref_slice %arg9[%dma_start3A_800, %dma_start3A_801] : memref<400x16xf32, #tpu.memory_space<vmem>> -> memref<16x16xf32, #tpu.memory_space<vmem>>
        %dma_start3A_803 = arith.constant 0 : i32
        %dma_start3A_804 = arith.constant 0 : i32
        %dma_start3A_805 = tpu.memref_slice %arg11[%dma_start3A_803, %dma_start3A_804] : memref<100000x16xf32, #tpu.memory_space<vmem_shared>> -> memref<100000x16xf32, #tpu.memory_space<vmem_shared>>
        tpu.enqueue_indirect_dma source(%dma_start3A_805 : memref<100000x16xf32, #tpu.memory_space<vmem_shared>>) target(%dma_start3A_802 : memref<16x16xf32, #tpu.memory_space<vmem>>) offsets(%get3A_799 : vector<16xi32>) semaphore(%arg15 : memref<!tpu.dma_semaphore, #tpu.memory_space<semaphore_mem>>)
        %get3A_806 = arith.constant 9 : i32
        %get3A_807 = arith.index_cast %get3A_806 : i32 to index
        %get3A_808 = arith.constant 0 : index
        %get3A_809 = tpu.vector_load %arg7[%get3A_807, %get3A_808] {strides = array<i32>} : memref<25x16xi32, #tpu.memory_space<vmem>>, vector<1x16xi32>,
        %get3A_810 = vector.shape_cast %get3A_809 : vector<1x16xi32> to vector<16xi32>
        %dma_start3A_811 = arith.constant 144 : i32
        %dma_start3A_812 = arith.constant 0 : i32
        %dma_start3A_813 = tpu.memref_slice %arg9[%dma_start3A_811, %dma_start3A_812] : memref<400x16xf32, #tpu.memory_space<vmem>> -> memref<16x16xf32, #tpu.memory_space<vmem>>
        %dma_start3A_814 = arith.constant 0 : i32
        %dma_start3A_815 = arith.constant 0 : i32
        %dma_start3A_816 = tpu.memref_slice %arg11[%dma_start3A_814, %dma_start3A_815] : memref<100000x16xf32, #tpu.memory_space<vmem_shared>> -> memref<100000x16xf32, #tpu.memory_space<vmem_shared>>
        tpu.enqueue_indirect_dma source(%dma_start3A_816 : memref<100000x16xf32, #tpu.memory_space<vmem_shared>>) target(%dma_start3A_813 : memref<16x16xf32, #tpu.memory_space<vmem>>) offsets(%get3A_810 : vector<16xi32>) semaphore(%arg15 : memref<!tpu.dma_semaphore, #tpu.memory_space<semaphore_mem>>)
        %get3A_817 = arith.constant 10 : i32
        %get3A_818 = arith.index_cast %get3A_817 : i32 to index
        %get3A_819 = arith.constant 0 : index
        %get3A_820 = tpu.vector_load %arg7[%get3A_818, %get3A_819] {strides = array<i32>} : memref<25x16xi32, #tpu.memory_space<vmem>>, vector<1x16xi32>,
        %get3A_821 = vector.shape_cast %get3A_820 : vector<1x16xi32> to vector<16xi32>
        %dma_start3A_822 = arith.constant 160 : i32
        %dma_start3A_823 = arith.constant 0 : i32
        %dma_start3A_824 = tpu.memref_slice %arg9[%dma_start3A_822, %dma_start3A_823] : memref<400x16xf32, #tpu.memory_space<vmem>> -> memref<16x16xf32, #tpu.memory_space<vmem>>
        %dma_start3A_825 = arith.constant 0 : i32
        %dma_start3A_826 = arith.constant 0 : i32
        %dma_start3A_827 = tpu.memref_slice %arg11[%dma_start3A_825, %dma_start3A_826] : memref<100000x16xf32, #tpu.memory_space<vmem_shared>> -> memref<100000x16xf32, #tpu.memory_space<vmem_shared>>
        tpu.enqueue_indirect_dma source(%dma_start3A_827 : memref<100000x16xf32, #tpu.memory_space<vmem_shared>>) target(%dma_start3A_824 : memref<16x16xf32, #tpu.memory_space<vmem>>) offsets(%get3A_821 : vector<16xi32>) semaphore(%arg15 : memref<!tpu.dma_semaphore, #tpu.memory_space<semaphore_mem>>)
        %get3A_828 = arith.constant 11 : i32
        %get3A_829 = arith.index_cast %get3A_828 : i32 to index
        %get3A_830 = arith.constant 0 : index
        %get3A_831 = tpu.vector_load %arg7[%get3A_829, %get3A_830] {strides = array<i32>} : memref<25x16xi32, #tpu.memory_space<vmem>>, vector<1x16xi32>,
        %get3A_832 = vector.shape_cast %get3A_831 : vector<1x16xi32> to vector<16xi32>
        %dma_start3A_833 = arith.constant 176 : i32
        %dma_start3A_834 = arith.constant 0 : i32
        %dma_start3A_835 = tpu.memref_slice %arg9[%dma_start3A_833, %dma_start3A_834] : memref<400x16xf32, #tpu.memory_space<vmem>> -> memref<16x16xf32, #tpu.memory_space<vmem>>
        %dma_start3A_836 = arith.constant 0 : i32
        %dma_start3A_837 = arith.constant 0 : i32
        %dma_start3A_838 = tpu.memref_slice %arg11[%dma_start3A_836, %dma_start3A_837] : memref<100000x16xf32, #tpu.memory_space<vmem_shared>> -> memref<100000x16xf32, #tpu.memory_space<vmem_shared>>
        tpu.enqueue_indirect_dma source(%dma_start3A_838 : memref<100000x16xf32, #tpu.memory_space<vmem_shared>>) target(%dma_start3A_835 : memref<16x16xf32, #tpu.memory_space<vmem>>) offsets(%get3A_832 : vector<16xi32>) semaphore(%arg15 : memref<!tpu.dma_semaphore, #tpu.memory_space<semaphore_mem>>)
        %get3A_839 = arith.constant 12 : i32
        %get3A_840 = arith.index_cast %get3A_839 : i32 to index
        %get3A_841 = arith.constant 0 : index
        %get3A_842 = tpu.vector_load %arg7[%get3A_840, %get3A_841] {strides = array<i32>} : memref<25x16xi32, #tpu.memory_space<vmem>>, vector<1x16xi32>,
        %get3A_843 = vector.shape_cast %get3A_842 : vector<1x16xi32> to vector<16xi32>
        %dma_start3A_844 = arith.constant 192 : i32
        %dma_start3A_845 = arith.constant 0 : i32
        %dma_start3A_846 = tpu.memref_slice %arg9[%dma_start3A_844, %dma_start3A_845] : memref<400x16xf32, #tpu.memory_space<vmem>> -> memref<16x16xf32, #tpu.memory_space<vmem>>
        %dma_start3A_847 = arith.constant 0 : i32
        %dma_start3A_848 = arith.constant 0 : i32
        %dma_start3A_849 = tpu.memref_slice %arg11[%dma_start3A_847, %dma_start3A_848] : memref<100000x16xf32, #tpu.memory_space<vmem_shared>> -> memref<100000x16xf32, #tpu.memory_space<vmem_shared>>
        tpu.enqueue_indirect_dma source(%dma_start3A_849 : memref<100000x16xf32, #tpu.memory_space<vmem_shared>>) target(%dma_start3A_846 : memref<16x16xf32, #tpu.memory_space<vmem>>) offsets(%get3A_843 : vector<16xi32>) semaphore(%arg15 : memref<!tpu.dma_semaphore, #tpu.memory_space<semaphore_mem>>)
        %get3A_850 = arith.constant 13 : i32
        %get3A_851 = arith.index_cast %get3A_850 : i32 to index
        %get3A_852 = arith.constant 0 : index
        %get3A_853 = tpu.vector_load %arg7[%get3A_851, %get3A_852] {strides = array<i32>} : memref<25x16xi32, #tpu.memory_space<vmem>>, vector<1x16xi32>,
        %get3A_854 = vector.shape_cast %get3A_853 : vector<1x16xi32> to vector<16xi32>
        %dma_start3A_855 = arith.constant 208 : i32
        %dma_start3A_856 = arith.constant 0 : i32
        %dma_start3A_857 = tpu.memref_slice %arg9[%dma_start3A_855, %dma_start3A_856] : memref<400x16xf32, #tpu.memory_space<vmem>> -> memref<16x16xf32, #tpu.memory_space<vmem>>
        %dma_start3A_858 = arith.constant 0 : i32
        %dma_start3A_859 = arith.constant 0 : i32
        %dma_start3A_860 = tpu.memref_slice %arg11[%dma_start3A_858, %dma_start3A_859] : memref<100000x16xf32, #tpu.memory_space<vmem_shared>> -> memref<100000x16xf32, #tpu.memory_space<vmem_shared>>
        tpu.enqueue_indirect_dma source(%dma_start3A_860 : memref<100000x16xf32, #tpu.memory_space<vmem_shared>>) target(%dma_start3A_857 : memref<16x16xf32, #tpu.memory_space<vmem>>) offsets(%get3A_854 : vector<16xi32>) semaphore(%arg15 : memref<!tpu.dma_semaphore, #tpu.memory_space<semaphore_mem>>)
        %get3A_861 = arith.constant 14 : i32
        %get3A_862 = arith.index_cast %get3A_861 : i32 to index
        %get3A_863 = arith.constant 0 : index
        %get3A_864 = tpu.vector_load %arg7[%get3A_862, %get3A_863] {strides = array<i32>} : memref<25x16xi32, #tpu.memory_space<vmem>>, vector<1x16xi32>,
        %get3A_865 = vector.shape_cast %get3A_864 : vector<1x16xi32> to vector<16xi32>
        %dma_start3A_866 = arith.constant 224 : i32
        %dma_start3A_867 = arith.constant 0 : i32
        %dma_start3A_868 = tpu.memref_slice %arg9[%dma_start3A_866, %dma_start3A_867] : memref<400x16xf32, #tpu.memory_space<vmem>> -> memref<16x16xf32, #tpu.memory_space<vmem>>
        %dma_start3A_869 = arith.constant 0 : i32
        %dma_start3A_870 = arith.constant 0 : i32
        %dma_start3A_871 = tpu.memref_slice %arg11[%dma_start3A_869, %dma_start3A_870] : memref<100000x16xf32, #tpu.memory_space<vmem_shared>> -> memref<100000x16xf32, #tpu.memory_space<vmem_shared>>
        tpu.enqueue_indirect_dma source(%dma_start3A_871 : memref<100000x16xf32, #tpu.memory_space<vmem_shared>>) target(%dma_start3A_868 : memref<16x16xf32, #tpu.memory_space<vmem>>) offsets(%get3A_865 : vector<16xi32>) semaphore(%arg15 : memref<!tpu.dma_semaphore, #tpu.memory_space<semaphore_mem>>)
        %get3A_872 = arith.constant 15 : i32
        %get3A_873 = arith.index_cast %get3A_872 : i32 to index
        %get3A_874 = arith.constant 0 : index
        %get3A_875 = tpu.vector_load %arg7[%get3A_873, %get3A_874] {strides = array<i32>} : memref<25x16xi32, #tpu.memory_space<vmem>>, vector<1x16xi32>,
        %get3A_876 = vector.shape_cast %get3A_875 : vector<1x16xi32> to vector<16xi32>
        %dma_start3A_877 = arith.constant 240 : i32
        %dma_start3A_878 = arith.constant 0 : i32
        %dma_start3A_879 = tpu.memref_slice %arg9[%dma_start3A_877, %dma_start3A_878] : memref<400x16xf32, #tpu.memory_space<vmem>> -> memref<16x16xf32, #tpu.memory_space<vmem>>
        %dma_start3A_880 = arith.constant 0 : i32
        %dma_start3A_881 = arith.constant 0 : i32
        %dma_start3A_882 = tpu.memref_slice %arg11[%dma_start3A_880, %dma_start3A_881] : memref<100000x16xf32, #tpu.memory_space<vmem_shared>> -> memref<100000x16xf32, #tpu.memory_space<vmem_shared>>
        tpu.enqueue_indirect_dma source(%dma_start3A_882 : memref<100000x16xf32, #tpu.memory_space<vmem_shared>>) target(%dma_start3A_879 : memref<16x16xf32, #tpu.memory_space<vmem>>) offsets(%get3A_876 : vector<16xi32>) semaphore(%arg15 : memref<!tpu.dma_semaphore, #tpu.memory_space<semaphore_mem>>)
        %get3A_883 = arith.constant 16 : i32
        %get3A_884 = arith.index_cast %get3A_883 : i32 to index
        %get3A_885 = arith.constant 0 : index
        %get3A_886 = tpu.vector_load %arg7[%get3A_884, %get3A_885] {strides = array<i32>} : memref<25x16xi32, #tpu.memory_space<vmem>>, vector<1x16xi32>,
        %get3A_887 = vector.shape_cast %get3A_886 : vector<1x16xi32> to vector<16xi32>
        %dma_start3A_888 = arith.constant 256 : i32
        %dma_start3A_889 = arith.constant 0 : i32
        %dma_start3A_890 = tpu.memref_slice %arg9[%dma_start3A_888, %dma_start3A_889] : memref<400x16xf32, #tpu.memory_space<vmem>> -> memref<16x16xf32, #tpu.memory_space<vmem>>
        %dma_start3A_891 = arith.constant 0 : i32
        %dma_start3A_892 = arith.constant 0 : i32
        %dma_start3A_893 = tpu.memref_slice %arg11[%dma_start3A_891, %dma_start3A_892] : memref<100000x16xf32, #tpu.memory_space<vmem_shared>> -> memref<100000x16xf32, #tpu.memory_space<vmem_shared>>
        tpu.enqueue_indirect_dma source(%dma_start3A_893 : memref<100000x16xf32, #tpu.memory_space<vmem_shared>>) target(%dma_start3A_890 : memref<16x16xf32, #tpu.memory_space<vmem>>) offsets(%get3A_887 : vector<16xi32>) semaphore(%arg15 : memref<!tpu.dma_semaphore, #tpu.memory_space<semaphore_mem>>)
        %get3A_894 = arith.constant 17 : i32
        %get3A_895 = arith.index_cast %get3A_894 : i32 to index
        %get3A_896 = arith.constant 0 : index
        %get3A_897 = tpu.vector_load %arg7[%get3A_895, %get3A_896] {strides = array<i32>} : memref<25x16xi32, #tpu.memory_space<vmem>>, vector<1x16xi32>,
        %get3A_898 = vector.shape_cast %get3A_897 : vector<1x16xi32> to vector<16xi32>
        %dma_start3A_899 = arith.constant 272 : i32
        %dma_start3A_900 = arith.constant 0 : i32
        %dma_start3A_901 = tpu.memref_slice %arg9[%dma_start3A_899, %dma_start3A_900] : memref<400x16xf32, #tpu.memory_space<vmem>> -> memref<16x16xf32, #tpu.memory_space<vmem>>
        %dma_start3A_902 = arith.constant 0 : i32
        %dma_start3A_903 = arith.constant 0 : i32
        %dma_start3A_904 = tpu.memref_slice %arg11[%dma_start3A_902, %dma_start3A_903] : memref<100000x16xf32, #tpu.memory_space<vmem_shared>> -> memref<100000x16xf32, #tpu.memory_space<vmem_shared>>
        tpu.enqueue_indirect_dma source(%dma_start3A_904 : memref<100000x16xf32, #tpu.memory_space<vmem_shared>>) target(%dma_start3A_901 : memref<16x16xf32, #tpu.memory_space<vmem>>) offsets(%get3A_898 : vector<16xi32>) semaphore(%arg15 : memref<!tpu.dma_semaphore, #tpu.memory_space<semaphore_mem>>)
        %get3A_905 = arith.constant 18 : i32
        %get3A_906 = arith.index_cast %get3A_905 : i32 to index
        %get3A_907 = arith.constant 0 : index
        %get3A_908 = tpu.vector_load %arg7[%get3A_906, %get3A_907] {strides = array<i32>} : memref<25x16xi32, #tpu.memory_space<vmem>>, vector<1x16xi32>,
        %get3A_909 = vector.shape_cast %get3A_908 : vector<1x16xi32> to vector<16xi32>
        %dma_start3A_910 = arith.constant 288 : i32
        %dma_start3A_911 = arith.constant 0 : i32
        %dma_start3A_912 = tpu.memref_slice %arg9[%dma_start3A_910, %dma_start3A_911] : memref<400x16xf32, #tpu.memory_space<vmem>> -> memref<16x16xf32, #tpu.memory_space<vmem>>
        %dma_start3A_913 = arith.constant 0 : i32
        %dma_start3A_914 = arith.constant 0 : i32
        %dma_start3A_915 = tpu.memref_slice %arg11[%dma_start3A_913, %dma_start3A_914] : memref<100000x16xf32, #tpu.memory_space<vmem_shared>> -> memref<100000x16xf32, #tpu.memory_space<vmem_shared>>
        tpu.enqueue_indirect_dma source(%dma_start3A_915 : memref<100000x16xf32, #tpu.memory_space<vmem_shared>>) target(%dma_start3A_912 : memref<16x16xf32, #tpu.memory_space<vmem>>) offsets(%get3A_909 : vector<16xi32>) semaphore(%arg15 : memref<!tpu.dma_semaphore, #tpu.memory_space<semaphore_mem>>)
        %get3A_916 = arith.constant 19 : i32
        %get3A_917 = arith.index_cast %get3A_916 : i32 to index
        %get3A_918 = arith.constant 0 : index
        %get3A_919 = tpu.vector_load %arg7[%get3A_917, %get3A_918] {strides = array<i32>} : memref<25x16xi32, #tpu.memory_space<vmem>>, vector<1x16xi32>,
        %get3A_920 = vector.shape_cast %get3A_919 : vector<1x16xi32> to vector<16xi32>
        %dma_start3A_921 = arith.constant 304 : i32
        %dma_start3A_922 = arith.constant 0 : i32
        %dma_start3A_923 = tpu.memref_slice %arg9[%dma_start3A_921, %dma_start3A_922] : memref<400x16xf32, #tpu.memory_space<vmem>> -> memref<16x16xf32, #tpu.memory_space<vmem>>
        %dma_start3A_924 = arith.constant 0 : i32
        %dma_start3A_925 = arith.constant 0 : i32
        %dma_start3A_926 = tpu.memref_slice %arg11[%dma_start3A_924, %dma_start3A_925] : memref<100000x16xf32, #tpu.memory_space<vmem_shared>> -> memref<100000x16xf32, #tpu.memory_space<vmem_shared>>
        tpu.enqueue_indirect_dma source(%dma_start3A_926 : memref<100000x16xf32, #tpu.memory_space<vmem_shared>>) target(%dma_start3A_923 : memref<16x16xf32, #tpu.memory_space<vmem>>) offsets(%get3A_920 : vector<16xi32>) semaphore(%arg15 : memref<!tpu.dma_semaphore, #tpu.memory_space<semaphore_mem>>)
        %get3A_927 = arith.constant 20 : i32
        %get3A_928 = arith.index_cast %get3A_927 : i32 to index
        %get3A_929 = arith.constant 0 : index
        %get3A_930 = tpu.vector_load %arg7[%get3A_928, %get3A_929] {strides = array<i32>} : memref<25x16xi32, #tpu.memory_space<vmem>>, vector<1x16xi32>,
        %get3A_931 = vector.shape_cast %get3A_930 : vector<1x16xi32> to vector<16xi32>
        %dma_start3A_932 = arith.constant 320 : i32
        %dma_start3A_933 = arith.constant 0 : i32
        %dma_start3A_934 = tpu.memref_slice %arg9[%dma_start3A_932, %dma_start3A_933] : memref<400x16xf32, #tpu.memory_space<vmem>> -> memref<16x16xf32, #tpu.memory_space<vmem>>
        %dma_start3A_935 = arith.constant 0 : i32
        %dma_start3A_936 = arith.constant 0 : i32
        %dma_start3A_937 = tpu.memref_slice %arg11[%dma_start3A_935, %dma_start3A_936] : memref<100000x16xf32, #tpu.memory_space<vmem_shared>> -> memref<100000x16xf32, #tpu.memory_space<vmem_shared>>
        tpu.enqueue_indirect_dma source(%dma_start3A_937 : memref<100000x16xf32, #tpu.memory_space<vmem_shared>>) target(%dma_start3A_934 : memref<16x16xf32, #tpu.memory_space<vmem>>) offsets(%get3A_931 : vector<16xi32>) semaphore(%arg15 : memref<!tpu.dma_semaphore, #tpu.memory_space<semaphore_mem>>)
        %get3A_938 = arith.constant 21 : i32
        %get3A_939 = arith.index_cast %get3A_938 : i32 to index
        %get3A_940 = arith.constant 0 : index
        %get3A_941 = tpu.vector_load %arg7[%get3A_939, %get3A_940] {strides = array<i32>} : memref<25x16xi32, #tpu.memory_space<vmem>>, vector<1x16xi32>,
        %get3A_942 = vector.shape_cast %get3A_941 : vector<1x16xi32> to vector<16xi32>
        %dma_start3A_943 = arith.constant 336 : i32
        %dma_start3A_944 = arith.constant 0 : i32
        %dma_start3A_945 = tpu.memref_slice %arg9[%dma_start3A_943, %dma_start3A_944] : memref<400x16xf32, #tpu.memory_space<vmem>> -> memref<16x16xf32, #tpu.memory_space<vmem>>
        %dma_start3A_946 = arith.constant 0 : i32
        %dma_start3A_947 = arith.constant 0 : i32
        %dma_start3A_948 = tpu.memref_slice %arg11[%dma_start3A_946, %dma_start3A_947] : memref<100000x16xf32, #tpu.memory_space<vmem_shared>> -> memref<100000x16xf32, #tpu.memory_space<vmem_shared>>
        tpu.enqueue_indirect_dma source(%dma_start3A_948 : memref<100000x16xf32, #tpu.memory_space<vmem_shared>>) target(%dma_start3A_945 : memref<16x16xf32, #tpu.memory_space<vmem>>) offsets(%get3A_942 : vector<16xi32>) semaphore(%arg15 : memref<!tpu.dma_semaphore, #tpu.memory_space<semaphore_mem>>)
        %get3A_949 = arith.constant 22 : i32
        %get3A_950 = arith.index_cast %get3A_949 : i32 to index
        %get3A_951 = arith.constant 0 : index
        %get3A_952 = tpu.vector_load %arg7[%get3A_950, %get3A_951] {strides = array<i32>} : memref<25x16xi32, #tpu.memory_space<vmem>>, vector<1x16xi32>,
        %get3A_953 = vector.shape_cast %get3A_952 : vector<1x16xi32> to vector<16xi32>
        %dma_start3A_954 = arith.constant 352 : i32
        %dma_start3A_955 = arith.constant 0 : i32
        %dma_start3A_956 = tpu.memref_slice %arg9[%dma_start3A_954, %dma_start3A_955] : memref<400x16xf32, #tpu.memory_space<vmem>> -> memref<16x16xf32, #tpu.memory_space<vmem>>
        %dma_start3A_957 = arith.constant 0 : i32
        %dma_start3A_958 = arith.constant 0 : i32
        %dma_start3A_959 = tpu.memref_slice %arg11[%dma_start3A_957, %dma_start3A_958] : memref<100000x16xf32, #tpu.memory_space<vmem_shared>> -> memref<100000x16xf32, #tpu.memory_space<vmem_shared>>
        tpu.enqueue_indirect_dma source(%dma_start3A_959 : memref<100000x16xf32, #tpu.memory_space<vmem_shared>>) target(%dma_start3A_956 : memref<16x16xf32, #tpu.memory_space<vmem>>) offsets(%get3A_953 : vector<16xi32>) semaphore(%arg15 : memref<!tpu.dma_semaphore, #tpu.memory_space<semaphore_mem>>)
        %get3A_960 = arith.constant 23 : i32
        %get3A_961 = arith.index_cast %get3A_960 : i32 to index
        %get3A_962 = arith.constant 0 : index
        %get3A_963 = tpu.vector_load %arg7[%get3A_961, %get3A_962] {strides = array<i32>} : memref<25x16xi32, #tpu.memory_space<vmem>>, vector<1x16xi32>,
        %get3A_964 = vector.shape_cast %get3A_963 : vector<1x16xi32> to vector<16xi32>
        %dma_start3A_965 = arith.constant 368 : i32
        %dma_start3A_966 = arith.constant 0 : i32
        %dma_start3A_967 = tpu.memref_slice %arg9[%dma_start3A_965, %dma_start3A_966] : memref<400x16xf32, #tpu.memory_space<vmem>> -> memref<16x16xf32, #tpu.memory_space<vmem>>
        %dma_start3A_968 = arith.constant 0 : i32
        %dma_start3A_969 = arith.constant 0 : i32
        %dma_start3A_970 = tpu.memref_slice %arg11[%dma_start3A_968, %dma_start3A_969] : memref<100000x16xf32, #tpu.memory_space<vmem_shared>> -> memref<100000x16xf32, #tpu.memory_space<vmem_shared>>
        tpu.enqueue_indirect_dma source(%dma_start3A_970 : memref<100000x16xf32, #tpu.memory_space<vmem_shared>>) target(%dma_start3A_967 : memref<16x16xf32, #tpu.memory_space<vmem>>) offsets(%get3A_964 : vector<16xi32>) semaphore(%arg15 : memref<!tpu.dma_semaphore, #tpu.memory_space<semaphore_mem>>)
        %get3A_971 = arith.constant 24 : i32
        %get3A_972 = arith.index_cast %get3A_971 : i32 to index
        %get3A_973 = arith.constant 0 : index
        %get3A_974 = tpu.vector_load %arg7[%get3A_972, %get3A_973] {strides = array<i32>} : memref<25x16xi32, #tpu.memory_space<vmem>>, vector<1x16xi32>,
        %get3A_975 = vector.shape_cast %get3A_974 : vector<1x16xi32> to vector<16xi32>
        %dma_start3A_976 = arith.constant 384 : i32
        %dma_start3A_977 = arith.constant 0 : i32
        %dma_start3A_978 = tpu.memref_slice %arg9[%dma_start3A_976, %dma_start3A_977] : memref<400x16xf32, #tpu.memory_space<vmem>> -> memref<16x16xf32, #tpu.memory_space<vmem>>
        %dma_start3A_979 = arith.constant 0 : i32
        %dma_start3A_980 = arith.constant 0 : i32
        %dma_start3A_981 = tpu.memref_slice %arg11[%dma_start3A_979, %dma_start3A_980] : memref<100000x16xf32, #tpu.memory_space<vmem_shared>> -> memref<100000x16xf32, #tpu.memory_space<vmem_shared>>
        tpu.enqueue_indirect_dma source(%dma_start3A_981 : memref<100000x16xf32, #tpu.memory_space<vmem_shared>>) target(%dma_start3A_978 : memref<16x16xf32, #tpu.memory_space<vmem>>) offsets(%get3A_975 : vector<16xi32>) semaphore(%arg15 : memref<!tpu.dma_semaphore, #tpu.memory_space<semaphore_mem>>)
      } else {
      }
      %lt3A_685 = arith.constant 30 : i32
      %lt3A_686 = arith.cmpi slt, %scan3A_630, %lt3A_685 : i32
      %convert_element_type3A_687 = arith.extui %lt3A_686 : i1 to i32
      %cond3A_688 = arith.constant 0 : i32
      %cond3A_689 = arith.cmpi ne, %convert_element_type3A_687, %cond3A_688 : i32
      scf.if %cond3A_689 {
        %add3A_691 = arith.constant 1 : i32
        %add3A_692 = arith.addi %mul3A_633, %add3A_691 : i32
        %add3A_693 = arith.constant 4 : i32
        %add3A_694 = arith.addi %add3A_692, %add3A_693 : i32
        %add3A_695 = arith.addi %mul3A_2, %add3A_694 : i32
        %dma_start3A_696 = arith.constant 0 : i32
        %dma_start3A_697 = arith.constant 0 : i32
        %dma_start3A_698 = tpu.memref_slice %arg2[%add3A_695, %dma_start3A_696, %dma_start3A_697] : memref<2048x25x16xi32, #tpu.memory_space<hbm>> -> memref<1x25x16xi32, #tpu.memory_space<hbm>>
        %dma_start3A_699 = tpu.memref_squeeze %dma_start3A_698 : memref<1x25x16xi32, #tpu.memory_space<hbm>> -> memref<25x16xi32, #tpu.memory_space<hbm>>
        %dma_start3A_700 = arith.constant 0 : i32
        %dma_start3A_701 = arith.constant 0 : i32
        %dma_start3A_702 = tpu.memref_slice %arg2[%add3A_695, %dma_start3A_700, %dma_start3A_701] : memref<2048x25x16xi32, #tpu.memory_space<hbm>> -> memref<1x25x16xi32, #tpu.memory_space<hbm>>
        %dma_start3A_703 = tpu.memref_squeeze %dma_start3A_702 : memref<1x25x16xi32, #tpu.memory_space<hbm>> -> memref<25x16xi32, #tpu.memory_space<hbm>>
        tpu.enqueue_dma source(%dma_start3A_703 : memref<25x16xi32, #tpu.memory_space<hbm>>) target(%arg7 : memref<25x16xi32, #tpu.memory_space<vmem>>) target_semaphore(%arg13 : memref<!tpu.dma_semaphore, #tpu.memory_space<semaphore_mem>>)
      } else {
      }
      %scan3A_690 = arith.constant 0 : i32
      scf.yield %scan3A_690 : i32
    }
    %scan3A_613 = arith.constant 32 : i32
    %dma_wait3A_614 = arith.constant 0 : i32
    %dma_wait3A_615 = arith.constant 0 : i32
    %dma_wait3A_616 = tpu.memref_slice %arg5[%mul3A_2, %dma_wait3A_614, %dma_wait3A_615] : memref<2048x400x16xf32, #tpu.memory_space<hbm>> -> memref<1x400x16xf32, #tpu.memory_space<hbm>>
    %dma_wait3A_617 = tpu.memref_squeeze %dma_wait3A_616 : memref<1x400x16xf32, #tpu.memory_space<hbm>> -> memref<400x16xf32, #tpu.memory_space<hbm>>
    %dma_wait3A_618 = arith.constant 0 : i32
    %dma_wait3A_619 = arith.constant 0 : i32
    %dma_wait3A_620 = tpu.memref_slice %arg5[%mul3A_2, %dma_wait3A_618, %dma_wait3A_619] : memref<2048x400x16xf32, #tpu.memory_space<hbm>> -> memref<1x400x16xf32, #tpu.memory_space<hbm>>
    %dma_wait3A_621 = tpu.memref_squeeze %dma_wait3A_620 : memref<1x400x16xf32, #tpu.memory_space<hbm>> -> memref<400x16xf32, #tpu.memory_space<hbm>>
    tpu.wait_dma2 semaphore(%arg16 : memref<!tpu.dma_semaphore, #tpu.memory_space<semaphore_mem>>) src(%arg8 : memref<400x16xf32, #tpu.memory_space<vmem>>) dst(%dma_wait3A_621 : memref<400x16xf32, #tpu.memory_space<hbm>>)
    %dma_wait3A_622 = arith.constant 0 : i32
    %dma_wait3A_623 = arith.constant 0 : i32
    %dma_wait3A_624 = tpu.memref_slice %arg5[%mul3A_2, %dma_wait3A_622, %dma_wait3A_623] : memref<2048x400x16xf32, #tpu.memory_space<hbm>> -> memref<1x400x16xf32, #tpu.memory_space<hbm>>
    %dma_wait3A_625 = tpu.memref_squeeze %dma_wait3A_624 : memref<1x400x16xf32, #tpu.memory_space<hbm>> -> memref<400x16xf32, #tpu.memory_space<hbm>>
    %dma_wait3A_626 = arith.constant 0 : i32
    %dma_wait3A_627 = arith.constant 0 : i32
    %dma_wait3A_628 = tpu.memref_slice %arg5[%mul3A_2, %dma_wait3A_626, %dma_wait3A_627] : memref<2048x400x16xf32, #tpu.memory_space<hbm>> -> memref<1x400x16xf32, #tpu.memory_space<hbm>>
    %dma_wait3A_629 = tpu.memref_squeeze %dma_wait3A_628 : memref<1x400x16xf32, #tpu.memory_space<hbm>> -> memref<400x16xf32, #tpu.memory_space<hbm>>
    tpu.wait_dma2 semaphore(%arg17 : memref<!tpu.dma_semaphore, #tpu.memory_space<semaphore_mem>>) src(%arg9 : memref<400x16xf32, #tpu.memory_space<vmem>>) dst(%dma_wait3A_629 : memref<400x16xf32, #tpu.memory_space<hbm>>)
    return
  }
}

</mosaic_0001>

<sc_bundles>
// kernel: kernel.3.cloned.1.call-start
scs
__scs_entry_jumppad:
0x0: {  	(pc) =	sbr.rel $0x88, $3  }
0x1: {  	(tag) =	ssettag $0x0;
	lr =	simm.s32 $0x1  }
0x2: {  	[smem:$0x3F9F] =	sst lr;
	_ =	strace $0xD0000000  }
0x3: {  	_ = 	snop  }
0x4: {  	_ = 	snop  }
0x5: {  	_ = 	snop  }
0x6: {  	_ = 	snop  }
0x7: {  	_ = 	snop  }
__scs_overlays_trampoline_lowered:
0x8: {  	[smem:$0x3FAE] =	sst s0  }
0x9: {  	[smem:$0x3FAF] =	sst s1  }
0xa: {  	[smem:$0x3FB0] =	sst s2  }
0xb: {  	[smem:$0x3FB1] =	sst s3  }
0xc: {  	[smem:$0x3FB2] =	sst s4  }
0xd: {  	[smem:$0x3FB3] =	sst s5  }
0xe: {  	[smem:$0x3FB4] =	sst s6  }
0xf: {  	[smem:$0x3FB5] =	sst s7  }
0x10: {  	[smem:$0x3FB6] =	sst s8  }
0x11: {  	[smem:$0x3FB7] =	sst s9;
	s0 =	simm.s32 @!p0 $0x0  }
0x12: {  	s1 =	sld [smem:$0x3F9D];
	s0 =	simm.s32 @p0 $0x1  }
0x13: {  	[smem:$0x3FB8] =	sst s0;
	s0 =	simm.s32 @!p1 $0x0  }
0x14: {  	s2 =	sld [smem:$0x3F9C];
	s0 =	simm.s32 @p1 $0x1  }
0x15: {  	[smem:$0x3FB9] =	sst s0;
	s0 =	simm.s32 @!p2 $0x0  }
0x16: {  	s3 =	sld [smem:$0x3FDB];
	s0 =	simm.s32 @p2 $0x1  }
0x17: {  	s4 =	simm.s32 $0x1BF5;
	[smem:$0x3FBB] =	sst s0  }
0x18: {  	s0 =	sld [smem:$0x3F9E];
	_ =	swait.ge [sflag:s4], $0x0  }
0x19: {  	s7 =	sld [smem:$0x3F9F]  }
0x1a: {  	s8 =	sadd.s32 $0xFFFFE003, lr  }
0x1b: {  	s9 =	sadd.s32 $0xFFFFFEF7, lr;
	s5 =	simm.s32 $0xFFFFFFFF;
	p2 =	slt.u32 s8, $0xFFFFF086  }
0x1c: {  	p1 =	slt.u32 s9, $0xF7A;
	s5 =	simm.s32 @!p2 $0x0  }
0x1d: {  	s5 =	simm.s32 @p1 $0x1;
	p0 =	seq.s32 s7, s2  }
0x1e: {  	s7 =	smul.u32 @!p0 $0xF7A, s2;
	p2 =	seq.s32 @!p0 s5, $0x0  }
0x1f: {  	s9 =	smul.u32 $0xF7A, s1;
	s8 =	simm.s32 @!p0 $0x1BF5;
	p2 =	por !p2, p0  }
0x20: {  	[sflag:s8] =	ssyncset.s32 @!p0 $0xFFFFF086;
	s6 =	sadd.s32 @!p0 s3, s7;
	s7 =	simm.s32 @!p0 $0x108  }
0x21: {  	s3 =	sadd.s32 s3, s9;
	s6 =	sadd.s32 @!p0 $0x88, s6;
	s7 =	simm.s32 @p2 $0x1082  }
0x22: {  	[simem:s7], [sflag:s8] =	dma.local @!p0 [hbm:s6], $0xF7A  }
0x23: {  	s9 =	sor.u32 $0xD0000000, s2;
	s6 =	simm.s32 $0x108;
	_ =	swait.ge @!p0 [sflag:s8], $0x0  }
0x24: {  	s3 =	sadd.s32 $0x88, s3;
	s6 =	simm.s32 @!p1 $0x1082;
	[sflag:s4] =	ssyncset.s32 $0xFFFFF086  }
0x25: {  	[simem:s6], [sflag:s4] =	dma.local [hbm:s3], $0xF7A  }
0x26: {  	[smem:$0x3F9F] =	sst s1;
	(tag) =	ssettag s2;
	_ =	strace s9  }
0x27: {  	s1 =	sld [smem:$0x3FAF]  }
0x28: {  	s2 =	sld [smem:$0x3FB0]  }
0x29: {  	s4 =	sld [smem:$0x3FB2]  }
0x2a: {  	p0 =	seq.s32 s5, $0x0;
	s5 =	sld [smem:$0x3FB3]  }
0x2b: {  	s6 =	sld [smem:$0x3FB4]  }
0x2c: {  	s7 =	sld [smem:$0x3FB5]  }
0x2d: {  	s3 =	simm.s32 $0x108;
	s8 =	sld [smem:$0x3FB6]  }
0x2e: {  	s3 =	simm.s32 @!p0 $0x1082;
	s9 =	sld [smem:$0x3FB7]  }
0x2f: {  	lr =	sadd.s32 s0, s3;
	s0 =	sld [smem:$0x3FAE]  }
0x30: {  	s3 =	sld [smem:$0x3FB1]  }
0x31: {  	[smem:$0x3FBA] =	sst s10  }
0x32: {  	s10 =	sld [smem:$0x3FB8];
	_ =	sdelay $0x3  }
0x33: {  	p0 =	seq.s32 s10, $0x1;
	s10 =	sld [smem:$0x3FBA];
	_ =	sdelay $0x3  }
0x34: {  	[smem:$0x3FBA] =	sst s10  }
0x35: {  	s10 =	sld [smem:$0x3FB9];
	_ =	sdelay $0x3  }
0x36: {  	p1 =	seq.s32 s10, $0x1;
	s10 =	sld [smem:$0x3FBA];
	_ =	sdelay $0x3  }
0x37: {  	[smem:$0x3FBA] =	sst s10  }
0x38: {  	s10 =	sld [smem:$0x3FBB]  }
0x39: {  	_ = 	snop;
	(pc) =	sbr.ind lr, $3  }
0x3a: {  	_ = 	snop  }
0x3b: {  	_ = 	snop  }
0x3c: {  	p2 =	seq.s32 s10, $0x1;
	s10 =	sld [smem:$0x3FBA]  }
0x3d: {  	_ =	shalt  }
0x3e: {  	_ =	shalt  }
0x3f: {  	_ =	shalt  }
0x40: {  	_ =	shalt  }
0x41: {  	_ =	shalt  }
0x42: {  	_ =	shalt  }
0x43: {  	_ =	shalt  }
0x44: {  	_ =	shalt  }
0x45: {  	_ =	shalt  }
0x46: {  	_ =	shalt  }
0x47: {  	_ =	shalt  }
0x48: {  	_ =	shalt  }
0x49: {  	_ =	shalt  }
0x4a: {  	_ =	shalt  }
0x4b: {  	_ =	shalt  }
0x4c: {  	_ =	shalt  }
0x4d: {  	_ =	shalt  }
0x4e: {  	_ =	shalt  }
0x4f: {  	_ =	shalt  }
0x50: {  	_ =	shalt  }
0x51: {  	_ =	shalt  }
0x52: {  	_ =	shalt  }
0x53: {  	_ =	shalt  }
0x54: {  	_ =	shalt  }
0x55: {  	_ =	shalt  }
0x56: {  	_ =	shalt  }
0x57: {  	_ =	shalt  }
0x58: {  	_ =	shalt  }
0x59: {  	_ =	shalt  }
0x5a: {  	_ =	shalt  }
0x5b: {  	_ =	shalt  }
0x5c: {  	_ =	shalt  }
0x5d: {  	_ =	shalt  }
0x5e: {  	_ =	shalt  }
0x5f: {  	_ =	shalt  }
0x60: {  	_ =	shalt  }
0x61: {  	_ =	shalt  }
0x62: {  	_ =	shalt  }
0x63: {  	_ =	shalt  }
0x64: {  	_ =	shalt  }
0x65: {  	_ =	shalt  }
0x66: {  	_ =	shalt  }
0x67: {  	_ =	shalt  }
0x68: {  	_ =	shalt  }
0x69: {  	_ =	shalt  }
0x6a: {  	_ =	shalt  }
0x6b: {  	_ =	shalt  }
0x6c: {  	_ =	shalt  }
0x6d: {  	_ =	shalt  }
0x6e: {  	_ =	shalt  }
0x6f: {  	_ =	shalt  }
0x70: {  	_ =	shalt  }
0x71: {  	_ =	shalt  }
0x72: {  	_ =	shalt  }
0x73: {  	_ =	shalt  }
0x74: {  	_ =	shalt  }
0x75: {  	_ =	shalt  }
0x76: {  	_ =	shalt  }
0x77: {  	_ =	shalt  }
0x78: {  	_ =	shalt  }
0x79: {  	_ =	shalt  }
0x7a: {  	_ =	shalt  }
0x7b: {  	_ =	shalt  }
0x7c: {  	_ =	shalt  }
0x7d: {  	_ =	shalt  }
0x7e: {  	_ =	shalt  }
0x7f: {  	_ =	shalt  }
0x80: {  	_ =	shalt  }
0x81: {  	_ =	shalt  }
0x82: {  	_ =	shalt  }
0x83: {  	_ =	shalt  }
0x84: {  	_ =	shalt  }
0x85: {  	_ =	shalt  }
0x86: {  	_ =	shalt  }
0x87: {  	_ =	shalt  }
.Lfunc_end0:
.L_simem_size_0:
called_computation.1_lowered:
.L_overlay_start_0:
0x88: {  	s2 =	sld [smem:$0x3FD9]  }
0x89: {  	s3 =	sld [smem:$0x3FFE];
	_ =	sdelay $0x1  }
0x8a: {  	s1 =	srdreg.scid  }
0x8b: {  	s0 =	sand.u32 $0x1, s1  }
0x8c: {  	s17 =	sshll.u32 s0, $0xA;
	s2 =	sadd.s32 s3, s2  }
0x8d: {  	s2 =	sadd.s32 s2, s17  }
0x8e: {  	[smem:$0x3FC6] =	sst s2  }
0x8f: {  	_ = 	snop  }
0x90: {  	s2 =	sld [smem:$0x3FD0];
	(tm) =	ssettm $0x1  }
0x91: {  	s18 =	sld [smem:$0x3FFB];
	_ =	sdelay $0x3  }
0x92: {  	_ =	strace s18  }
0x93: {  	s3 =	sld [smem:$0x3FFC];
	_ =	sdelay $0x3  }
0x94: {  	_ =	strace s3  }
0x95: {  	s3 =	sld [smem:$0x3FFD];
	_ =	sdelay $0x3  }
0x96: {  	_ =	strace s3  }
0x97: {  	_ =	strace $0x8FFFFFFF  }
0x98: {  	s19 =	sld [smem:$0x3FDB];
	_ =	sdelay $0x1  }
0x99: {  	s4 =	simm.s32 $_scs_section_size  }
0x9a: {  	s5 =	simm.s32 $_size__tile_overlayer_lowered;
	s6 =	simm.s32 $_tile_overlayer_lowered  }
0x9b: {  	s22 =	simm.s32 $0x1BFF;
	s21 =	sshll.u32 s6, $0x1;
	s3 =	sadd.s32 s4, s19  }
0x9c: {  	s7 =	simm.s32 $0x0;
	s20 =	sshll.u32 s5, $0x1;
	s5 =	sadd.s32 s21, s3  }
0x9d: {  	[timem:s7], [sflag:s22] =	dma.local [hbm:s5], s20  }
0x9e: {  	_ =	swait.ge [sflag:s22], s20  }
0x9f: {  	s4 =	ssub.s32 $0x0, s20;
	[sflag:s22] =	ssyncset.done $0x0  }
0xa0: {  	[sflag:s22] =	ssyncadd.s32 s4;
	_ =	sdelay $0x1  }
0xa1: {  	s23 =	simm.s32 $0x1B8B  }
0xa2: {  	_ =	swait.ge [sflag:s23], $0x1  }
0xa3: {  	[sflag:s23] =	ssyncset.done $0x0  }
0xa4: {  	s25 =	simm.s32 $0x1B8E;
	s24 =	sld [smem:$0x3FFE];
	[sflag:s23] =	ssyncadd.s32 $0xFFFFFFFF  }
0xa5: {  	s26 =	simm.s32 $execute0_lowered;
	[smem:$0x3FD2] =	sst s25  }
0xa6: {  	s5 =	sshll.u32 s26, $0x1;
	_ =	strace $0x80000046;
	[dreg:$0x1] =	wrdreg $0xFFFFFFFF  }
0xa7: {  	s28 =	simm.s32 $_size_execute0_lowered;
	s3 =	sadd.s32 s3, s5;
	[dreg:$0x0] =	wrdreg $0x0  }
0xa8: {  	s5 =	sshll.u32 s28, $0x1;
	[dreg:$0x2] =	wrdreg s3  }
0xa9: {  	[dreg:$0x3] =	wrdreg s5  }
0xaa: {  	[dreg:$0x4] =	wrdreg $0xC0  }
0xab: {  	_ =	task [dreg:s7], $0x5FFFF  }
0xac: {  	[dreg:$0x1] =	wrdreg $0xFFFFFFFF  }
0xad: {  	[dreg:$0x0] =	wrdreg $0x60  }
0xae: {  	[dreg:$0x2] =	wrdreg s24  }
0xaf: {  	[dreg:$0x3] =	wrdreg s2  }
0xb0: {  	[dreg:$0x4] =	wrdreg $0x4E200  }
0xb1: {  	[dreg:$0x5] =	wrdreg $0x9  }
0xb2: {  	_ =	task.clear_ibuf [dreg:s7], $0x6FFFF;
	_ =	strace $0x90000046  }
0xb3: {  	s29 =	simm.s32 $0x9;
	_ =	strace $0x80000048  }
0xb4: {  	_ =	swait.ge [sflag:s29], $0x1  }
0xb5: {  	[sflag:s29] =	ssyncadd.s32 $0xFFFFFFFF  }
0xb6: {  	_ =	strace $0x90000048  }
0xb7: {  	_ =	sfence  }
0xb8: {  	s30 =	sld [smem:$0x0];
	_ =	sdelay $0x2  }
0xb9: {  	s31 =	sshll.u32 s1, $0xD;
	s1 =	sshrl.u32 s1, $0x2  }
0xba: {  	s3 =	sand.u32 $0x4000, s31;
	s1 =	sadd.s32 s1, s30  }
0xbb: {  	s0 =	sor.u32 s3, s0;
	s1 =	sshll.u32 s1, $0x11  }
0xbc: {  	s0 =	sor.u32 s1, s0  }
0xbd: {  	s0 =	sadd.s32 $0x8F2B, s0  }
0xbe: {  	[sflag:s0] =	ssyncadd.remote.s32 $0x1  }
0xbf: {  	_ =	sfence.sel $0xFFFF  }
0xc0: {  	[dreg:$0x0] =	wrdreg $0xFFFFFFFF;
	(pc) =	sbr.abs _section_cstart, $3  }
0xc1: {  	[dreg:$0x1] =	wrdreg $0xFFFFFFFF  }
0xc2: {  	_ =	task.clear_ibuf [dreg:s7], $0x2FFFF;
	_ =	strace $0x9FFFFFFF  }
0xc3: {  	(tm) =	ssettm $0x7FFFFFFF  }
tec
execute0_lowered:
.L_overlay_start_1:
0x0: {  	(tag) =	ssettag $0x1  }
0x1: {  	s0 =	rddreg [dreg:$0x0]  }
0x2: {  	s1 =	rddreg [dreg:$0x1]  }
0x3: {  	s3 =	rddreg [dreg:$0x2];
	s4 =	simm.s32 $0x0;
	s11 =	stileid.u32  }
0x4: {  	s2 =	srdreg.scid;
	s28 =	simm.s32 $0x1C20;
	s18 =	simm.s32 $0x2B20  }
0x5: {  	s29 =	simm.s32 $0x3120;
	s30 =	simm.s32 $0x3220;
	s31 =	simm.s32 $0x3320  }
0x6: {  	s17 =	simm.s32 $0x4;
	[smem:$0x7FF] =	sst s4;
	s7 =	smul.u32 $0x186A0, s11  }
0x7: {  	s2 =	sand.u32 $0x1, s2;
	s5 =	sadd.s32 $0x1400, s0;
	s6 =	sshll.u32 s11, $0x7  }
0x8: {  	s23 =	sshll.u32 s11, $0x6;
	s11 =	simm.s32 $0x0;
	_ =	strace $0x80000047  }
0x9: {  	s8 =	sshll.u32 s2, $0x6;
	s2 =	ssub.s32 $0x2, s2;
	s9 =	sshrl.u32 s7, $0x3  }
0xa: {  	s6 =	sor.u32 s8, s6;
	s20 =	sshrl.u32 s2, $0x1;
	s7 =	sadd.s32 s7, s3  }
0xb: {  	s19 =	sadd.s32 s9, s0;
	s10 =	smul.u32 $0x32, s6;
	s0 =	sadd.s32 $0x1000, s0  }
0xc: {  	s21 =	ssub.s32 s2, s20;
	s22 =	smul.u32 $0x190, s6;
	s14 =	sor.u32 $0x4, s6  }
0xd: {  	s15 =	sor.u32 $0x5, s6;
	s26 =	sshrl.u32 s7, $0x3;
	s20 =	simm.s32 $0x2E20  }
0xe: {  	s7 =	simm.s32 $0x5;
	[dreg:$0x4] =	wrdreg s0;
	s8 =	sadd.s32 $0x1A400, s19  }
0xf: {  	s0 =	smax.u32 s21, $0x1;
	[dreg:$0xc] =	wrdreg s26;
	s26 =	simm.s32 $0x2  }
0x10: {  	s19 =	simm.s32 $0x2D20;
	[dreg:$0x5] =	wrdreg s8;
	s8 =	sor.u32 $0x1C08, s23  }
0x11: {  	s24 =	sadd.s32 s5, s10;
	s2 =	sshrl.u32 s22, $0x3;
	[dreg:$0xb] =	wrdreg s0  }
0x12: {  	s22 =	simm.s32 $0x1;
	s23 =	simm.s32 $0x320;
	s10 =	simm.s32 $0x2C20  }
.Ltmp0:
0x13: {  	s0 =	simm.s32 $0x3420;
	[dreg:$0x6] =	wrdreg s8;
	(pc) =	sbr.rel .LBB2_1-.Ltmp0, $4  }
0x14: {  	s25 =	sadd.s32 $0x32, s24;
	[dreg:$0x7] =	wrdreg s24;
	s8 =	sadd.s32 $0x64, s24  }
0x15: {  	s2 =	sadd.s32 s5, s2;
	s24 =	simm.s32 $0x2F20;
	[dreg:$0x8] =	wrdreg s25  }
0x16: {  	[dreg:$0x9] =	wrdreg s8;
	s2 =	sadd.s32 $0x96, s2;
	s25 =	simm.s32 $0x3020  }
0x17: {  	vm0 =	vmmov $0xffff;
	s8 =	simm.s32 $0x6;
	[dreg:$0xa] =	wrdreg s2;
	s2 =	simm.s32 $0x3  }
.LBB2_11:
0x18: {  	_ =	swait.ge [sflag:s7], $0x1900  }
0x19: {  	[sflag:s7] =	ssyncset.done $0x0  }
0x1a: {  	[sflag:s7] =	ssyncadd.s32 $0xFFFFE700  }
0x1b: {  	_ =	swait.ge [sflag:s8], $0x1900  }
0x1c: {  	s11 =	rddreg [dreg:$0xd]  }
0x1d: {  	s9 =	rddreg [dreg:$0xb];
	s11 =	sadd.s32 $0x1, s11  }
0x1e: {  	p0 =	sne.s32 s11, s9  }
.Ltmp1:
0x1f: {  	_ = 	snop;
	(pc) =	sbr.rel @!p0 .LBB2_12-.Ltmp1, $3  }
0x20: {  	_ =	sdelay $0x1  }
0x21: {  	[sflag:s8] =	ssyncset.done $0x0  }
0x22: {  	[sflag:s8] =	ssyncadd.s32 $0xFFFFE700  }
.LBB2_1:
0x23: {  	[dreg:$0xd] =	wrdreg s11  }
0x24: {  	s9 =	rddreg [dreg:$0x4]  }
0x25: {  	s16 =	rddreg [dreg:$0x5]  }
0x26: {  	s21 =	rddreg [dreg:$0x6]  }
0x27: {  	s13 =	simm.s32 $0x3520;
	s12 =	rddreg [dreg:$0xc]  }
0x28: {  	[tilespmem:s13], [sflag:$0x7] =	stream.linear.gather [hbm4b:s9+s4], $0x1900, $0x38;
	[tilespmem:$0x1D4C0] =	vst v63  }
0x29: {  	[spmem:s12], [sflag:s21] =	dma.local [hbm:s16], $0x30D4  }
0x2a: {  	s12 =	simm.s32 $0x8  }
0x2b: {  	_ =	swait.ge [sflag:s12], $0x30D4  }
0x2c: {  	[sflag:s12] =	ssyncset.done $0x0  }
0x2d: {  	s13 =	simm.s32 $0x7;
	[sflag:s12] =	ssyncadd.s32 $0xFFFFCF2C  }
0x2e: {  	_ =	swait.ge [sflag:s13], $0x1900  }
0x2f: {  	[sflag:s13] =	ssyncset.done $0x0  }
0x30: {  	[sflag:s13] =	ssyncadd.s32 $0xFFFFE700  }
0x31: {  	[bflag:$0x0] =	sbarrier.arrive $0xFFFF  }
0x32: {  	s16 =	rddreg [dreg:$0x7]  }
0x33: {  	[tilespmem:s4], [sflag:$0x1] =	stream.linear.gather [hbm4b:s16+s4], $0x190, $0x38;
	[tilespmem:$0x1D4C0] =	vst v63  }
0x34: {  	s11 =	simm.s32 $0x190;
	s21 =	rddreg [dreg:$0x8]  }
0x35: {  	[tilespmem:s11], [sflag:$0x2] =	stream.linear.gather [hbm4b:s21+s4], $0x190, $0x38;
	[tilespmem:$0x1D4C0] =	vst v63  }
0x36: {  	_ =	swait.ge [sflag:s22], $0x190  }
0x37: {  	[sflag:s22] =	ssyncset.done $0x0  }
0x38: {  	[sflag:s22] =	ssyncadd.s32 $0xFFFFFE70  }
0x39: {  	v0 =	vld [tilespmem:$0x0];
	_ =	sdelay $0x7  }
0x3a: {  	[tilespmem:s23], [sflag:$0x3] =	stream.indirect_vreg.gather [spmem:s3], $0x10, v0, vm0, $0xb8;
	[tilespmem:$0x1D4C0] =	vst v63  }
0x3b: {  	v0 =	vld [tilespmem:$0x10];
	_ =	sdelay $0x6  }
0x3c: {  	s12 =	simm.s32 $0x420  }
0x3d: {  	[tilespmem:s12], [sflag:$0x3] =	stream.indirect_vreg.gather [spmem:s3], $0x10, v0, vm0, $0xb8;
	[tilespmem:$0x1D4C0] =	vst v63  }
0x3e: {  	v0 =	vld [tilespmem:$0x20];
	_ =	sdelay $0x6  }
0x3f: {  	s13 =	simm.s32 $0x520  }
0x40: {  	[tilespmem:s13], [sflag:$0x3] =	stream.indirect_vreg.gather [spmem:s3], $0x10, v0, vm0, $0xb8;
	[tilespmem:$0x1D4C0] =	vst v63  }
0x41: {  	v0 =	vld [tilespmem:$0x30];
	_ =	sdelay $0x6  }
0x42: {  	s16 =	simm.s32 $0x620  }
0x43: {  	[tilespmem:s16], [sflag:$0x3] =	stream.indirect_vreg.gather [spmem:s3], $0x10, v0, vm0, $0xb8;
	[tilespmem:$0x1D4C0] =	vst v63  }
0x44: {  	v0 =	vld [tilespmem:$0x40];
	_ =	sdelay $0x6  }
0x45: {  	s21 =	simm.s32 $0x720  }
0x46: {  	[tilespmem:s21], [sflag:$0x3] =	stream.indirect_vreg.gather [spmem:s3], $0x10, v0, vm0, $0xb8;
	[tilespmem:$0x1D4C0] =	vst v63  }
0x47: {  	v0 =	vld [tilespmem:$0x50];
	_ =	sdelay $0x6  }
0x48: {  	s12 =	simm.s32 $0x820  }
0x49: {  	[tilespmem:s12], [sflag:$0x3] =	stream.indirect_vreg.gather [spmem:s3], $0x10, v0, vm0, $0xb8;
	[tilespmem:$0x1D4C0] =	vst v63  }
0x4a: {  	v0 =	vld [tilespmem:$0x60];
	_ =	sdelay $0x6  }
0x4b: {  	s13 =	simm.s32 $0x920  }
0x4c: {  	[tilespmem:s13], [sflag:$0x3] =	stream.indirect_vreg.gather [spmem:s3], $0x10, v0, vm0, $0xb8;
	[tilespmem:$0x1D4C0] =	vst v63  }
0x4d: {  	v0 =	vld [tilespmem:$0x70];
	_ =	sdelay $0x6  }
0x4e: {  	s16 =	simm.s32 $0xA20  }
0x4f: {  	[tilespmem:s16], [sflag:$0x3] =	stream.indirect_vreg.gather [spmem:s3], $0x10, v0, vm0, $0xb8;
	[tilespmem:$0x1D4C0] =	vst v63  }
0x50: {  	v0 =	vld [tilespmem:$0x80];
	_ =	sdelay $0x6  }
0x51: {  	s21 =	simm.s32 $0xB20  }
0x52: {  	[tilespmem:s21], [sflag:$0x3] =	stream.indirect_vreg.gather [spmem:s3], $0x10, v0, vm0, $0xb8;
	[tilespmem:$0x1D4C0] =	vst v63  }
0x53: {  	v0 =	vld [tilespmem:$0x90];
	_ =	sdelay $0x6  }
0x54: {  	s12 =	simm.s32 $0xC20  }
0x55: {  	[tilespmem:s12], [sflag:$0x3] =	stream.indirect_vreg.gather [spmem:s3], $0x10, v0, vm0, $0xb8;
	[tilespmem:$0x1D4C0] =	vst v63  }
0x56: {  	v0 =	vld [tilespmem:$0xA0];
	_ =	sdelay $0x6  }
0x57: {  	s13 =	simm.s32 $0xD20  }
0x58: {  	[tilespmem:s13], [sflag:$0x3] =	stream.indirect_vreg.gather [spmem:s3], $0x10, v0, vm0, $0xb8;
	[tilespmem:$0x1D4C0] =	vst v63  }
0x59: {  	v0 =	vld [tilespmem:$0xB0];
	_ =	sdelay $0x6  }
0x5a: {  	s16 =	simm.s32 $0xE20  }
0x5b: {  	[tilespmem:s16], [sflag:$0x3] =	stream.indirect_vreg.gather [spmem:s3], $0x10, v0, vm0, $0xb8;
	[tilespmem:$0x1D4C0] =	vst v63  }
0x5c: {  	v0 =	vld [tilespmem:$0xC0];
	_ =	sdelay $0x6  }
0x5d: {  	s21 =	simm.s32 $0xF20  }
0x5e: {  	[tilespmem:s21], [sflag:$0x3] =	stream.indirect_vreg.gather [spmem:s3], $0x10, v0, vm0, $0xb8;
	[tilespmem:$0x1D4C0] =	vst v63  }
0x5f: {  	v0 =	vld [tilespmem:$0xD0];
	_ =	sdelay $0x6  }
0x60: {  	s12 =	simm.s32 $0x1020  }
0x61: {  	[tilespmem:s12], [sflag:$0x3] =	stream.indirect_vreg.gather [spmem:s3], $0x10, v0, vm0, $0xb8;
	[tilespmem:$0x1D4C0] =	vst v63  }
0x62: {  	v0 =	vld [tilespmem:$0xE0];
	_ =	sdelay $0x6  }
0x63: {  	s13 =	simm.s32 $0x1120  }
0x64: {  	[tilespmem:s13], [sflag:$0x3] =	stream.indirect_vreg.gather [spmem:s3], $0x10, v0, vm0, $0xb8;
	[tilespmem:$0x1D4C0] =	vst v63  }
0x65: {  	v0 =	vld [tilespmem:$0xF0];
	_ =	sdelay $0x6  }
0x66: {  	s16 =	simm.s32 $0x1220  }
0x67: {  	[tilespmem:s16], [sflag:$0x3] =	stream.indirect_vreg.gather [spmem:s3], $0x10, v0, vm0, $0xb8;
	[tilespmem:$0x1D4C0] =	vst v63  }
0x68: {  	v0 =	vld [tilespmem:$0x100];
	_ =	sdelay $0x6  }
0x69: {  	s21 =	simm.s32 $0x1320  }
0x6a: {  	[tilespmem:s21], [sflag:$0x3] =	stream.indirect_vreg.gather [spmem:s3], $0x10, v0, vm0, $0xb8;
	[tilespmem:$0x1D4C0] =	vst v63  }
0x6b: {  	v0 =	vld [tilespmem:$0x110];
	_ =	sdelay $0x6  }
0x6c: {  	s12 =	simm.s32 $0x1420  }
0x6d: {  	[tilespmem:s12], [sflag:$0x3] =	stream.indirect_vreg.gather [spmem:s3], $0x10, v0, vm0, $0xb8;
	[tilespmem:$0x1D4C0] =	vst v63  }
0x6e: {  	v0 =	vld [tilespmem:$0x120];
	_ =	sdelay $0x6  }
0x6f: {  	s13 =	simm.s32 $0x1520  }
0x70: {  	[tilespmem:s13], [sflag:$0x3] =	stream.indirect_vreg.gather [spmem:s3], $0x10, v0, vm0, $0xb8;
	[tilespmem:$0x1D4C0] =	vst v63  }
0x71: {  	v0 =	vld [tilespmem:$0x130];
	_ =	sdelay $0x6  }
0x72: {  	s16 =	simm.s32 $0x1620  }
0x73: {  	[tilespmem:s16], [sflag:$0x3] =	stream.indirect_vreg.gather [spmem:s3], $0x10, v0, vm0, $0xb8;
	[tilespmem:$0x1D4C0] =	vst v63  }
0x74: {  	v0 =	vld [tilespmem:$0x140];
	_ =	sdelay $0x6  }
0x75: {  	s21 =	simm.s32 $0x1720  }
0x76: {  	[tilespmem:s21], [sflag:$0x3] =	stream.indirect_vreg.gather [spmem:s3], $0x10, v0, vm0, $0xb8;
	[tilespmem:$0x1D4C0] =	vst v63  }
0x77: {  	v0 =	vld [tilespmem:$0x150];
	_ =	sdelay $0x6  }
0x78: {  	s12 =	simm.s32 $0x1820  }
0x79: {  	[tilespmem:s12], [sflag:$0x3] =	stream.indirect_vreg.gather [spmem:s3], $0x10, v0, vm0, $0xb8;
	[tilespmem:$0x1D4C0] =	vst v63  }
0x7a: {  	v0 =	vld [tilespmem:$0x160];
	_ =	sdelay $0x6  }
0x7b: {  	s13 =	simm.s32 $0x1920  }
0x7c: {  	[tilespmem:s13], [sflag:$0x3] =	stream.indirect_vreg.gather [spmem:s3], $0x10, v0, vm0, $0xb8;
	[tilespmem:$0x1D4C0] =	vst v63  }
0x7d: {  	v0 =	vld [tilespmem:$0x170];
	_ =	sdelay $0x6  }
0x7e: {  	s16 =	simm.s32 $0x1A20  }
0x7f: {  	[tilespmem:s16], [sflag:$0x3] =	stream.indirect_vreg.gather [spmem:s3], $0x10, v0, vm0, $0xb8;
	[tilespmem:$0x1D4C0] =	vst v63  }
0x80: {  	v0 =	vld [tilespmem:$0x180];
	_ =	sdelay $0x6  }
0x81: {  	s21 =	simm.s32 $0x1B20  }
0x82: {  	[tilespmem:s21], [sflag:$0x3] =	stream.indirect_vreg.gather [spmem:s3], $0x10, v0, vm0, $0xb8;
	[tilespmem:$0x1D4C0] =	vst v63  }
0x83: {  	s12 =	rddreg [dreg:$0x9]  }
0x84: {  	[tilespmem:s4], [sflag:$0x1] =	stream.linear.gather [hbm4b:s12+s4], $0x190, $0x38;
	[tilespmem:$0x1D4C0] =	vst v63  }
0x85: {  	_ =	swait.ge [sflag:s26], $0x190  }
0x86: {  	[sflag:s26] =	ssyncset.done $0x0  }
0x87: {  	[sflag:s26] =	ssyncadd.s32 $0xFFFFFE70  }
0x88: {  	v63 =	vld [tilespmem:$0x190];
	_ =	sdelay $0x7  }
0x89: {  	[tilespmem:s28], [sflag:$0x4] =	stream.indirect_vreg.gather [spmem:s3], $0x10, v63, vm0, $0xb8;
	[tilespmem:$0x1D4C0] =	vst v63  }
0x8a: {  	v0 =	vld [tilespmem:$0x1A0];
	_ =	sdelay $0x6  }
0x8b: {  	s13 =	simm.s32 $0x1D20  }
0x8c: {  	[tilespmem:s13], [sflag:$0x4] =	stream.indirect_vreg.gather [spmem:s3], $0x10, v0, vm0, $0xb8;
	[tilespmem:$0x1D4C0] =	vst v63  }
0x8d: {  	v0 =	vld [tilespmem:$0x1B0];
	_ =	sdelay $0x6  }
0x8e: {  	s16 =	simm.s32 $0x1E20  }
0x8f: {  	[tilespmem:s16], [sflag:$0x4] =	stream.indirect_vreg.gather [spmem:s3], $0x10, v0, vm0, $0xb8;
	[tilespmem:$0x1D4C0] =	vst v63  }
0x90: {  	v0 =	vld [tilespmem:$0x1C0];
	_ =	sdelay $0x6  }
0x91: {  	s21 =	simm.s32 $0x1F20  }
0x92: {  	[tilespmem:s21], [sflag:$0x4] =	stream.indirect_vreg.gather [spmem:s3], $0x10, v0, vm0, $0xb8;
	[tilespmem:$0x1D4C0] =	vst v63  }
0x93: {  	v0 =	vld [tilespmem:$0x1D0];
	_ =	sdelay $0x6  }
0x94: {  	s12 =	simm.s32 $0x2020  }
0x95: {  	[tilespmem:s12], [sflag:$0x4] =	stream.indirect_vreg.gather [spmem:s3], $0x10, v0, vm0, $0xb8;
	[tilespmem:$0x1D4C0] =	vst v63  }
0x96: {  	v0 =	vld [tilespmem:$0x1E0];
	_ =	sdelay $0x6  }
0x97: {  	s13 =	simm.s32 $0x2120  }
0x98: {  	[tilespmem:s13], [sflag:$0x4] =	stream.indirect_vreg.gather [spmem:s3], $0x10, v0, vm0, $0xb8;
	[tilespmem:$0x1D4C0] =	vst v63  }
0x99: {  	v0 =	vld [tilespmem:$0x1F0];
	_ =	sdelay $0x6  }
0x9a: {  	s16 =	simm.s32 $0x2220  }
0x9b: {  	[tilespmem:s16], [sflag:$0x4] =	stream.indirect_vreg.gather [spmem:s3], $0x10, v0, vm0, $0xb8;
	[tilespmem:$0x1D4C0] =	vst v63  }
0x9c: {  	v0 =	vld [tilespmem:$0x200];
	_ =	sdelay $0x6  }
0x9d: {  	s21 =	simm.s32 $0x2320  }
0x9e: {  	[tilespmem:s21], [sflag:$0x4] =	stream.indirect_vreg.gather [spmem:s3], $0x10, v0, vm0, $0xb8;
	[tilespmem:$0x1D4C0] =	vst v63  }
0x9f: {  	v0 =	vld [tilespmem:$0x210];
	_ =	sdelay $0x6  }
0xa0: {  	s12 =	simm.s32 $0x2420  }
0xa1: {  	[tilespmem:s12], [sflag:$0x4] =	stream.indirect_vreg.gather [spmem:s3], $0x10, v0, vm0, $0xb8;
	[tilespmem:$0x1D4C0] =	vst v63  }
0xa2: {  	v0 =	vld [tilespmem:$0x220];
	_ =	sdelay $0x6  }
0xa3: {  	s13 =	simm.s32 $0x2520  }
0xa4: {  	[tilespmem:s13], [sflag:$0x4] =	stream.indirect_vreg.gather [spmem:s3], $0x10, v0, vm0, $0xb8;
	[tilespmem:$0x1D4C0] =	vst v63  }
0xa5: {  	v0 =	vld [tilespmem:$0x230];
	_ =	sdelay $0x6  }
0xa6: {  	s16 =	simm.s32 $0x2620  }
0xa7: {  	[tilespmem:s16], [sflag:$0x4] =	stream.indirect_vreg.gather [spmem:s3], $0x10, v0, vm0, $0xb8;
	[tilespmem:$0x1D4C0] =	vst v63  }
0xa8: {  	v0 =	vld [tilespmem:$0x240];
	_ =	sdelay $0x6  }
0xa9: {  	s21 =	simm.s32 $0x2720  }
0xaa: {  	[tilespmem:s21], [sflag:$0x4] =	stream.indirect_vreg.gather [spmem:s3], $0x10, v0, vm0, $0xb8;
	[tilespmem:$0x1D4C0] =	vst v63  }
0xab: {  	v0 =	vld [tilespmem:$0x250];
	_ =	sdelay $0x6  }
0xac: {  	s12 =	simm.s32 $0x2820  }
0xad: {  	[tilespmem:s12], [sflag:$0x4] =	stream.indirect_vreg.gather [spmem:s3], $0x10, v0, vm0, $0xb8;
	[tilespmem:$0x1D4C0] =	vst v63  }
0xae: {  	v0 =	vld [tilespmem:$0x260];
	_ =	sdelay $0x6  }
0xaf: {  	s13 =	simm.s32 $0x2920  }
0xb0: {  	[tilespmem:s13], [sflag:$0x4] =	stream.indirect_vreg.gather [spmem:s3], $0x10, v0, vm0, $0xb8;
	[tilespmem:$0x1D4C0] =	vst v63  }
0xb1: {  	v0 =	vld [tilespmem:$0x270];
	_ =	sdelay $0x6  }
0xb2: {  	s16 =	simm.s32 $0x2A20  }
0xb3: {  	[tilespmem:s16], [sflag:$0x4] =	stream.indirect_vreg.gather [spmem:s3], $0x10, v0, vm0, $0xb8;
	[tilespmem:$0x1D4C0] =	vst v63  }
0xb4: {  	v0 =	vld [tilespmem:$0x280];
	_ =	sdelay $0x7  }
0xb5: {  	[tilespmem:s18], [sflag:$0x4] =	stream.indirect_vreg.gather [spmem:s3], $0x10, v0, vm0, $0xb8;
	[tilespmem:$0x1D4C0] =	vst v63  }
0xb6: {  	v0 =	vld [tilespmem:$0x290];
	_ =	sdelay $0x7  }
0xb7: {  	[tilespmem:s10], [sflag:$0x4] =	stream.indirect_vreg.gather [spmem:s3], $0x10, v0, vm0, $0xb8;
	[tilespmem:$0x1D4C0] =	vst v63  }
0xb8: {  	v0 =	vld [tilespmem:$0x2A0];
	_ =	sdelay $0x7  }
0xb9: {  	[tilespmem:s19], [sflag:$0x4] =	stream.indirect_vreg.gather [spmem:s3], $0x10, v0, vm0, $0xb8;
	[tilespmem:$0x1D4C0] =	vst v63  }
0xba: {  	v0 =	vld [tilespmem:$0x2B0];
	_ =	sdelay $0x7  }
0xbb: {  	[tilespmem:s20], [sflag:$0x4] =	stream.indirect_vreg.gather [spmem:s3], $0x10, v0, vm0, $0xb8;
	[tilespmem:$0x1D4C0] =	vst v63  }
0xbc: {  	v0 =	vld [tilespmem:$0x2C0];
	_ =	sdelay $0x7  }
0xbd: {  	[tilespmem:s24], [sflag:$0x4] =	stream.indirect_vreg.gather [spmem:s3], $0x10, v0, vm0, $0xb8;
	[tilespmem:$0x1D4C0] =	vst v63  }
0xbe: {  	v0 =	vld [tilespmem:$0x2D0];
	_ =	sdelay $0x7  }
0xbf: {  	[tilespmem:s25], [sflag:$0x4] =	stream.indirect_vreg.gather [spmem:s3], $0x10, v0, vm0, $0xb8;
	[tilespmem:$0x1D4C0] =	vst v63  }
0xc0: {  	v0 =	vld [tilespmem:$0x2E0];
	_ =	sdelay $0x7  }
0xc1: {  	[tilespmem:s29], [sflag:$0x4] =	stream.indirect_vreg.gather [spmem:s3], $0x10, v0, vm0, $0xb8;
	[tilespmem:$0x1D4C0] =	vst v63  }
0xc2: {  	v0 =	vld [tilespmem:$0x2F0];
	_ =	sdelay $0x7  }
0xc3: {  	[tilespmem:s30], [sflag:$0x4] =	stream.indirect_vreg.gather [spmem:s3], $0x10, v0, vm0, $0xb8;
	[tilespmem:$0x1D4C0] =	vst v63  }
0xc4: {  	v0 =	vld [tilespmem:$0x300];
	_ =	sdelay $0x7  }
0xc5: {  	[tilespmem:s31], [sflag:$0x4] =	stream.indirect_vreg.gather [spmem:s3], $0x10, v0, vm0, $0xb8;
	[tilespmem:$0x1D4C0] =	vst v63  }
0xc6: {  	v0 =	vld [tilespmem:$0x310];
	_ =	sdelay $0x5  }
.Ltmp2:
0xc7: {  	_ = 	snop;
	(pc) =	sbr.rel .LBB2_2-.Ltmp2, $4  }
0xc8: {  	_ = 	snop  }
0xc9: {  	[tilespmem:s0], [sflag:$0x4] =	stream.indirect_vreg.gather [spmem:s3], $0x10, v0, vm0, $0xb8;
	[tilespmem:$0x1D4C0] =	vst v63  }
0xca: {  	s9 =	simm.s32 $0x0;
	s21 =	rddreg [dreg:$0xa]  }
0xcb: {  	[tilespmem:s11], [sflag:$0x2] =	stream.linear.gather [hbm4b:s21+s4], $0x190, $0x38;
	[tilespmem:$0x1D4C0] =	vst v63  }
.LBB2_10:
0xcc: {  	s9 =	sadd.s32 $0x1, s9  }
0xcd: {  	p0 =	sne.s32 s9, $0x20  }
.Ltmp3:
0xce: {  	s11 =	sadd.s32 @p1 s11, s15;
	(pc) =	sbr.rel @!p0 .LBB2_11-.Ltmp3, $3  }
0xcf: {  	s11 =	smul.u32 @p1 $0x32, s11;
	_ =	sdelay $0x1  }
0xd0: {  	s12 =	simm.s32 @p1 $0x0;
	s13 =	simm.s32 @p1 $0x190;
	s11 =	sadd.s32 @p1 s5, s11  }
0xd1: {  	[tilespmem:s13], [sflag:$0x2] =	stream.linear.gather @p1 [hbm4b:s11+s12], $0x190, $0x38;
	[tilespmem:$0x1D4C0] =	vst v63  }
.LBB2_2:
0xd2: {  	_ =	swait.ge [sflag:s2], $0x1900  }
0xd3: {  	[sflag:s2] =	ssyncset.done $0x0  }
0xd4: {  	s12 =	simm.s32 $0x360;
	[sflag:s2] =	ssyncadd.s32 $0xFFFFE700  }
0xd5: {  	s11 =	simm.s32 $0x3560;
	v1 =	vld [tilespmem:s12+$0x30]  }
0xd6: {  	v2 =	vld [tilespmem:s11+$0x30]  }
0xd7: {  	v0 =	vld [tilespmem:s11+$0xFFFFFFC0]  }
0xd8: {  	v3 =	vld [tilespmem:s12+$0xFFFFFFD0]  }
0xd9: {  	v4 =	vld [tilespmem:s11+$0xFFFFFFD0]  }
0xda: {  	v5 =	vld [tilespmem:s12+$0xFFFFFFE0]  }
0xdb: {  	v6 =	vld [tilespmem:s11+$0xFFFFFFE0]  }
0xdc: {  	v7 =	vld [tilespmem:s12+$0xFFFFFFF0]  }
0xdd: {  	v8 =	vld [tilespmem:s11+$0xFFFFFFF0]  }
0xde: {  	v9 =	vld [tilespmem:s12+$0x0]  }
0xdf: {  	v10 =	vld [tilespmem:s11+$0x0];
	v2 =	vadd.f32 v2, v1  }
0xe0: {  	v3 =	vadd.f32 v4, v3;
	v1 =	vld [tilespmem:s12+$0x10]  }
0xe1: {  	v5 =	vadd.f32 v6, v5;
	v4 =	vld [tilespmem:s11+$0x10];
	[tilespmem:s12+$0x30] =	vst v2  }
0xe2: {  	v6 =	vadd.f32 v8, v7;
	[tilespmem:s12+$0xFFFFFFD0] =	vst v3;
	v2 =	vld [tilespmem:s12+$0x20]  }
0xe3: {  	[tilespmem:s12+$0xFFFFFFE0] =	vst v5;
	v5 =	vld [tilespmem:s11+$0x20]  }
0xe4: {  	s21 =	simm.s32 $0x0;
	s13 =	simm.s32 $0x3E0;
	v3 =	vld [tilespmem:s12+$0xFFFFFFC0];
	[tilespmem:s12+$0xFFFFFFF0] =	vst v6;
	v6 =	vadd.f32 v10, v9  }
.LBB2_3:
0xe5: {  	v7 =	vld [tilespmem:s13+$0x30];
	s11 =	sadd.s32 $0x80, s11  }
0xe6: {  	s21 =	sadd.s32 $0x8, s21;
	v8 =	vld [tilespmem:s11+$0x30];
	[tilespmem:s12+$0x0] =	vst v6;
	v1 =	vadd.f32 v4, v1  }
0xe7: {  	p0 =	slt.u32 s21, $0x188;
	v4 =	vld [tilespmem:s11+$0xFFFFFFC0]  }
0xe8: {  	v6 =	vld [tilespmem:s13+$0xFFFFFFD0];
	[tilespmem:s12+$0x10] =	vst v1;
	v1 =	vadd.f32 v5, v2  }
0xe9: {  	v2 =	vld [tilespmem:s11+$0xFFFFFFD0];
	v9 =	vadd.f32 v0, v3  }
0xea: {  	v3 =	vld [tilespmem:s13+$0xFFFFFFE0];
	[tilespmem:s12+$0x20] =	vst v1  }
0xeb: {  	v1 =	vld [tilespmem:s11+$0xFFFFFFE0];
	v5 =	vadd.f32 v8, v7;
	[tilespmem:s12+$0xFFFFFFC0] =	vst v9;
	s12 =	smov.u32 s13  }
0xec: {  	v7 =	vld [tilespmem:s13+$0xFFFFFFF0];
	v0 =	vmov v4  }
0xed: {  	v8 =	vld [tilespmem:s11+$0xFFFFFFF0];
	[tilespmem:s13+$0x30] =	vst v5  }
0xee: {  	v2 =	vadd.f32 v2, v6;
	v6 =	vld [tilespmem:s13+$0x0]  }
0xef: {  	v9 =	vld [tilespmem:s11+$0x0]  }
.Ltmp4:
0xf0: {  	[tilespmem:s13+$0xFFFFFFD0] =	vst v2;
	v2 =	vadd.f32 v1, v3;
	v1 =	vld [tilespmem:s13+$0x10];
	(pc) =	sbr.rel @p0 .LBB2_3-.Ltmp4, $4  }
0xf1: {  	v4 =	vld [tilespmem:s11+$0x10]  }
0xf2: {  	[tilespmem:s13+$0xFFFFFFE0] =	vst v2;
	v7 =	vadd.f32 v8, v7;
	v2 =	vld [tilespmem:s13+$0x20]  }
0xf3: {  	v5 =	vld [tilespmem:s11+$0x20]  }
0xf4: {  	s13 =	sadd.s32 $0x80, s13;
	v3 =	vld [tilespmem:s12+$0xFFFFFFC0];
	[tilespmem:s12+$0xFFFFFFF0] =	vst v7;
	v6 =	vadd.f32 v9, v6  }
0xf5: {  	_ =	sdelay $0x1  }
0xf6: {  	s11 =	sshll.u32 s9, $0x1;
	p0 =	seq.s32 s9, $0x1F;
	v1 =	vadd.f32 v4, v1  }
.Ltmp5:
0xf7: {  	[tilespmem:s12+$0x0] =	vst v6;
	s13 =	sadd.s32 s6, s11;
	v2 =	vadd.f32 v5, v2;
	(pc) =	sbr.rel @p0 .LBB2_6-.Ltmp5, $4  }
0xf8: {  	s13 =	smul.u32 $0x320, s13;
	[tilespmem:s12+$0x10] =	vst v1;
	v0 =	vadd.f32 v0, v3  }
0xf9: {  	[tilespmem:s12+$0x20] =	vst v2  }
0xfa: {  	p1 =	por $0x0, $0x0;
	s21 =	sadd.s32 s1, s13;
	[tilespmem:s12+$0xFFFFFFC0] =	vst v0  }
0xfb: {  	[hbm4b:s21+s4] =	stream.linear.scatter [tilespmem:s23], [sflag:$0x5], $0x1900, $0x38;
	[tilespmem:$0x1D4C0] =	vst v63  }
0xfc: {  	_ =	swait.ge [sflag:s7], $0x1900  }
0xfd: {  	[sflag:s7] =	ssyncset.done $0x0  }
0xfe: {  	[sflag:s7] =	ssyncadd.s32 $0xFFFFE700  }
0xff: {  	_ =	swait.ge [sflag:s22], $0x190  }
0x100: {  	[sflag:s22] =	ssyncset.done $0x0  }
0x101: {  	[sflag:s22] =	ssyncadd.s32 $0xFFFFFE70  }
0x102: {  	v0 =	vld [tilespmem:$0x0];
	_ =	sdelay $0x7  }
0x103: {  	[tilespmem:s23], [sflag:$0x3] =	stream.indirect_vreg.gather [spmem:s3], $0x10, v0, vm0, $0xb8;
	[tilespmem:$0x1D4C0] =	vst v63  }
0x104: {  	v0 =	vld [tilespmem:$0x10];
	_ =	sdelay $0x6  }
0x105: {  	s12 =	simm.s32 $0x420  }
0x106: {  	[tilespmem:s12], [sflag:$0x3] =	stream.indirect_vreg.gather [spmem:s3], $0x10, v0, vm0, $0xb8;
	[tilespmem:$0x1D4C0] =	vst v63  }
0x107: {  	v0 =	vld [tilespmem:$0x20];
	_ =	sdelay $0x6  }
0x108: {  	s21 =	simm.s32 $0x520  }
0x109: {  	[tilespmem:s21], [sflag:$0x3] =	stream.indirect_vreg.gather [spmem:s3], $0x10, v0, vm0, $0xb8;
	[tilespmem:$0x1D4C0] =	vst v63  }
0x10a: {  	v0 =	vld [tilespmem:$0x30];
	_ =	sdelay $0x6  }
0x10b: {  	s13 =	simm.s32 $0x620  }
0x10c: {  	[tilespmem:s13], [sflag:$0x3] =	stream.indirect_vreg.gather [spmem:s3], $0x10, v0, vm0, $0xb8;
	[tilespmem:$0x1D4C0] =	vst v63  }
0x10d: {  	v0 =	vld [tilespmem:$0x40];
	_ =	sdelay $0x6  }
0x10e: {  	s16 =	simm.s32 $0x720  }
0x10f: {  	[tilespmem:s16], [sflag:$0x3] =	stream.indirect_vreg.gather [spmem:s3], $0x10, v0, vm0, $0xb8;
	[tilespmem:$0x1D4C0] =	vst v63  }
0x110: {  	v0 =	vld [tilespmem:$0x50];
	_ =	sdelay $0x6  }
0x111: {  	s21 =	simm.s32 $0x820  }
0x112: {  	[tilespmem:s21], [sflag:$0x3] =	stream.indirect_vreg.gather [spmem:s3], $0x10, v0, vm0, $0xb8;
	[tilespmem:$0x1D4C0] =	vst v63  }
0x113: {  	v0 =	vld [tilespmem:$0x60];
	_ =	sdelay $0x6  }
0x114: {  	s13 =	simm.s32 $0x920  }
0x115: {  	[tilespmem:s13], [sflag:$0x3] =	stream.indirect_vreg.gather [spmem:s3], $0x10, v0, vm0, $0xb8;
	[tilespmem:$0x1D4C0] =	vst v63  }
0x116: {  	v0 =	vld [tilespmem:$0x70];
	_ =	sdelay $0x6  }
0x117: {  	s16 =	simm.s32 $0xA20  }
0x118: {  	[tilespmem:s16], [sflag:$0x3] =	stream.indirect_vreg.gather [spmem:s3], $0x10, v0, vm0, $0xb8;
	[tilespmem:$0x1D4C0] =	vst v63  }
0x119: {  	v0 =	vld [tilespmem:$0x80];
	_ =	sdelay $0x6  }
0x11a: {  	s21 =	simm.s32 $0xB20  }
0x11b: {  	[tilespmem:s21], [sflag:$0x3] =	stream.indirect_vreg.gather [spmem:s3], $0x10, v0, vm0, $0xb8;
	[tilespmem:$0x1D4C0] =	vst v63  }
0x11c: {  	v0 =	vld [tilespmem:$0x90];
	_ =	sdelay $0x6  }
0x11d: {  	s13 =	simm.s32 $0xC20  }
0x11e: {  	[tilespmem:s13], [sflag:$0x3] =	stream.indirect_vreg.gather [spmem:s3], $0x10, v0, vm0, $0xb8;
	[tilespmem:$0x1D4C0] =	vst v63  }
0x11f: {  	v0 =	vld [tilespmem:$0xA0];
	_ =	sdelay $0x6  }
0x120: {  	s16 =	simm.s32 $0xD20  }
0x121: {  	[tilespmem:s16], [sflag:$0x3] =	stream.indirect_vreg.gather [spmem:s3], $0x10, v0, vm0, $0xb8;
	[tilespmem:$0x1D4C0] =	vst v63  }
0x122: {  	v0 =	vld [tilespmem:$0xB0];
	_ =	sdelay $0x6  }
0x123: {  	s21 =	simm.s32 $0xE20  }
0x124: {  	[tilespmem:s21], [sflag:$0x3] =	stream.indirect_vreg.gather [spmem:s3], $0x10, v0, vm0, $0xb8;
	[tilespmem:$0x1D4C0] =	vst v63  }
0x125: {  	v0 =	vld [tilespmem:$0xC0];
	_ =	sdelay $0x6  }
0x126: {  	s13 =	simm.s32 $0xF20  }
0x127: {  	[tilespmem:s13], [sflag:$0x3] =	stream.indirect_vreg.gather [spmem:s3], $0x10, v0, vm0, $0xb8;
	[tilespmem:$0x1D4C0] =	vst v63  }
0x128: {  	v0 =	vld [tilespmem:$0xD0];
	_ =	sdelay $0x6  }
0x129: {  	s16 =	simm.s32 $0x1020  }
0x12a: {  	[tilespmem:s16], [sflag:$0x3] =	stream.indirect_vreg.gather [spmem:s3], $0x10, v0, vm0, $0xb8;
	[tilespmem:$0x1D4C0] =	vst v63  }
0x12b: {  	v0 =	vld [tilespmem:$0xE0];
	_ =	sdelay $0x6  }
0x12c: {  	s21 =	simm.s32 $0x1120  }
0x12d: {  	[tilespmem:s21], [sflag:$0x3] =	stream.indirect_vreg.gather [spmem:s3], $0x10, v0, vm0, $0xb8;
	[tilespmem:$0x1D4C0] =	vst v63  }
0x12e: {  	v0 =	vld [tilespmem:$0xF0];
	_ =	sdelay $0x6  }
0x12f: {  	s13 =	simm.s32 $0x1220  }
0x130: {  	[tilespmem:s13], [sflag:$0x3] =	stream.indirect_vreg.gather [spmem:s3], $0x10, v0, vm0, $0xb8;
	[tilespmem:$0x1D4C0] =	vst v63  }
0x131: {  	v0 =	vld [tilespmem:$0x100];
	_ =	sdelay $0x6  }
0x132: {  	s16 =	simm.s32 $0x1320  }
0x133: {  	[tilespmem:s16], [sflag:$0x3] =	stream.indirect_vreg.gather [spmem:s3], $0x10, v0, vm0, $0xb8;
	[tilespmem:$0x1D4C0] =	vst v63  }
0x134: {  	v0 =	vld [tilespmem:$0x110];
	_ =	sdelay $0x6  }
0x135: {  	s21 =	simm.s32 $0x1420  }
0x136: {  	[tilespmem:s21], [sflag:$0x3] =	stream.indirect_vreg.gather [spmem:s3], $0x10, v0, vm0, $0xb8;
	[tilespmem:$0x1D4C0] =	vst v63  }
0x137: {  	v0 =	vld [tilespmem:$0x120];
	_ =	sdelay $0x6  }
0x138: {  	s13 =	simm.s32 $0x1520  }
0x139: {  	[tilespmem:s13], [sflag:$0x3] =	stream.indirect_vreg.gather [spmem:s3], $0x10, v0, vm0, $0xb8;
	[tilespmem:$0x1D4C0] =	vst v63  }
0x13a: {  	v0 =	vld [tilespmem:$0x130];
	_ =	sdelay $0x6  }
0x13b: {  	s16 =	simm.s32 $0x1620  }
0x13c: {  	[tilespmem:s16], [sflag:$0x3] =	stream.indirect_vreg.gather [spmem:s3], $0x10, v0, vm0, $0xb8;
	[tilespmem:$0x1D4C0] =	vst v63  }
0x13d: {  	v0 =	vld [tilespmem:$0x140];
	_ =	sdelay $0x6  }
0x13e: {  	s21 =	simm.s32 $0x1720  }
0x13f: {  	[tilespmem:s21], [sflag:$0x3] =	stream.indirect_vreg.gather [spmem:s3], $0x10, v0, vm0, $0xb8;
	[tilespmem:$0x1D4C0] =	vst v63  }
0x140: {  	v0 =	vld [tilespmem:$0x150];
	_ =	sdelay $0x6  }
0x141: {  	s13 =	simm.s32 $0x1820  }
0x142: {  	[tilespmem:s13], [sflag:$0x3] =	stream.indirect_vreg.gather [spmem:s3], $0x10, v0, vm0, $0xb8;
	[tilespmem:$0x1D4C0] =	vst v63  }
0x143: {  	v0 =	vld [tilespmem:$0x160];
	_ =	sdelay $0x6  }
0x144: {  	s16 =	simm.s32 $0x1920  }
0x145: {  	[tilespmem:s16], [sflag:$0x3] =	stream.indirect_vreg.gather [spmem:s3], $0x10, v0, vm0, $0xb8;
	[tilespmem:$0x1D4C0] =	vst v63  }
0x146: {  	v0 =	vld [tilespmem:$0x170];
	_ =	sdelay $0x6  }
0x147: {  	s21 =	simm.s32 $0x1A20  }
0x148: {  	[tilespmem:s21], [sflag:$0x3] =	stream.indirect_vreg.gather [spmem:s3], $0x10, v0, vm0, $0xb8;
	[tilespmem:$0x1D4C0] =	vst v63  }
0x149: {  	v0 =	vld [tilespmem:$0x180];
	_ =	sdelay $0x4  }
0x14a: {  	p2 =	sgt.u32 s9, $0x1D  }
0x14b: {  	p1 =	por $0x0, $0x0;
	s12 =	sadd.s32 @!p2 s11, s14  }
0x14c: {  	p3 =	por @!p2 $0x1, $0x1;
	s12 =	smul.u32 @!p2 $0x32, s12;
	s13 =	simm.s32 $0x1B20  }
0x14d: {  	[tilespmem:s13], [sflag:$0x3] =	stream.indirect_vreg.gather [spmem:s3], $0x10, v0, vm0, $0xb8;
	[tilespmem:$0x1D4C0] =	vst v63  }
0x14e: {  	p1 =	por @!p2 p3, p3;
	s12 =	sadd.s32 @!p2 s5, s12;
	s13 =	simm.s32 @!p2 $0x0  }
0x14f: {  	[tilespmem:s13], [sflag:$0x1] =	stream.linear.gather @!p2 [hbm4b:s12+s13], $0x190, $0x38;
	[tilespmem:$0x1D4C0] =	vst v63  }
.LBB2_6:
0x150: {  	_ =	swait.ge [sflag:s17], $0x1900  }
0x151: {  	[sflag:s17] =	ssyncset.done $0x0  }
0x152: {  	s12 =	simm.s32 $0x1C60;
	[sflag:s17] =	ssyncadd.s32 $0xFFFFE700  }
0x153: {  	s21 =	simm.s32 $0x3560;
	v1 =	vld [tilespmem:s12+$0x30]  }
0x154: {  	v2 =	vld [tilespmem:s21+$0x30]  }
0x155: {  	v0 =	vld [tilespmem:s21+$0xFFFFFFC0]  }
0x156: {  	v3 =	vld [tilespmem:s12+$0xFFFFFFD0]  }
0x157: {  	v4 =	vld [tilespmem:s21+$0xFFFFFFD0]  }
0x158: {  	v5 =	vld [tilespmem:s12+$0xFFFFFFE0]  }
0x159: {  	v6 =	vld [tilespmem:s21+$0xFFFFFFE0]  }
0x15a: {  	v7 =	vld [tilespmem:s12+$0xFFFFFFF0]  }
0x15b: {  	v8 =	vld [tilespmem:s21+$0xFFFFFFF0]  }
0x15c: {  	v9 =	vld [tilespmem:s12+$0x0]  }
0x15d: {  	v10 =	vld [tilespmem:s21+$0x0];
	v2 =	vadd.f32 v2, v1  }
0x15e: {  	v3 =	vadd.f32 v4, v3;
	v1 =	vld [tilespmem:s12+$0x10]  }
0x15f: {  	v5 =	vadd.f32 v6, v5;
	v4 =	vld [tilespmem:s21+$0x10];
	[tilespmem:s12+$0x30] =	vst v2  }
0x160: {  	v6 =	vadd.f32 v8, v7;
	[tilespmem:s12+$0xFFFFFFD0] =	vst v3;
	v2 =	vld [tilespmem:s12+$0x20]  }
0x161: {  	[tilespmem:s12+$0xFFFFFFE0] =	vst v5;
	v5 =	vld [tilespmem:s21+$0x20]  }
0x162: {  	s13 =	simm.s32 $0x0;
	s16 =	simm.s32 $0x1CE0;
	v3 =	vld [tilespmem:s12+$0xFFFFFFC0];
	[tilespmem:s12+$0xFFFFFFF0] =	vst v6;
	v6 =	vadd.f32 v10, v9  }
.LBB2_7:
0x163: {  	v7 =	vld [tilespmem:s16+$0x30];
	s21 =	sadd.s32 $0x80, s21  }
0x164: {  	s13 =	sadd.s32 $0x8, s13;
	v8 =	vld [tilespmem:s21+$0x30];
	[tilespmem:s12+$0x0] =	vst v6;
	v1 =	vadd.f32 v4, v1  }
0x165: {  	p2 =	slt.u32 s13, $0x188;
	v4 =	vld [tilespmem:s21+$0xFFFFFFC0]  }
0x166: {  	v6 =	vld [tilespmem:s16+$0xFFFFFFD0];
	[tilespmem:s12+$0x10] =	vst v1;
	v1 =	vadd.f32 v5, v2  }
0x167: {  	v2 =	vld [tilespmem:s21+$0xFFFFFFD0];
	v9 =	vadd.f32 v0, v3  }
0x168: {  	v3 =	vld [tilespmem:s16+$0xFFFFFFE0];
	[tilespmem:s12+$0x20] =	vst v1  }
0x169: {  	v1 =	vld [tilespmem:s21+$0xFFFFFFE0];
	v5 =	vadd.f32 v8, v7;
	[tilespmem:s12+$0xFFFFFFC0] =	vst v9;
	s12 =	smov.u32 s16  }
0x16a: {  	v7 =	vld [tilespmem:s16+$0xFFFFFFF0];
	v0 =	vmov v4  }
0x16b: {  	v8 =	vld [tilespmem:s21+$0xFFFFFFF0];
	[tilespmem:s16+$0x30] =	vst v5  }
0x16c: {  	v2 =	vadd.f32 v2, v6;
	v6 =	vld [tilespmem:s16+$0x0]  }
0x16d: {  	v9 =	vld [tilespmem:s21+$0x0]  }
.Ltmp6:
0x16e: {  	[tilespmem:s16+$0xFFFFFFD0] =	vst v2;
	v2 =	vadd.f32 v1, v3;
	v1 =	vld [tilespmem:s16+$0x10];
	(pc) =	sbr.rel @p2 .LBB2_7-.Ltmp6, $4  }
0x16f: {  	v4 =	vld [tilespmem:s21+$0x10]  }
0x170: {  	[tilespmem:s16+$0xFFFFFFE0] =	vst v2;
	v7 =	vadd.f32 v8, v7;
	v2 =	vld [tilespmem:s16+$0x20]  }
0x171: {  	v5 =	vld [tilespmem:s21+$0x20]  }
0x172: {  	s16 =	sadd.s32 $0x80, s16;
	v3 =	vld [tilespmem:s12+$0xFFFFFFC0];
	[tilespmem:s12+$0xFFFFFFF0] =	vst v7;
	v6 =	vadd.f32 v9, v6  }
0x173: {  	_ = 	snop  }
0x174: {  	s13 =	sadd.s32 s11, s6  }
0x175: {  	v1 =	vadd.f32 v4, v1;
	s13 =	smul.u32 $0x320, s13  }
.Ltmp7:
0x176: {  	[tilespmem:s12+$0x0] =	vst v6;
	v2 =	vadd.f32 v5, v2;
	(pc) =	sbr.rel @p0 .LBB2_10-.Ltmp7, $4  }
0x177: {  	[tilespmem:s12+$0x10] =	vst v1;
	v0 =	vadd.f32 v0, v3  }
0x178: {  	s13 =	sadd.s32 s1, s13;
	[tilespmem:s12+$0x20] =	vst v2  }
0x179: {  	s21 =	sadd.s32 $0x320, s13;
	[tilespmem:s12+$0xFFFFFFC0] =	vst v0  }
0x17a: {  	[hbm4b:s21+s4] =	stream.linear.scatter [tilespmem:s28], [sflag:$0x6], $0x1900, $0x38;
	[tilespmem:$0x1D4C0] =	vst v63  }
0x17b: {  	_ =	swait.ge [sflag:s8], $0x1900  }
0x17c: {  	[sflag:s8] =	ssyncset.done $0x0  }
0x17d: {  	[sflag:s8] =	ssyncadd.s32 $0xFFFFE700  }
0x17e: {  	_ =	swait.ge [sflag:s26], $0x190  }
0x17f: {  	[sflag:s26] =	ssyncset.done $0x0  }
0x180: {  	[sflag:s26] =	ssyncadd.s32 $0xFFFFFE70  }
0x181: {  	v0 =	vld [tilespmem:$0x190];
	_ =	sdelay $0x7  }
0x182: {  	[tilespmem:s28], [sflag:$0x4] =	stream.indirect_vreg.gather [spmem:s3], $0x10, v0, vm0, $0xb8;
	[tilespmem:$0x1D4C0] =	vst v63  }
0x183: {  	v0 =	vld [tilespmem:$0x1A0];
	_ =	sdelay $0x6  }
0x184: {  	s12 =	simm.s32 $0x1D20  }
0x185: {  	[tilespmem:s12], [sflag:$0x4] =	stream.indirect_vreg.gather [spmem:s3], $0x10, v0, vm0, $0xb8;
	[tilespmem:$0x1D4C0] =	vst v63  }
0x186: {  	v0 =	vld [tilespmem:$0x1B0];
	_ =	sdelay $0x6  }
0x187: {  	s21 =	simm.s32 $0x1E20  }
0x188: {  	[tilespmem:s21], [sflag:$0x4] =	stream.indirect_vreg.gather [spmem:s3], $0x10, v0, vm0, $0xb8;
	[tilespmem:$0x1D4C0] =	vst v63  }
0x189: {  	v0 =	vld [tilespmem:$0x1C0];
	_ =	sdelay $0x6  }
0x18a: {  	s13 =	simm.s32 $0x1F20  }
0x18b: {  	[tilespmem:s13], [sflag:$0x4] =	stream.indirect_vreg.gather [spmem:s3], $0x10, v0, vm0, $0xb8;
	[tilespmem:$0x1D4C0] =	vst v63  }
0x18c: {  	v0 =	vld [tilespmem:$0x1D0];
	_ =	sdelay $0x6  }
0x18d: {  	s16 =	simm.s32 $0x2020  }
0x18e: {  	[tilespmem:s16], [sflag:$0x4] =	stream.indirect_vreg.gather [spmem:s3], $0x10, v0, vm0, $0xb8;
	[tilespmem:$0x1D4C0] =	vst v63  }
0x18f: {  	v0 =	vld [tilespmem:$0x1E0];
	_ =	sdelay $0x6  }
0x190: {  	s21 =	simm.s32 $0x2120  }
0x191: {  	[tilespmem:s21], [sflag:$0x4] =	stream.indirect_vreg.gather [spmem:s3], $0x10, v0, vm0, $0xb8;
	[tilespmem:$0x1D4C0] =	vst v63  }
0x192: {  	v0 =	vld [tilespmem:$0x1F0];
	_ =	sdelay $0x6  }
0x193: {  	s13 =	simm.s32 $0x2220  }
0x194: {  	[tilespmem:s13], [sflag:$0x4] =	stream.indirect_vreg.gather [spmem:s3], $0x10, v0, vm0, $0xb8;
	[tilespmem:$0x1D4C0] =	vst v63  }
0x195: {  	v0 =	vld [tilespmem:$0x200];
	_ =	sdelay $0x6  }
0x196: {  	s16 =	simm.s32 $0x2320  }
0x197: {  	[tilespmem:s16], [sflag:$0x4] =	stream.indirect_vreg.gather [spmem:s3], $0x10, v0, vm0, $0xb8;
	[tilespmem:$0x1D4C0] =	vst v63  }
0x198: {  	v0 =	vld [tilespmem:$0x210];
	_ =	sdelay $0x6  }
0x199: {  	s21 =	simm.s32 $0x2420  }
0x19a: {  	[tilespmem:s21], [sflag:$0x4] =	stream.indirect_vreg.gather [spmem:s3], $0x10, v0, vm0, $0xb8;
	[tilespmem:$0x1D4C0] =	vst v63  }
0x19b: {  	v0 =	vld [tilespmem:$0x220];
	_ =	sdelay $0x6  }
0x19c: {  	s13 =	simm.s32 $0x2520  }
0x19d: {  	[tilespmem:s13], [sflag:$0x4] =	stream.indirect_vreg.gather [spmem:s3], $0x10, v0, vm0, $0xb8;
	[tilespmem:$0x1D4C0] =	vst v63  }
0x19e: {  	v0 =	vld [tilespmem:$0x230];
	_ =	sdelay $0x6  }
0x19f: {  	s16 =	simm.s32 $0x2620  }
0x1a0: {  	[tilespmem:s16], [sflag:$0x4] =	stream.indirect_vreg.gather [spmem:s3], $0x10, v0, vm0, $0xb8;
	[tilespmem:$0x1D4C0] =	vst v63  }
0x1a1: {  	v0 =	vld [tilespmem:$0x240];
	_ =	sdelay $0x6  }
0x1a2: {  	s21 =	simm.s32 $0x2720  }
0x1a3: {  	[tilespmem:s21], [sflag:$0x4] =	stream.indirect_vreg.gather [spmem:s3], $0x10, v0, vm0, $0xb8;
	[tilespmem:$0x1D4C0] =	vst v63  }
0x1a4: {  	v0 =	vld [tilespmem:$0x250];
	_ =	sdelay $0x6  }
0x1a5: {  	s13 =	simm.s32 $0x2820  }
0x1a6: {  	[tilespmem:s13], [sflag:$0x4] =	stream.indirect_vreg.gather [spmem:s3], $0x10, v0, vm0, $0xb8;
	[tilespmem:$0x1D4C0] =	vst v63  }
0x1a7: {  	v0 =	vld [tilespmem:$0x260];
	_ =	sdelay $0x6  }
0x1a8: {  	s16 =	simm.s32 $0x2920  }
0x1a9: {  	[tilespmem:s16], [sflag:$0x4] =	stream.indirect_vreg.gather [spmem:s3], $0x10, v0, vm0, $0xb8;
	[tilespmem:$0x1D4C0] =	vst v63  }
0x1aa: {  	v0 =	vld [tilespmem:$0x270];
	_ =	sdelay $0x6  }
0x1ab: {  	s21 =	simm.s32 $0x2A20  }
0x1ac: {  	[tilespmem:s21], [sflag:$0x4] =	stream.indirect_vreg.gather [spmem:s3], $0x10, v0, vm0, $0xb8;
	[tilespmem:$0x1D4C0] =	vst v63  }
0x1ad: {  	v0 =	vld [tilespmem:$0x280];
	_ =	sdelay $0x7  }
0x1ae: {  	[tilespmem:s18], [sflag:$0x4] =	stream.indirect_vreg.gather [spmem:s3], $0x10, v0, vm0, $0xb8;
	[tilespmem:$0x1D4C0] =	vst v63  }
0x1af: {  	v0 =	vld [tilespmem:$0x290];
	_ =	sdelay $0x7  }
0x1b0: {  	[tilespmem:s10], [sflag:$0x4] =	stream.indirect_vreg.gather [spmem:s3], $0x10, v0, vm0, $0xb8;
	[tilespmem:$0x1D4C0] =	vst v63  }
0x1b1: {  	v0 =	vld [tilespmem:$0x2A0];
	_ =	sdelay $0x7  }
0x1b2: {  	[tilespmem:s19], [sflag:$0x4] =	stream.indirect_vreg.gather [spmem:s3], $0x10, v0, vm0, $0xb8;
	[tilespmem:$0x1D4C0] =	vst v63  }
0x1b3: {  	v0 =	vld [tilespmem:$0x2B0];
	_ =	sdelay $0x7  }
0x1b4: {  	[tilespmem:s20], [sflag:$0x4] =	stream.indirect_vreg.gather [spmem:s3], $0x10, v0, vm0, $0xb8;
	[tilespmem:$0x1D4C0] =	vst v63  }
0x1b5: {  	v0 =	vld [tilespmem:$0x2C0];
	_ =	sdelay $0x7  }
0x1b6: {  	[tilespmem:s24], [sflag:$0x4] =	stream.indirect_vreg.gather [spmem:s3], $0x10, v0, vm0, $0xb8;
	[tilespmem:$0x1D4C0] =	vst v63  }
0x1b7: {  	v0 =	vld [tilespmem:$0x2D0];
	_ =	sdelay $0x7  }
0x1b8: {  	[tilespmem:s25], [sflag:$0x4] =	stream.indirect_vreg.gather [spmem:s3], $0x10, v0, vm0, $0xb8;
	[tilespmem:$0x1D4C0] =	vst v63  }
0x1b9: {  	v0 =	vld [tilespmem:$0x2E0];
	_ =	sdelay $0x7  }
0x1ba: {  	[tilespmem:s29], [sflag:$0x4] =	stream.indirect_vreg.gather [spmem:s3], $0x10, v0, vm0, $0xb8;
	[tilespmem:$0x1D4C0] =	vst v63  }
0x1bb: {  	v0 =	vld [tilespmem:$0x2F0];
	_ =	sdelay $0x7  }
0x1bc: {  	[tilespmem:s30], [sflag:$0x4] =	stream.indirect_vreg.gather [spmem:s3], $0x10, v0, vm0, $0xb8;
	[tilespmem:$0x1D4C0] =	vst v63  }
0x1bd: {  	v0 =	vld [tilespmem:$0x300];
	_ =	sdelay $0x7  }
0x1be: {  	[tilespmem:s31], [sflag:$0x4] =	stream.indirect_vreg.gather [spmem:s3], $0x10, v0, vm0, $0xb8;
	[tilespmem:$0x1D4C0] =	vst v63  }
0x1bf: {  	v0 =	vld [tilespmem:$0x310];
	_ =	sdelay $0x3  }
.Ltmp8:
0x1c0: {  	_ = 	snop;
	(pc) =	sbr.rel .LBB2_10-.Ltmp8, $2  }
0x1c1: {  	_ =	sdelay $0x2  }
0x1c2: {  	[tilespmem:s0], [sflag:$0x4] =	stream.indirect_vreg.gather [spmem:s3], $0x10, v0, vm0, $0xb8;
	[tilespmem:$0x1D4C0] =	vst v63  }
.LBB2_12:
0x1c3: {  	_ =	sfence.sel $0x180000  }
0x1c4: {  	[bflag:$0x0] =	sbarrier.arrive $0xFFFF  }
0x1c5: {  	_ =	strace $0x90000047  }
0x1c6: {  	s0 =	stileid.u32;
	[bflag:$0x2] =	sbarrier.arrive $0xFFFF  }
0x1c7: {  	p0 =	sne.s32 s0, $0x0;
	s0 =	rddreg [dreg:$0x3]  }
0x1c8: {  	s0 =	sadd.s32 @!p0 $0x100000, s0  }
0x1c9: {  	[sflag:s0] =	ssyncadd.tile.s32 @!p0 $0x1;
	_ =	shalt  }
.Lfunc_end2:
_tile_overlayer_lowered:
.L_overlay_start_2:
0x1ca: {  	(tag) =	ssettag $0x2  }
0x1cb: {  	s0 =	rddreg [dreg:$0x0];
	s2 =	stileid.u32  }
0x1cc: {  	s1 =	rddreg [dreg:$0x1];
	p0 =	sne.s32 s2, $0x0  }
0x1cd: {  	s3 =	rddreg [dreg:$0x2];
	[bflag:$0x3] =	sbarrier.arrive $0xFFFF;
	s2 =	simm.s32 @!p0 $0x1C08  }
0x1ce: {  	[timem:s3], [sflag:s2] =	dma.local @!p0 [hbm:s0], s1  }
0x1cf: {  	s0 =	simm.s32 @!p0 $0x8  }
0x1d0: {  	_ =	swait.ge @!p0 [sflag:s0], s1  }
0x1d1: {  	s1 =	ssub.s32 @!p0 $0x0, s1;
	[sflag:s0] =	ssyncset.done @!p0 $0x0  }
0x1d2: {  	[sflag:s0] =	ssyncadd.s32 @!p0 s1  }
0x1d3: {  	[bflag:$0x3] =	sbarrier.arrive $0xFFFF  }
0x1d4: {  	_ =	shalt  }

// kernel: sparse-core-data-format-call.cloned.1.call-start
scs
called_computation_lowered:
.L_overlay_start_0:
0x0: {  	s2 =	sld [smem:$0x3FD9]  }
0x1: {  	s3 =	sld [smem:$0x3FFE];
	_ =	sdelay $0x1  }
0x2: {  	s1 =	srdreg.scid  }
0x3: {  	s0 =	sand.u32 $0x1, s1  }
0x4: {  	s18 =	sshll.u32 s0, $0xA;
	s2 =	sadd.s32 s3, s2  }
0x5: {  	s2 =	sadd.s32 s2, s18  }
0x6: {  	[smem:$0x3FC6] =	sst s2  }
0x7: {  	_ = 	snop  }
0x8: {  	s2 =	sld [smem:$0x3FD0];
	(tm) =	ssettm $0x1  }
0x9: {  	s19 =	sld [smem:$0x3FFB];
	_ =	sdelay $0x3  }
0xa: {  	_ =	strace s19  }
0xb: {  	s3 =	sld [smem:$0x3FFC];
	_ =	sdelay $0x3  }
0xc: {  	_ =	strace s3  }
0xd: {  	s3 =	sld [smem:$0x3FFD];
	_ =	sdelay $0x3  }
0xe: {  	_ =	strace s3  }
0xf: {  	_ =	strace $0x8FFFFFFF  }
0x10: {  	s20 =	sld [smem:$0x3FDB];
	_ =	sdelay $0x1  }
0x11: {  	s4 =	simm.s32 $_scs_section_size  }
0x12: {  	s5 =	simm.s32 $_size__tile_overlayer_lowered;
	s6 =	simm.s32 $_tile_overlayer_lowered  }
0x13: {  	s23 =	simm.s32 $0x1BFF;
	s22 =	sshll.u32 s6, $0x1;
	s3 =	sadd.s32 s4, s20  }
0x14: {  	s7 =	simm.s32 $0x0;
	s21 =	sshll.u32 s5, $0x1;
	s5 =	sadd.s32 s22, s3  }
0x15: {  	[timem:s7], [sflag:s23] =	dma.local [hbm:s5], s21  }
0x16: {  	_ =	swait.ge [sflag:s23], s21  }
0x17: {  	s4 =	ssub.s32 $0x0, s21;
	[sflag:s23] =	ssyncset.done $0x0  }
0x18: {  	[sflag:s23] =	ssyncadd.s32 s4;
	_ =	sdelay $0x1  }
0x19: {  	s24 =	simm.s32 $0x1B8B  }
0x1a: {  	_ =	swait.ge [sflag:s24], $0x1  }
0x1b: {  	[sflag:s24] =	ssyncset.done $0x0  }
0x1c: {  	s26 =	simm.s32 $0x1B8E;
	s25 =	sld [smem:$0x3FFE];
	[sflag:s24] =	ssyncadd.s32 $0xFFFFFFFF  }
0x1d: {  	s27 =	simm.s32 $execute0_lowered;
	[smem:$0x3FD2] =	sst s26  }
0x1e: {  	s5 =	sshll.u32 s27, $0x1;
	_ =	strace $0x80000049;
	[dreg:$0x1] =	wrdreg $0xFFFFFFFF  }
0x1f: {  	s28 =	simm.s32 $_size_execute0_lowered;
	s3 =	sadd.s32 s3, s5;
	[dreg:$0x0] =	wrdreg $0x0  }
0x20: {  	s5 =	sshll.u32 s28, $0x1;
	[dreg:$0x2] =	wrdreg s3  }
0x21: {  	[dreg:$0x3] =	wrdreg s5  }
0x22: {  	[dreg:$0x4] =	wrdreg $0xC0  }
0x23: {  	_ =	task [dreg:s7], $0x5FFFF  }
0x24: {  	[dreg:$0x1] =	wrdreg $0xFFFFFFFF  }
0x25: {  	[dreg:$0x0] =	wrdreg $0x60  }
0x26: {  	[dreg:$0x2] =	wrdreg s25  }
0x27: {  	[dreg:$0x3] =	wrdreg s2  }
0x28: {  	[dreg:$0x4] =	wrdreg $0x9  }
0x29: {  	_ =	task.clear_ibuf [dreg:s7], $0x5FFFF;
	_ =	strace $0x90000049  }
0x2a: {  	s29 =	simm.s32 $0x9;
	_ =	strace $0x8000004B  }
0x2b: {  	_ =	swait.ge [sflag:s29], $0x1  }
0x2c: {  	[sflag:s29] =	ssyncadd.s32 $0xFFFFFFFF  }
0x2d: {  	_ =	strace $0x9000004B  }
0x2e: {  	_ =	sfence  }
0x2f: {  	s30 =	sld [smem:$0x0];
	_ =	sdelay $0x2  }
0x30: {  	s31 =	sshll.u32 s1, $0xD;
	s1 =	sshrl.u32 s1, $0x2  }
0x31: {  	s3 =	sand.u32 $0x4000, s31;
	s1 =	sadd.s32 s1, s30  }
0x32: {  	s0 =	sor.u32 s3, s0;
	s1 =	sshll.u32 s1, $0x11  }
0x33: {  	s0 =	sor.u32 s1, s0  }
0x34: {  	s0 =	sadd.s32 $0x8F2B, s0  }
0x35: {  	[sflag:s0] =	ssyncadd.remote.s32 $0x1  }
0x36: {  	_ =	sfence.sel $0xFFFF  }
0x37: {  	[dreg:$0x0] =	wrdreg $0xFFFFFFFF;
	(pc) =	sbr.abs _section_cstart, $3  }
0x38: {  	[dreg:$0x1] =	wrdreg $0xFFFFFFFF  }
0x39: {  	_ =	task.clear_ibuf [dreg:s7], $0x2FFFF;
	_ =	strace $0x9FFFFFFF  }
0x3a: {  	(tm) =	ssettm $0x7FFFFFFF  }
0x3b: {  	_ =	shalt  }
tec
execute0_lowered:
.L_overlay_start_1:
0x0: {  	(tag) =	ssettag $0x1  }
0x1: {  	s0 =	srdreg.scid  }
0x2: {  	s1 =	sshll.u32 s0, $0x4  }
0x3: {  	s0 =	stileid.u32;
	s1 =	sand.u32 $0x10, s1  }
0x4: {  	s1 =	sor.u32 s0, s1  }
0x5: {  	s6 =	rddreg [dreg:$0x0];
	s4 =	simm.s32 $0x1;
	s2 =	sshll.u32 s1, $0x7  }
0x6: {  	s7 =	simm.s32 $0x2;
	s12 =	simm.s32 $0x0;
	s1 =	ssub.s32 $0x1000, s2  }
0x7: {  	s8 =	simm.s32 $0x8000;
	s13 =	simm.s32 $0x0;
	s3 =	sand.u32 $0xF80, s1  }
0x8: {  	s9 =	simm.s32 $0x0;
	s5 =	sshrl.u32 s1, $0xC;
	p0 =	sne.s32 s3, $0x0  }
.Ltmp0:
0x9: {  	s1 =	rddreg [dreg:$0x2];
	s4 =	simm.s32 @!p0 $0x0;
	(pc) =	sbr.rel .LBB1_1-.Ltmp0, $4  }
0xa: {  	s11 =	simm.s32 $0x0;
	s3 =	rddreg [dreg:$0x1];
	s5 =	sadd.s32 s4, s5  }
0xb: {  	_ =	strace $0x8000004A;
	s4 =	simm.s32 $0x1;
	s5 =	smul.u32 $0xC8, s5  }
0xc: {  	s6 =	sadd.s32 $0x1000, s6;
	s10 =	smov.u32 s2;
	[sflag:s4] =	ssyncpa.u1 $0x0  }
0xd: {  	p0 =	por $0x0, $0x0;
	[sflag:s7] =	ssyncpa.u1 $0x0;
	s7 =	sor.u32 $0x1, s5  }
.LBB1_4:
0xe: {  	s16 =	sshll.u32 s13, $0x3;
	s17 =	sand.u32 $0x78, s13  }
0xf: {  	s30 =	sand.u32 $0x1E00, s13;
	s12 =	sshll.u32 s12, $0xD;
	s16 =	sand.u32 $0xC00, s16  }
0x10: {  	s31 =	sand.u32 $0x7, s13;
	s16 =	sor.u32 s17, s16;
	s17 =	sadd.s32 s3, s30  }
0x11: {  	s13 =	sshll.u32 s31, $0x12;
	s16 =	sshrl.u32 s16, $0x3;
	s12 =	sadd.s32 s12, s17  }
0x12: {  	[tilespmem:s15+$0x0 ss:$0x81] =	vst.msk $0xffff, v1;
	s13 =	sor.u32 $0x400, s13;
	s12 =	sadd.s32 s16, s12  }
0x13: {  	[hbm4b:s12+s13] =	stream.strided.scatter [tilespmem:s14], [sflag:$0x2], $0x800, s8, s13, $0x20;
	[tilespmem:$0x2020] =	vst v63  }
.LBB1_5:
0x14: {  	s14 =	sadd.s32 $0x1, s9  }
0x15: {  	s12 =	sadd.s32 $0x1000, s10;
	s16 =	smov.u32 s10;
	p2 =	sgt.s32 s14, $0xC7  }
0x16: {  	s16 =	smov.u32 @p2 s12  }
0x17: {  	s14 =	simm.s32 @p2 $0x0;
	p2 =	sgt.s32 s16, $0xFFF  }
0x18: {  	s16 =	smov.u32 @p2 s2;
	p2 =	sne.s32 s11, s7  }
.Ltmp1:
0x19: {  	p1 =	slt.u32 s11, $0x2;
	(pc) =	sbr.rel @!p2 .LBB1_6-.Ltmp1, $4  }
0x1a: {  	s15 =	simm.s32 @!p1 $0x2  }
0x1b: {  	s13 =	smov.u32 s10;
	p0 =	por !p0, !p0;
	_ =	swait.ge @!p1 [sflag:s15], $0x800  }
0x1c: {  	s12 =	smov.u32 s9;
	[sflag:s15] =	ssyncset.done @!p1 $0x0;
	s9 =	smov.u32 s14  }
0x1d: {  	s11 =	sadd.s32 $0x1, s11;
	[sflag:s15] =	ssyncadd.s32 @!p1 $0xFFFFF800;
	s10 =	smov.u32 s16  }
.LBB1_1:
0x1e: {  	p1 =	sge.u32 s11, s5  }
0x1f: {  	s14 =	sand.u32 @!p1 $0x1FFFFFF, s9  }
0x20: {  	s15 =	smulhi.u32 @!p1 $0x147AE15, s14;
	_ =	sdelay $0x1  }
0x21: {  	s15 =	smul.u32 @!p1 $0xC8, s15  }
0x22: {  	s16 =	sxor.u32 @!p1 $0xFFFFFFFF, s11;
	s17 =	smul.u32 @!p1 $0xC80, s10  }
0x23: {  	s31 =	sadd.s32 $0xFFFFFFFF, s11;
	s16 =	sshll.u32 @!p1 s16, $0xB;
	s14 =	ssub.s32 @!p1 s14, s15  }
0x24: {  	s15 =	sand.u32 @!p1 $0x800, s16;
	s16 =	sadd.s32 @!p1 s6, s17;
	s14 =	sshll.u32 @!p1 s14, $0x4  }
0x25: {  	s17 =	simm.s32 @!p1 $0x6400;
	s14 =	sadd.s32 @!p1 s14, s16;
	s16 =	simm.s32 @!p1 $0x10  }
0x26: {  	[tilespmem:s15], [sflag:$0x1] =	stream.strided.gather @!p1 [hbm4b:s14+s16], $0x800, s17, s16, $0x38;
	[tilespmem:$0x2020] =	vst v63  }
0x27: {  	p1 =	sge.u32 s31, s5  }
.Ltmp2:
0x28: {  	_ = 	snop;
	(pc) =	sbr.rel @p1 .LBB1_5-.Ltmp2, $1  }
0x29: {  	_ =	sdelay $0x3  }
0x2a: {  	s14 =	simm.s32 $0x1  }
0x2b: {  	s14 =	simm.s32 @!p0 $0x0  }
0x2c: {  	s15 =	sshll.u32 s14, $0xB  }
0x2d: {  	v0 =	vmov s15;
	_ =	sdelay $0x1  }
0x2e: {  	_ =	swait.ge [sflag:s4], $0x800  }
0x2f: {  	s31 =	sand.u32 $0x1, s11;
	[sflag:s4] =	ssyncset.done $0x0  }
0x30: {  	s17 =	simm.s32 $0x0;
	s14 =	smul.u32 $0x2040, s14;
	[sflag:s4] =	ssyncadd.s32 $0xFFFFF800  }
0x31: {  	s15 =	smul.u32 $0x2040, s31;
	v1 =	vld.idx.msk [tilespmem:v0+s17+$0x0 ss:$0x1], $0xffff;
	_ =	sdelay $0x1  }
0x32: {  	s14 =	sshrl.u32 s14, $0x2;
	s16 =	sshrl.u32 s15, $0x2  }
0x33: {  	s15 =	sor.u32 $0x1000, s14;
	s14 =	sor.u32 $0x1000, s16;
	s16 =	simm.s32 $0x40  }
.LBB1_3:
0x34: {  	s17 =	sshra.s32 s16, $0x2;
	p1 =	sne.s32 s16, $0x1FC0;
	s16 =	sadd.s32 $0x40, s16  }
.Ltmp3:
0x35: {  	[tilespmem:s15+$0x0 ss:$0x81] =	vst.msk $0xffff, v1;
	v1 =	vld.idx.msk [tilespmem:v0+s17+$0x0 ss:$0x1], $0xffff;
	(pc) =	sbr.rel @p1 .LBB1_3-.Ltmp3, $2  }
0x36: {  	_ =	sdelay $0x2  }
0x37: {  	s15 =	sadd.s32 $0x1, s15  }
.Ltmp4:
0x38: {  	_ = 	snop;
	(pc) =	sbr.rel .LBB1_4-.Ltmp4, $1  }
0x39: {  	_ =	sdelay $0x3  }
.LBB1_6:
0x3a: {  	_ =	sfence.sel $0x180000  }
0x3b: {  	s2 =	simm.s32 $0x1;
	[bflag:$0x0] =	sbarrier.arrive $0xFFFF  }
0x3c: {  	s31 =	simm.s32 $0x2;
	[sflag:s2] =	ssyncpa.u1 $0x1  }
0x3d: {  	[sflag:s31] =	ssyncpa.u1 $0x1  }
0x3e: {  	p0 =	sne.s32 s0, $0x0;
	_ =	strace $0x9000004A  }
0x3f: {  	s0 =	sadd.s32 @!p0 $0x100000, s1;
	[bflag:$0x2] =	sbarrier.arrive $0xFFFF  }
0x40: {  	[sflag:s0] =	ssyncadd.tile.s32 @!p0 $0x1;
	_ =	shalt  }
.Lfunc_end1:
_tile_overlayer_lowered:
.L_overlay_start_2:
0x41: {  	(tag) =	ssettag $0x2  }
0x42: {  	s0 =	rddreg [dreg:$0x0];
	s2 =	stileid.u32  }
0x43: {  	s1 =	rddreg [dreg:$0x1];
	p0 =	sne.s32 s2, $0x0  }
0x44: {  	s3 =	rddreg [dreg:$0x2];
	[bflag:$0x3] =	sbarrier.arrive $0xFFFF;
	s2 =	simm.s32 @!p0 $0x1C01  }
0x45: {  	[timem:s3], [sflag:s2] =	dma.local @!p0 [hbm:s0], s1  }
0x46: {  	s0 =	simm.s32 @!p0 $0x1  }
0x47: {  	_ =	swait.ge @!p0 [sflag:s0], s1  }
0x48: {  	s1 =	ssub.s32 @!p0 $0x0, s1;
	[sflag:s0] =	ssyncset.done @!p0 $0x0  }
0x49: {  	[sflag:s0] =	ssyncadd.s32 @!p0 s1  }
0x4a: {  	[bflag:$0x3] =	sbarrier.arrive $0xFFFF  }
0x4b: {  	_ =	shalt  }

</sc_bundles>
